<compile_context>
chip_gen: v7x
topology: tpu7x:2x2x1
jax: 0.10.2.dev20260603
libtpu: 0.0.44.dev20260713+nightly
codegen_flags: <defaults>
</compile_context>

<pallas_src>
import jax
import jax.numpy as jnp
from jax import lax
from jax.experimental import pallas as pl
from jax.experimental.pallas import tpu as pltpu
from jax.experimental.pallas import tpu_sc as plsc

N_ROWS = 1000000
N_FACTORS = 32
BATCH = 16384
NUM_CORES = 2
NUM_SUBCORES = 16
NUM_WORKERS = NUM_CORES * NUM_SUBCORES
PAIRS_PER_WORKER = BATCH // NUM_WORKERS
LANES = 16
TILE_W = 128
N_SLOTS = 8
GROUPS = PAIRS_PER_WORKER // LANES


def _fire(table_hbm, col0, slot_ref, sem):
    c0 = pl.multiple_of(col0, TILE_W)
    pltpu.async_copy(table_hbm.at[:, pl.ds(c0, TILE_W)], slot_ref, sem)


def _drain(table_hbm, slot_ref, sem):
    pltpu.make_async_copy(
        table_hbm.at[:, pl.ds(0, TILE_W)], slot_ref, sem).wait()


def _body(dataT_hbm, uf_hbm, if_hbm, out_hbm,
          ids_v, ublk_v, iblk_v, out_v,
          sem0, sem1, sem2, sem3, sem4, sem5, sem6, sem7):
    sems = [sem0, sem1, sem2, sem3, sem4, sem5, sem6, sem7]
    wid = lax.axis_index("s") * NUM_CORES + lax.axis_index("c")
    base = wid * PAIRS_PER_WORKER
    lane = lax.iota(jnp.int32, LANES)

    pltpu.sync_copy(dataT_hbm.at[:, pl.ds(base, PAIRS_PER_WORKER)], ids_v)

    u16_0 = ids_v[0, pl.ds(0, LANES)]
    i16_0 = ids_v[1, pl.ds(0, LANES)]
    uc0_0 = (u16_0 >> 7) << 7
    ic0_0 = (i16_0 >> 7) << 7
    for s in range(N_SLOTS):
        _fire(uf_hbm, uc0_0[s], ublk_v.at[s], sems[s])
        _fire(if_hbm, ic0_0[s], iblk_v.at[s], sems[s])

    def group(g, carry):
        pair0 = g * LANES
        u16 = ids_v[0, pl.ds(pair0, LANES)]
        i16 = ids_v[1, pl.ds(pair0, LANES)]
        gn = (g + 1) & (GROUPS - 1)
        u16n = ids_v[0, pl.ds(gn * LANES, LANES)]
        i16n = ids_v[1, pl.ds(gn * LANES, LANES)]
        cu = u16 & 127
        ci = i16 & 127
        uc0 = (u16 >> 7) << 7
        ic0 = (i16 >> 7) << 7
        uc0n = (u16n >> 7) << 7
        ic0n = (i16n >> 7) << 7
        one = jnp.full((LANES,), 1, jnp.int32)
        res = jnp.zeros((LANES,), jnp.float32)
        for j in range(LANES):
            s = j % N_SLOTS
            sv = one * s
            _drain(uf_hbm, ublk_v.at[s], sems[s])
            _drain(if_hbm, iblk_v.at[s], sems[s])
            cuv = one * cu[j]
            civ = one * ci[j]
            ulo = plsc.load_gather(ublk_v, [sv, lane, cuv])
            uhi = plsc.load_gather(ublk_v, [sv, lane + LANES, cuv])
            ilo = plsc.load_gather(iblk_v, [sv, lane, civ])
            ihi = plsc.load_gather(iblk_v, [sv, lane + LANES, civ])
            prod = ulo * ilo + uhi * ihi
            d = lax.reduce_sum(prod, axes=(0,))
            res = jnp.where(lane == j, d, res)
            if j < N_SLOTS:
                _fire(uf_hbm, uc0[j + N_SLOTS], ublk_v.at[s], sems[s])
                _fire(if_hbm, ic0[j + N_SLOTS], iblk_v.at[s], sems[s])
            else:
                _fire(uf_hbm, uc0n[j - N_SLOTS], ublk_v.at[s], sems[s])
                _fire(if_hbm, ic0n[j - N_SLOTS], iblk_v.at[s], sems[s])
        out_v[pl.ds(pair0, LANES)] = res
        return carry

    lax.fori_loop(0, GROUPS, group, 0)

    for s in range(N_SLOTS):
        _drain(uf_hbm, ublk_v.at[s], sems[s])
        _drain(if_hbm, iblk_v.at[s], sems[s])

    pltpu.sync_copy(out_v, out_hbm.at[pl.ds(base, PAIRS_PER_WORKER)])


@jax.jit
def kernel(data, user_factors, item_factors):
    mesh = plsc.VectorSubcoreMesh(
        core_axis_name="c", subcore_axis_name="s",
        num_cores=NUM_CORES, num_subcores=NUM_SUBCORES)
    run = pl.kernel(
        _body,
        jax.ShapeDtypeStruct((BATCH,), jnp.float32),
        mesh=mesh,
        compiler_params=pltpu.CompilerParams(needs_layout_passes=False),
        scratch_types=[
            pltpu.VMEM((2, PAIRS_PER_WORKER), jnp.int32),
            pltpu.VMEM((N_SLOTS, N_FACTORS, TILE_W), jnp.float32),
            pltpu.VMEM((N_SLOTS, N_FACTORS, TILE_W), jnp.float32),
            pltpu.VMEM((PAIRS_PER_WORKER,), jnp.float32),
        ] + [pltpu.SemaphoreType.DMA] * N_SLOTS,
    )
    return run(data.T.astype(jnp.int32), user_factors.T, item_factors.T)

# --- scband reference (transcript-rebuilt; emitter-appended) ---
"""Pipeline reference for scband-matrix-factorization-3710851743752 (READ-ONLY COPY).

The authoritative reference and input builder live on the scoring server;
editing this copy changes nothing except your own understanding.
"""

import jax, jax.numpy as jnp
import numpy as np

N_USERS = 1000000
N_ITEMS = 1000000
N_FACTORS = 32
BATCH = 16384

def setup_inputs(seed: int = 0) -> dict:
    key = jax.random.key(seed)
    k_data, k_u, k_i = jax.random.split(key, 3)
    data = jax.random.randint(k_data, (BATCH, 2), 0, N_USERS, dtype=jnp.int64) if jax.config.jax_enable_x64 else jax.random.randint(k_data, (BATCH, 2), 0, N_USERS, dtype=jnp.int32)
    user_factors = jax.random.uniform(k_u, (N_USERS, N_FACTORS), dtype=jnp.float32, minval=0.0, maxval=0.05)
    item_factors = jax.random.uniform(k_i, (N_ITEMS, N_FACTORS), dtype=jnp.float32, minval=0.0, maxval=0.05)
    return {"data": data, "user_factors": user_factors, "item_factors": item_factors}

def reference(data, user_factors, item_factors):
    users = data[:, 0]
    items = data[:, 1]
    u = jnp.take(user_factors, users, axis=0)
    v = jnp.take(item_factors, items, axis=0)
    return (u * v).sum(axis=1)

if __name__ == "__main__":
    import jax
    _d = setup_inputs()
    print(jax.jit(kernel)(*tuple(_d.values())))

</pallas_src>

<mosaic_0001>
#map = affine_map<(d0, d1) -> (0, 0)>
#map1 = affine_map<(d0, d1) -> (0)>
module attributes {stable_mosaic.version = 14 : i64} {
  func.func @_body(%arg0: i32, %arg1: i32, %arg2: memref<2x16384xi32, #tpu.memory_space<hbm>>, %arg3: memref<32x1000000xf32, #tpu.memory_space<hbm>>, %arg4: memref<32x1000000xf32, #tpu.memory_space<hbm>>, %arg5: memref<16384xf32, #tpu.memory_space<hbm>>, %arg6: memref<2x512xi32, #tpu.memory_space<vmem>>, %arg7: memref<8x32x128xf32, #tpu.memory_space<vmem>>, %arg8: memref<8x32x128xf32, #tpu.memory_space<vmem>>, %arg9: memref<512xf32, #tpu.memory_space<vmem>>, %arg10: memref<!tpu.dma_semaphore, #tpu.memory_space<semaphore_mem>>, %arg11: memref<!tpu.dma_semaphore, #tpu.memory_space<semaphore_mem>>, %arg12: memref<!tpu.dma_semaphore, #tpu.memory_space<semaphore_mem>>, %arg13: memref<!tpu.dma_semaphore, #tpu.memory_space<semaphore_mem>>, %arg14: memref<!tpu.dma_semaphore, #tpu.memory_space<semaphore_mem>>, %arg15: memref<!tpu.dma_semaphore, #tpu.memory_space<semaphore_mem>>, %arg16: memref<!tpu.dma_semaphore, #tpu.memory_space<semaphore_mem>>, %arg17: memref<!tpu.dma_semaphore, #tpu.memory_space<semaphore_mem>>) attributes {dimension_semantics = [#tpu.dimension_semantics<core_parallel>, #tpu.dimension_semantics<subcore_parallel>], iteration_bounds = array<i64: 2, 16>, scalar_prefetch = 0 : i64, scratch_operands = 12 : i64, tpu.core_type = #tpu.core_type<sc_vector_subcore>, window_params = [{transform_indices = #map}, {transform_indices = #map}, {transform_indices = #map}, {transform_indices = #map1}]} {
    %mul3A = arith.constant 2 : i32
    %mul3A_0 = arith.muli %arg1, %mul3A : i32
    %add3A = arith.addi %mul3A_0, %arg0 : i32
    %mul3A_1 = arith.constant 512 : i32
    %mul3A_2 = arith.muli %add3A, %mul3A_1 : i32
    %iota3A = tpu.iota {dimensions = array<i32: 0>} : vector<16xi32>
    "tpu.region"() ({
      %run_scoped3A = tpu.sem_alloc : memref<!tpu.dma_semaphore, #tpu.memory_space<semaphore_mem>>
      %dma_start3A_516 = arith.constant 0 : i32
      %dma_start3A_517 = tpu.memref_slice %arg2[%dma_start3A_516, %mul3A_2] : memref<2x16384xi32, #tpu.memory_space<hbm>> -> memref<2x512xi32, #tpu.memory_space<hbm>>
      %dma_start3A_518 = arith.constant 0 : i32
      %dma_start3A_519 = tpu.memref_slice %arg2[%dma_start3A_518, %mul3A_2] : memref<2x16384xi32, #tpu.memory_space<hbm>> -> memref<2x512xi32, #tpu.memory_space<hbm>>
      tpu.enqueue_dma source(%dma_start3A_519 : memref<2x512xi32, #tpu.memory_space<hbm>>) target(%arg6 : memref<2x512xi32, #tpu.memory_space<vmem>>) target_semaphore(%run_scoped3A : memref<!tpu.dma_semaphore, #tpu.memory_space<semaphore_mem>>)
      %dma_wait3A_520 = arith.constant 0 : i32
      %dma_wait3A_521 = tpu.memref_slice %arg2[%dma_wait3A_520, %mul3A_2] : memref<2x16384xi32, #tpu.memory_space<hbm>> -> memref<2x512xi32, #tpu.memory_space<hbm>>
      %dma_wait3A_522 = arith.constant 0 : i32
      %dma_wait3A_523 = tpu.memref_slice %arg2[%dma_wait3A_522, %mul3A_2] : memref<2x16384xi32, #tpu.memory_space<hbm>> -> memref<2x512xi32, #tpu.memory_space<hbm>>
      tpu.wait_dma2 semaphore(%run_scoped3A : memref<!tpu.dma_semaphore, #tpu.memory_space<semaphore_mem>>) src(%dma_wait3A_523 : memref<2x512xi32, #tpu.memory_space<hbm>>) dst(%arg6 : memref<2x512xi32, #tpu.memory_space<vmem>>)
      tpu.yield
    }) : () -> ()
    %get3A = arith.constant 0 : i32
    %get3A_3 = arith.index_cast %get3A : i32 to index
    %get3A_4 = arith.constant 0 : index
    %get3A_5 = tpu.vector_load %arg6[%get3A_3, %get3A_4] {strides = array<i32>} : memref<2x512xi32, #tpu.memory_space<vmem>>, vector<16xi32>,
    %get3A_6 = arith.constant 1 : i32
    %get3A_7 = arith.index_cast %get3A_6 : i32 to index
    %get3A_8 = arith.constant 0 : index
    %get3A_9 = tpu.vector_load %arg6[%get3A_7, %get3A_8] {strides = array<i32>} : memref<2x512xi32, #tpu.memory_space<vmem>>, vector<16xi32>,
    %shift_right_arithmetic3A = arith.constant 7 : i32
    %shift_right_arithmetic3A_10 = vector.broadcast %shift_right_arithmetic3A : i32 to vector<16xi32>
    %shift_right_arithmetic3A_11 = arith.shrsi %get3A_5, %shift_right_arithmetic3A_10 : vector<16xi32>
    %shift_left3A = arith.constant 7 : i32
    %shift_left3A_12 = vector.broadcast %shift_left3A : i32 to vector<16xi32>
    %shift_left3A_13 = arith.shli %shift_right_arithmetic3A_11, %shift_left3A_12 : vector<16xi32>
    %shift_right_arithmetic3A_14 = arith.constant 7 : i32
    %shift_right_arithmetic3A_15 = vector.broadcast %shift_right_arithmetic3A_14 : i32 to vector<16xi32>
    %shift_right_arithmetic3A_16 = arith.shrsi %get3A_9, %shift_right_arithmetic3A_15 : vector<16xi32>
    %shift_left3A_17 = arith.constant 7 : i32
    %shift_left3A_18 = vector.broadcast %shift_left3A_17 : i32 to vector<16xi32>
    %shift_left3A_19 = arith.shli %shift_right_arithmetic3A_16, %shift_left3A_18 : vector<16xi32>
    %slice3A = vector.extract_strided_slice %shift_left3A_13 {offsets = [0], sizes = [1], strides = [1]} : vector<16xi32> to vector<1xi32>
    %squeeze3A = vector.extract %slice3A[0] : i32 from vector<1xi32>
    %multiple_of3A = tpu.assume_multiple %squeeze3A, 128 : i32
    %dma_start3A = arith.constant 0 : i32
    %dma_start3A_20 = arith.constant 0 : i32
    %dma_start3A_21 = arith.constant 0 : i32
    %dma_start3A_22 = tpu.memref_slice %arg7[%dma_start3A, %dma_start3A_20, %dma_start3A_21] : memref<8x32x128xf32, #tpu.memory_space<vmem>> -> memref<1x32x128xf32, #tpu.memory_space<vmem>>
    %dma_start3A_23 = tpu.memref_squeeze %dma_start3A_22 : memref<1x32x128xf32, #tpu.memory_space<vmem>> -> memref<32x128xf32, #tpu.memory_space<vmem>>
    %dma_start3A_24 = arith.constant 0 : i32
    %dma_start3A_25 = tpu.memref_slice %arg3[%dma_start3A_24, %multiple_of3A] : memref<32x1000000xf32, #tpu.memory_space<hbm>> -> memref<32x128xf32, #tpu.memory_space<hbm>>
    %dma_start3A_26 = arith.constant 0 : i32
    %dma_start3A_27 = arith.constant 0 : i32
    %dma_start3A_28 = tpu.memref_slice %arg7[%dma_start3A, %dma_start3A_26, %dma_start3A_27] : memref<8x32x128xf32, #tpu.memory_space<vmem>> -> memref<1x32x128xf32, #tpu.memory_space<vmem>>
    %dma_start3A_29 = tpu.memref_squeeze %dma_start3A_28 : memref<1x32x128xf32, #tpu.memory_space<vmem>> -> memref<32x128xf32, #tpu.memory_space<vmem>>
    %dma_start3A_30 = arith.constant 0 : i32
    %dma_start3A_31 = tpu.memref_slice %arg3[%dma_start3A_30, %multiple_of3A] : memref<32x1000000xf32, #tpu.memory_space<hbm>> -> memref<32x128xf32, #tpu.memory_space<hbm>>
    tpu.enqueue_dma source(%dma_start3A_31 : memref<32x128xf32, #tpu.memory_space<hbm>>) target(%dma_start3A_29 : memref<32x128xf32, #tpu.memory_space<vmem>>) target_semaphore(%arg10 : memref<!tpu.dma_semaphore, #tpu.memory_space<semaphore_mem>>)
    %slice3A_32 = vector.extract_strided_slice %shift_left3A_19 {offsets = [0], sizes = [1], strides = [1]} : vector<16xi32> to vector<1xi32>
    %squeeze3A_33 = vector.extract %slice3A_32[0] : i32 from vector<1xi32>
    %multiple_of3A_34 = tpu.assume_multiple %squeeze3A_33, 128 : i32
    %dma_start3A_35 = arith.constant 0 : i32
    %dma_start3A_36 = arith.constant 0 : i32
    %dma_start3A_37 = arith.constant 0 : i32
    %dma_start3A_38 = tpu.memref_slice %arg8[%dma_start3A_35, %dma_start3A_36, %dma_start3A_37] : memref<8x32x128xf32, #tpu.memory_space<vmem>> -> memref<1x32x128xf32, #tpu.memory_space<vmem>>
    %dma_start3A_39 = tpu.memref_squeeze %dma_start3A_38 : memref<1x32x128xf32, #tpu.memory_space<vmem>> -> memref<32x128xf32, #tpu.memory_space<vmem>>
    %dma_start3A_40 = arith.constant 0 : i32
    %dma_start3A_41 = tpu.memref_slice %arg4[%dma_start3A_40, %multiple_of3A_34] : memref<32x1000000xf32, #tpu.memory_space<hbm>> -> memref<32x128xf32, #tpu.memory_space<hbm>>
    %dma_start3A_42 = arith.constant 0 : i32
    %dma_start3A_43 = arith.constant 0 : i32
    %dma_start3A_44 = tpu.memref_slice %arg8[%dma_start3A_35, %dma_start3A_42, %dma_start3A_43] : memref<8x32x128xf32, #tpu.memory_space<vmem>> -> memref<1x32x128xf32, #tpu.memory_space<vmem>>
    %dma_start3A_45 = tpu.memref_squeeze %dma_start3A_44 : memref<1x32x128xf32, #tpu.memory_space<vmem>> -> memref<32x128xf32, #tpu.memory_space<vmem>>
    %dma_start3A_46 = arith.constant 0 : i32
    %dma_start3A_47 = tpu.memref_slice %arg4[%dma_start3A_46, %multiple_of3A_34] : memref<32x1000000xf32, #tpu.memory_space<hbm>> -> memref<32x128xf32, #tpu.memory_space<hbm>>
    tpu.enqueue_dma source(%dma_start3A_47 : memref<32x128xf32, #tpu.memory_space<hbm>>) target(%dma_start3A_45 : memref<32x128xf32, #tpu.memory_space<vmem>>) target_semaphore(%arg10 : memref<!tpu.dma_semaphore, #tpu.memory_space<semaphore_mem>>)
    %slice3A_48 = vector.extract_strided_slice %shift_left3A_13 {offsets = [1], sizes = [1], strides = [1]} : vector<16xi32> to vector<1xi32>
    %squeeze3A_49 = vector.extract %slice3A_48[0] : i32 from vector<1xi32>
    %multiple_of3A_50 = tpu.assume_multiple %squeeze3A_49, 128 : i32
    %dma_start3A_51 = arith.constant 1 : i32
    %dma_start3A_52 = arith.constant 0 : i32
    %dma_start3A_53 = arith.constant 0 : i32
    %dma_start3A_54 = tpu.memref_slice %arg7[%dma_start3A_51, %dma_start3A_52, %dma_start3A_53] : memref<8x32x128xf32, #tpu.memory_space<vmem>> -> memref<1x32x128xf32, #tpu.memory_space<vmem>>
    %dma_start3A_55 = tpu.memref_squeeze %dma_start3A_54 : memref<1x32x128xf32, #tpu.memory_space<vmem>> -> memref<32x128xf32, #tpu.memory_space<vmem>>
    %dma_start3A_56 = arith.constant 0 : i32
    %dma_start3A_57 = tpu.memref_slice %arg3[%dma_start3A_56, %multiple_of3A_50] : memref<32x1000000xf32, #tpu.memory_space<hbm>> -> memref<32x128xf32, #tpu.memory_space<hbm>>
    %dma_start3A_58 = arith.constant 0 : i32
    %dma_start3A_59 = arith.constant 0 : i32
    %dma_start3A_60 = tpu.memref_slice %arg7[%dma_start3A_51, %dma_start3A_58, %dma_start3A_59] : memref<8x32x128xf32, #tpu.memory_space<vmem>> -> memref<1x32x128xf32, #tpu.memory_space<vmem>>
    %dma_start3A_61 = tpu.memref_squeeze %dma_start3A_60 : memref<1x32x128xf32, #tpu.memory_space<vmem>> -> memref<32x128xf32, #tpu.memory_space<vmem>>
    %dma_start3A_62 = arith.constant 0 : i32
    %dma_start3A_63 = tpu.memref_slice %arg3[%dma_start3A_62, %multiple_of3A_50] : memref<32x1000000xf32, #tpu.memory_space<hbm>> -> memref<32x128xf32, #tpu.memory_space<hbm>>
    tpu.enqueue_dma source(%dma_start3A_63 : memref<32x128xf32, #tpu.memory_space<hbm>>) target(%dma_start3A_61 : memref<32x128xf32, #tpu.memory_space<vmem>>) target_semaphore(%arg11 : memref<!tpu.dma_semaphore, #tpu.memory_space<semaphore_mem>>)
    %slice3A_64 = vector.extract_strided_slice %shift_left3A_19 {offsets = [1], sizes = [1], strides = [1]} : vector<16xi32> to vector<1xi32>
    %squeeze3A_65 = vector.extract %slice3A_64[0] : i32 from vector<1xi32>
    %multiple_of3A_66 = tpu.assume_multiple %squeeze3A_65, 128 : i32
    %dma_start3A_67 = arith.constant 1 : i32
    %dma_start3A_68 = arith.constant 0 : i32
    %dma_start3A_69 = arith.constant 0 : i32
    %dma_start3A_70 = tpu.memref_slice %arg8[%dma_start3A_67, %dma_start3A_68, %dma_start3A_69] : memref<8x32x128xf32, #tpu.memory_space<vmem>> -> memref<1x32x128xf32, #tpu.memory_space<vmem>>
    %dma_start3A_71 = tpu.memref_squeeze %dma_start3A_70 : memref<1x32x128xf32, #tpu.memory_space<vmem>> -> memref<32x128xf32, #tpu.memory_space<vmem>>
    %dma_start3A_72 = arith.constant 0 : i32
    %dma_start3A_73 = tpu.memref_slice %arg4[%dma_start3A_72, %multiple_of3A_66] : memref<32x1000000xf32, #tpu.memory_space<hbm>> -> memref<32x128xf32, #tpu.memory_space<hbm>>
    %dma_start3A_74 = arith.constant 0 : i32
    %dma_start3A_75 = arith.constant 0 : i32
    %dma_start3A_76 = tpu.memref_slice %arg8[%dma_start3A_67, %dma_start3A_74, %dma_start3A_75] : memref<8x32x128xf32, #tpu.memory_space<vmem>> -> memref<1x32x128xf32, #tpu.memory_space<vmem>>
    %dma_start3A_77 = tpu.memref_squeeze %dma_start3A_76 : memref<1x32x128xf32, #tpu.memory_space<vmem>> -> memref<32x128xf32, #tpu.memory_space<vmem>>
    %dma_start3A_78 = arith.constant 0 : i32
    %dma_start3A_79 = tpu.memref_slice %arg4[%dma_start3A_78, %multiple_of3A_66] : memref<32x1000000xf32, #tpu.memory_space<hbm>> -> memref<32x128xf32, #tpu.memory_space<hbm>>
    tpu.enqueue_dma source(%dma_start3A_79 : memref<32x128xf32, #tpu.memory_space<hbm>>) target(%dma_start3A_77 : memref<32x128xf32, #tpu.memory_space<vmem>>) target_semaphore(%arg11 : memref<!tpu.dma_semaphore, #tpu.memory_space<semaphore_mem>>)
    %slice3A_80 = vector.extract_strided_slice %shift_left3A_13 {offsets = [2], sizes = [1], strides = [1]} : vector<16xi32> to vector<1xi32>
    %squeeze3A_81 = vector.extract %slice3A_80[0] : i32 from vector<1xi32>
    %multiple_of3A_82 = tpu.assume_multiple %squeeze3A_81, 128 : i32
    %dma_start3A_83 = arith.constant 2 : i32
    %dma_start3A_84 = arith.constant 0 : i32
    %dma_start3A_85 = arith.constant 0 : i32
    %dma_start3A_86 = tpu.memref_slice %arg7[%dma_start3A_83, %dma_start3A_84, %dma_start3A_85] : memref<8x32x128xf32, #tpu.memory_space<vmem>> -> memref<1x32x128xf32, #tpu.memory_space<vmem>>
    %dma_start3A_87 = tpu.memref_squeeze %dma_start3A_86 : memref<1x32x128xf32, #tpu.memory_space<vmem>> -> memref<32x128xf32, #tpu.memory_space<vmem>>
    %dma_start3A_88 = arith.constant 0 : i32
    %dma_start3A_89 = tpu.memref_slice %arg3[%dma_start3A_88, %multiple_of3A_82] : memref<32x1000000xf32, #tpu.memory_space<hbm>> -> memref<32x128xf32, #tpu.memory_space<hbm>>
    %dma_start3A_90 = arith.constant 0 : i32
    %dma_start3A_91 = arith.constant 0 : i32
    %dma_start3A_92 = tpu.memref_slice %arg7[%dma_start3A_83, %dma_start3A_90, %dma_start3A_91] : memref<8x32x128xf32, #tpu.memory_space<vmem>> -> memref<1x32x128xf32, #tpu.memory_space<vmem>>
    %dma_start3A_93 = tpu.memref_squeeze %dma_start3A_92 : memref<1x32x128xf32, #tpu.memory_space<vmem>> -> memref<32x128xf32, #tpu.memory_space<vmem>>
    %dma_start3A_94 = arith.constant 0 : i32
    %dma_start3A_95 = tpu.memref_slice %arg3[%dma_start3A_94, %multiple_of3A_82] : memref<32x1000000xf32, #tpu.memory_space<hbm>> -> memref<32x128xf32, #tpu.memory_space<hbm>>
    tpu.enqueue_dma source(%dma_start3A_95 : memref<32x128xf32, #tpu.memory_space<hbm>>) target(%dma_start3A_93 : memref<32x128xf32, #tpu.memory_space<vmem>>) target_semaphore(%arg12 : memref<!tpu.dma_semaphore, #tpu.memory_space<semaphore_mem>>)
    %slice3A_96 = vector.extract_strided_slice %shift_left3A_19 {offsets = [2], sizes = [1], strides = [1]} : vector<16xi32> to vector<1xi32>
    %squeeze3A_97 = vector.extract %slice3A_96[0] : i32 from vector<1xi32>
    %multiple_of3A_98 = tpu.assume_multiple %squeeze3A_97, 128 : i32
    %dma_start3A_99 = arith.constant 2 : i32
    %dma_start3A_100 = arith.constant 0 : i32
    %dma_start3A_101 = arith.constant 0 : i32
    %dma_start3A_102 = tpu.memref_slice %arg8[%dma_start3A_99, %dma_start3A_100, %dma_start3A_101] : memref<8x32x128xf32, #tpu.memory_space<vmem>> -> memref<1x32x128xf32, #tpu.memory_space<vmem>>
    %dma_start3A_103 = tpu.memref_squeeze %dma_start3A_102 : memref<1x32x128xf32, #tpu.memory_space<vmem>> -> memref<32x128xf32, #tpu.memory_space<vmem>>
    %dma_start3A_104 = arith.constant 0 : i32
    %dma_start3A_105 = tpu.memref_slice %arg4[%dma_start3A_104, %multiple_of3A_98] : memref<32x1000000xf32, #tpu.memory_space<hbm>> -> memref<32x128xf32, #tpu.memory_space<hbm>>
    %dma_start3A_106 = arith.constant 0 : i32
    %dma_start3A_107 = arith.constant 0 : i32
    %dma_start3A_108 = tpu.memref_slice %arg8[%dma_start3A_99, %dma_start3A_106, %dma_start3A_107] : memref<8x32x128xf32, #tpu.memory_space<vmem>> -> memref<1x32x128xf32, #tpu.memory_space<vmem>>
    %dma_start3A_109 = tpu.memref_squeeze %dma_start3A_108 : memref<1x32x128xf32, #tpu.memory_space<vmem>> -> memref<32x128xf32, #tpu.memory_space<vmem>>
    %dma_start3A_110 = arith.constant 0 : i32
    %dma_start3A_111 = tpu.memref_slice %arg4[%dma_start3A_110, %multiple_of3A_98] : memref<32x1000000xf32, #tpu.memory_space<hbm>> -> memref<32x128xf32, #tpu.memory_space<hbm>>
    tpu.enqueue_dma source(%dma_start3A_111 : memref<32x128xf32, #tpu.memory_space<hbm>>) target(%dma_start3A_109 : memref<32x128xf32, #tpu.memory_space<vmem>>) target_semaphore(%arg12 : memref<!tpu.dma_semaphore, #tpu.memory_space<semaphore_mem>>)
    %slice3A_112 = vector.extract_strided_slice %shift_left3A_13 {offsets = [3], sizes = [1], strides = [1]} : vector<16xi32> to vector<1xi32>
    %squeeze3A_113 = vector.extract %slice3A_112[0] : i32 from vector<1xi32>
    %multiple_of3A_114 = tpu.assume_multiple %squeeze3A_113, 128 : i32
    %dma_start3A_115 = arith.constant 3 : i32
    %dma_start3A_116 = arith.constant 0 : i32
    %dma_start3A_117 = arith.constant 0 : i32
    %dma_start3A_118 = tpu.memref_slice %arg7[%dma_start3A_115, %dma_start3A_116, %dma_start3A_117] : memref<8x32x128xf32, #tpu.memory_space<vmem>> -> memref<1x32x128xf32, #tpu.memory_space<vmem>>
    %dma_start3A_119 = tpu.memref_squeeze %dma_start3A_118 : memref<1x32x128xf32, #tpu.memory_space<vmem>> -> memref<32x128xf32, #tpu.memory_space<vmem>>
    %dma_start3A_120 = arith.constant 0 : i32
    %dma_start3A_121 = tpu.memref_slice %arg3[%dma_start3A_120, %multiple_of3A_114] : memref<32x1000000xf32, #tpu.memory_space<hbm>> -> memref<32x128xf32, #tpu.memory_space<hbm>>
    %dma_start3A_122 = arith.constant 0 : i32
    %dma_start3A_123 = arith.constant 0 : i32
    %dma_start3A_124 = tpu.memref_slice %arg7[%dma_start3A_115, %dma_start3A_122, %dma_start3A_123] : memref<8x32x128xf32, #tpu.memory_space<vmem>> -> memref<1x32x128xf32, #tpu.memory_space<vmem>>
    %dma_start3A_125 = tpu.memref_squeeze %dma_start3A_124 : memref<1x32x128xf32, #tpu.memory_space<vmem>> -> memref<32x128xf32, #tpu.memory_space<vmem>>
    %dma_start3A_126 = arith.constant 0 : i32
    %dma_start3A_127 = tpu.memref_slice %arg3[%dma_start3A_126, %multiple_of3A_114] : memref<32x1000000xf32, #tpu.memory_space<hbm>> -> memref<32x128xf32, #tpu.memory_space<hbm>>
    tpu.enqueue_dma source(%dma_start3A_127 : memref<32x128xf32, #tpu.memory_space<hbm>>) target(%dma_start3A_125 : memref<32x128xf32, #tpu.memory_space<vmem>>) target_semaphore(%arg13 : memref<!tpu.dma_semaphore, #tpu.memory_space<semaphore_mem>>)
    %slice3A_128 = vector.extract_strided_slice %shift_left3A_19 {offsets = [3], sizes = [1], strides = [1]} : vector<16xi32> to vector<1xi32>
    %squeeze3A_129 = vector.extract %slice3A_128[0] : i32 from vector<1xi32>
    %multiple_of3A_130 = tpu.assume_multiple %squeeze3A_129, 128 : i32
    %dma_start3A_131 = arith.constant 3 : i32
    %dma_start3A_132 = arith.constant 0 : i32
    %dma_start3A_133 = arith.constant 0 : i32
    %dma_start3A_134 = tpu.memref_slice %arg8[%dma_start3A_131, %dma_start3A_132, %dma_start3A_133] : memref<8x32x128xf32, #tpu.memory_space<vmem>> -> memref<1x32x128xf32, #tpu.memory_space<vmem>>
    %dma_start3A_135 = tpu.memref_squeeze %dma_start3A_134 : memref<1x32x128xf32, #tpu.memory_space<vmem>> -> memref<32x128xf32, #tpu.memory_space<vmem>>
    %dma_start3A_136 = arith.constant 0 : i32
    %dma_start3A_137 = tpu.memref_slice %arg4[%dma_start3A_136, %multiple_of3A_130] : memref<32x1000000xf32, #tpu.memory_space<hbm>> -> memref<32x128xf32, #tpu.memory_space<hbm>>
    %dma_start3A_138 = arith.constant 0 : i32
    %dma_start3A_139 = arith.constant 0 : i32
    %dma_start3A_140 = tpu.memref_slice %arg8[%dma_start3A_131, %dma_start3A_138, %dma_start3A_139] : memref<8x32x128xf32, #tpu.memory_space<vmem>> -> memref<1x32x128xf32, #tpu.memory_space<vmem>>
    %dma_start3A_141 = tpu.memref_squeeze %dma_start3A_140 : memref<1x32x128xf32, #tpu.memory_space<vmem>> -> memref<32x128xf32, #tpu.memory_space<vmem>>
    %dma_start3A_142 = arith.constant 0 : i32
    %dma_start3A_143 = tpu.memref_slice %arg4[%dma_start3A_142, %multiple_of3A_130] : memref<32x1000000xf32, #tpu.memory_space<hbm>> -> memref<32x128xf32, #tpu.memory_space<hbm>>
    tpu.enqueue_dma source(%dma_start3A_143 : memref<32x128xf32, #tpu.memory_space<hbm>>) target(%dma_start3A_141 : memref<32x128xf32, #tpu.memory_space<vmem>>) target_semaphore(%arg13 : memref<!tpu.dma_semaphore, #tpu.memory_space<semaphore_mem>>)
    %slice3A_144 = vector.extract_strided_slice %shift_left3A_13 {offsets = [4], sizes = [1], strides = [1]} : vector<16xi32> to vector<1xi32>
    %squeeze3A_145 = vector.extract %slice3A_144[0] : i32 from vector<1xi32>
    %multiple_of3A_146 = tpu.assume_multiple %squeeze3A_145, 128 : i32
    %dma_start3A_147 = arith.constant 4 : i32
    %dma_start3A_148 = arith.constant 0 : i32
    %dma_start3A_149 = arith.constant 0 : i32
    %dma_start3A_150 = tpu.memref_slice %arg7[%dma_start3A_147, %dma_start3A_148, %dma_start3A_149] : memref<8x32x128xf32, #tpu.memory_space<vmem>> -> memref<1x32x128xf32, #tpu.memory_space<vmem>>
    %dma_start3A_151 = tpu.memref_squeeze %dma_start3A_150 : memref<1x32x128xf32, #tpu.memory_space<vmem>> -> memref<32x128xf32, #tpu.memory_space<vmem>>
    %dma_start3A_152 = arith.constant 0 : i32
    %dma_start3A_153 = tpu.memref_slice %arg3[%dma_start3A_152, %multiple_of3A_146] : memref<32x1000000xf32, #tpu.memory_space<hbm>> -> memref<32x128xf32, #tpu.memory_space<hbm>>
    %dma_start3A_154 = arith.constant 0 : i32
    %dma_start3A_155 = arith.constant 0 : i32
    %dma_start3A_156 = tpu.memref_slice %arg7[%dma_start3A_147, %dma_start3A_154, %dma_start3A_155] : memref<8x32x128xf32, #tpu.memory_space<vmem>> -> memref<1x32x128xf32, #tpu.memory_space<vmem>>
    %dma_start3A_157 = tpu.memref_squeeze %dma_start3A_156 : memref<1x32x128xf32, #tpu.memory_space<vmem>> -> memref<32x128xf32, #tpu.memory_space<vmem>>
    %dma_start3A_158 = arith.constant 0 : i32
    %dma_start3A_159 = tpu.memref_slice %arg3[%dma_start3A_158, %multiple_of3A_146] : memref<32x1000000xf32, #tpu.memory_space<hbm>> -> memref<32x128xf32, #tpu.memory_space<hbm>>
    tpu.enqueue_dma source(%dma_start3A_159 : memref<32x128xf32, #tpu.memory_space<hbm>>) target(%dma_start3A_157 : memref<32x128xf32, #tpu.memory_space<vmem>>) target_semaphore(%arg14 : memref<!tpu.dma_semaphore, #tpu.memory_space<semaphore_mem>>)
    %slice3A_160 = vector.extract_strided_slice %shift_left3A_19 {offsets = [4], sizes = [1], strides = [1]} : vector<16xi32> to vector<1xi32>
    %squeeze3A_161 = vector.extract %slice3A_160[0] : i32 from vector<1xi32>
    %multiple_of3A_162 = tpu.assume_multiple %squeeze3A_161, 128 : i32
    %dma_start3A_163 = arith.constant 4 : i32
    %dma_start3A_164 = arith.constant 0 : i32
    %dma_start3A_165 = arith.constant 0 : i32
    %dma_start3A_166 = tpu.memref_slice %arg8[%dma_start3A_163, %dma_start3A_164, %dma_start3A_165] : memref<8x32x128xf32, #tpu.memory_space<vmem>> -> memref<1x32x128xf32, #tpu.memory_space<vmem>>
    %dma_start3A_167 = tpu.memref_squeeze %dma_start3A_166 : memref<1x32x128xf32, #tpu.memory_space<vmem>> -> memref<32x128xf32, #tpu.memory_space<vmem>>
    %dma_start3A_168 = arith.constant 0 : i32
    %dma_start3A_169 = tpu.memref_slice %arg4[%dma_start3A_168, %multiple_of3A_162] : memref<32x1000000xf32, #tpu.memory_space<hbm>> -> memref<32x128xf32, #tpu.memory_space<hbm>>
    %dma_start3A_170 = arith.constant 0 : i32
    %dma_start3A_171 = arith.constant 0 : i32
    %dma_start3A_172 = tpu.memref_slice %arg8[%dma_start3A_163, %dma_start3A_170, %dma_start3A_171] : memref<8x32x128xf32, #tpu.memory_space<vmem>> -> memref<1x32x128xf32, #tpu.memory_space<vmem>>
    %dma_start3A_173 = tpu.memref_squeeze %dma_start3A_172 : memref<1x32x128xf32, #tpu.memory_space<vmem>> -> memref<32x128xf32, #tpu.memory_space<vmem>>
    %dma_start3A_174 = arith.constant 0 : i32
    %dma_start3A_175 = tpu.memref_slice %arg4[%dma_start3A_174, %multiple_of3A_162] : memref<32x1000000xf32, #tpu.memory_space<hbm>> -> memref<32x128xf32, #tpu.memory_space<hbm>>
    tpu.enqueue_dma source(%dma_start3A_175 : memref<32x128xf32, #tpu.memory_space<hbm>>) target(%dma_start3A_173 : memref<32x128xf32, #tpu.memory_space<vmem>>) target_semaphore(%arg14 : memref<!tpu.dma_semaphore, #tpu.memory_space<semaphore_mem>>)
    %slice3A_176 = vector.extract_strided_slice %shift_left3A_13 {offsets = [5], sizes = [1], strides = [1]} : vector<16xi32> to vector<1xi32>
    %squeeze3A_177 = vector.extract %slice3A_176[0] : i32 from vector<1xi32>
    %multiple_of3A_178 = tpu.assume_multiple %squeeze3A_177, 128 : i32
    %dma_start3A_179 = arith.constant 5 : i32
    %dma_start3A_180 = arith.constant 0 : i32
    %dma_start3A_181 = arith.constant 0 : i32
    %dma_start3A_182 = tpu.memref_slice %arg7[%dma_start3A_179, %dma_start3A_180, %dma_start3A_181] : memref<8x32x128xf32, #tpu.memory_space<vmem>> -> memref<1x32x128xf32, #tpu.memory_space<vmem>>
    %dma_start3A_183 = tpu.memref_squeeze %dma_start3A_182 : memref<1x32x128xf32, #tpu.memory_space<vmem>> -> memref<32x128xf32, #tpu.memory_space<vmem>>
    %dma_start3A_184 = arith.constant 0 : i32
    %dma_start3A_185 = tpu.memref_slice %arg3[%dma_start3A_184, %multiple_of3A_178] : memref<32x1000000xf32, #tpu.memory_space<hbm>> -> memref<32x128xf32, #tpu.memory_space<hbm>>
    %dma_start3A_186 = arith.constant 0 : i32
    %dma_start3A_187 = arith.constant 0 : i32
    %dma_start3A_188 = tpu.memref_slice %arg7[%dma_start3A_179, %dma_start3A_186, %dma_start3A_187] : memref<8x32x128xf32, #tpu.memory_space<vmem>> -> memref<1x32x128xf32, #tpu.memory_space<vmem>>
    %dma_start3A_189 = tpu.memref_squeeze %dma_start3A_188 : memref<1x32x128xf32, #tpu.memory_space<vmem>> -> memref<32x128xf32, #tpu.memory_space<vmem>>
    %dma_start3A_190 = arith.constant 0 : i32
    %dma_start3A_191 = tpu.memref_slice %arg3[%dma_start3A_190, %multiple_of3A_178] : memref<32x1000000xf32, #tpu.memory_space<hbm>> -> memref<32x128xf32, #tpu.memory_space<hbm>>
    tpu.enqueue_dma source(%dma_start3A_191 : memref<32x128xf32, #tpu.memory_space<hbm>>) target(%dma_start3A_189 : memref<32x128xf32, #tpu.memory_space<vmem>>) target_semaphore(%arg15 : memref<!tpu.dma_semaphore, #tpu.memory_space<semaphore_mem>>)
    %slice3A_192 = vector.extract_strided_slice %shift_left3A_19 {offsets = [5], sizes = [1], strides = [1]} : vector<16xi32> to vector<1xi32>
    %squeeze3A_193 = vector.extract %slice3A_192[0] : i32 from vector<1xi32>
    %multiple_of3A_194 = tpu.assume_multiple %squeeze3A_193, 128 : i32
    %dma_start3A_195 = arith.constant 5 : i32
    %dma_start3A_196 = arith.constant 0 : i32
    %dma_start3A_197 = arith.constant 0 : i32
    %dma_start3A_198 = tpu.memref_slice %arg8[%dma_start3A_195, %dma_start3A_196, %dma_start3A_197] : memref<8x32x128xf32, #tpu.memory_space<vmem>> -> memref<1x32x128xf32, #tpu.memory_space<vmem>>
    %dma_start3A_199 = tpu.memref_squeeze %dma_start3A_198 : memref<1x32x128xf32, #tpu.memory_space<vmem>> -> memref<32x128xf32, #tpu.memory_space<vmem>>
    %dma_start3A_200 = arith.constant 0 : i32
    %dma_start3A_201 = tpu.memref_slice %arg4[%dma_start3A_200, %multiple_of3A_194] : memref<32x1000000xf32, #tpu.memory_space<hbm>> -> memref<32x128xf32, #tpu.memory_space<hbm>>
    %dma_start3A_202 = arith.constant 0 : i32
    %dma_start3A_203 = arith.constant 0 : i32
    %dma_start3A_204 = tpu.memref_slice %arg8[%dma_start3A_195, %dma_start3A_202, %dma_start3A_203] : memref<8x32x128xf32, #tpu.memory_space<vmem>> -> memref<1x32x128xf32, #tpu.memory_space<vmem>>
    %dma_start3A_205 = tpu.memref_squeeze %dma_start3A_204 : memref<1x32x128xf32, #tpu.memory_space<vmem>> -> memref<32x128xf32, #tpu.memory_space<vmem>>
    %dma_start3A_206 = arith.constant 0 : i32
    %dma_start3A_207 = tpu.memref_slice %arg4[%dma_start3A_206, %multiple_of3A_194] : memref<32x1000000xf32, #tpu.memory_space<hbm>> -> memref<32x128xf32, #tpu.memory_space<hbm>>
    tpu.enqueue_dma source(%dma_start3A_207 : memref<32x128xf32, #tpu.memory_space<hbm>>) target(%dma_start3A_205 : memref<32x128xf32, #tpu.memory_space<vmem>>) target_semaphore(%arg15 : memref<!tpu.dma_semaphore, #tpu.memory_space<semaphore_mem>>)
    %slice3A_208 = vector.extract_strided_slice %shift_left3A_13 {offsets = [6], sizes = [1], strides = [1]} : vector<16xi32> to vector<1xi32>
    %squeeze3A_209 = vector.extract %slice3A_208[0] : i32 from vector<1xi32>
    %multiple_of3A_210 = tpu.assume_multiple %squeeze3A_209, 128 : i32
    %dma_start3A_211 = arith.constant 6 : i32
    %dma_start3A_212 = arith.constant 0 : i32
    %dma_start3A_213 = arith.constant 0 : i32
    %dma_start3A_214 = tpu.memref_slice %arg7[%dma_start3A_211, %dma_start3A_212, %dma_start3A_213] : memref<8x32x128xf32, #tpu.memory_space<vmem>> -> memref<1x32x128xf32, #tpu.memory_space<vmem>>
    %dma_start3A_215 = tpu.memref_squeeze %dma_start3A_214 : memref<1x32x128xf32, #tpu.memory_space<vmem>> -> memref<32x128xf32, #tpu.memory_space<vmem>>
    %dma_start3A_216 = arith.constant 0 : i32
    %dma_start3A_217 = tpu.memref_slice %arg3[%dma_start3A_216, %multiple_of3A_210] : memref<32x1000000xf32, #tpu.memory_space<hbm>> -> memref<32x128xf32, #tpu.memory_space<hbm>>
    %dma_start3A_218 = arith.constant 0 : i32
    %dma_start3A_219 = arith.constant 0 : i32
    %dma_start3A_220 = tpu.memref_slice %arg7[%dma_start3A_211, %dma_start3A_218, %dma_start3A_219] : memref<8x32x128xf32, #tpu.memory_space<vmem>> -> memref<1x32x128xf32, #tpu.memory_space<vmem>>
    %dma_start3A_221 = tpu.memref_squeeze %dma_start3A_220 : memref<1x32x128xf32, #tpu.memory_space<vmem>> -> memref<32x128xf32, #tpu.memory_space<vmem>>
    %dma_start3A_222 = arith.constant 0 : i32
    %dma_start3A_223 = tpu.memref_slice %arg3[%dma_start3A_222, %multiple_of3A_210] : memref<32x1000000xf32, #tpu.memory_space<hbm>> -> memref<32x128xf32, #tpu.memory_space<hbm>>
    tpu.enqueue_dma source(%dma_start3A_223 : memref<32x128xf32, #tpu.memory_space<hbm>>) target(%dma_start3A_221 : memref<32x128xf32, #tpu.memory_space<vmem>>) target_semaphore(%arg16 : memref<!tpu.dma_semaphore, #tpu.memory_space<semaphore_mem>>)
    %slice3A_224 = vector.extract_strided_slice %shift_left3A_19 {offsets = [6], sizes = [1], strides = [1]} : vector<16xi32> to vector<1xi32>
    %squeeze3A_225 = vector.extract %slice3A_224[0] : i32 from vector<1xi32>
    %multiple_of3A_226 = tpu.assume_multiple %squeeze3A_225, 128 : i32
    %dma_start3A_227 = arith.constant 6 : i32
    %dma_start3A_228 = arith.constant 0 : i32
    %dma_start3A_229 = arith.constant 0 : i32
    %dma_start3A_230 = tpu.memref_slice %arg8[%dma_start3A_227, %dma_start3A_228, %dma_start3A_229] : memref<8x32x128xf32, #tpu.memory_space<vmem>> -> memref<1x32x128xf32, #tpu.memory_space<vmem>>
    %dma_start3A_231 = tpu.memref_squeeze %dma_start3A_230 : memref<1x32x128xf32, #tpu.memory_space<vmem>> -> memref<32x128xf32, #tpu.memory_space<vmem>>
    %dma_start3A_232 = arith.constant 0 : i32
    %dma_start3A_233 = tpu.memref_slice %arg4[%dma_start3A_232, %multiple_of3A_226] : memref<32x1000000xf32, #tpu.memory_space<hbm>> -> memref<32x128xf32, #tpu.memory_space<hbm>>
    %dma_start3A_234 = arith.constant 0 : i32
    %dma_start3A_235 = arith.constant 0 : i32
    %dma_start3A_236 = tpu.memref_slice %arg8[%dma_start3A_227, %dma_start3A_234, %dma_start3A_235] : memref<8x32x128xf32, #tpu.memory_space<vmem>> -> memref<1x32x128xf32, #tpu.memory_space<vmem>>
    %dma_start3A_237 = tpu.memref_squeeze %dma_start3A_236 : memref<1x32x128xf32, #tpu.memory_space<vmem>> -> memref<32x128xf32, #tpu.memory_space<vmem>>
    %dma_start3A_238 = arith.constant 0 : i32
    %dma_start3A_239 = tpu.memref_slice %arg4[%dma_start3A_238, %multiple_of3A_226] : memref<32x1000000xf32, #tpu.memory_space<hbm>> -> memref<32x128xf32, #tpu.memory_space<hbm>>
    tpu.enqueue_dma source(%dma_start3A_239 : memref<32x128xf32, #tpu.memory_space<hbm>>) target(%dma_start3A_237 : memref<32x128xf32, #tpu.memory_space<vmem>>) target_semaphore(%arg16 : memref<!tpu.dma_semaphore, #tpu.memory_space<semaphore_mem>>)
    %slice3A_240 = vector.extract_strided_slice %shift_left3A_13 {offsets = [7], sizes = [1], strides = [1]} : vector<16xi32> to vector<1xi32>
    %squeeze3A_241 = vector.extract %slice3A_240[0] : i32 from vector<1xi32>
    %multiple_of3A_242 = tpu.assume_multiple %squeeze3A_241, 128 : i32
    %dma_start3A_243 = arith.constant 7 : i32
    %dma_start3A_244 = arith.constant 0 : i32
    %dma_start3A_245 = arith.constant 0 : i32
    %dma_start3A_246 = tpu.memref_slice %arg7[%dma_start3A_243, %dma_start3A_244, %dma_start3A_245] : memref<8x32x128xf32, #tpu.memory_space<vmem>> -> memref<1x32x128xf32, #tpu.memory_space<vmem>>
    %dma_start3A_247 = tpu.memref_squeeze %dma_start3A_246 : memref<1x32x128xf32, #tpu.memory_space<vmem>> -> memref<32x128xf32, #tpu.memory_space<vmem>>
    %dma_start3A_248 = arith.constant 0 : i32
    %dma_start3A_249 = tpu.memref_slice %arg3[%dma_start3A_248, %multiple_of3A_242] : memref<32x1000000xf32, #tpu.memory_space<hbm>> -> memref<32x128xf32, #tpu.memory_space<hbm>>
    %dma_start3A_250 = arith.constant 0 : i32
    %dma_start3A_251 = arith.constant 0 : i32
    %dma_start3A_252 = tpu.memref_slice %arg7[%dma_start3A_243, %dma_start3A_250, %dma_start3A_251] : memref<8x32x128xf32, #tpu.memory_space<vmem>> -> memref<1x32x128xf32, #tpu.memory_space<vmem>>
    %dma_start3A_253 = tpu.memref_squeeze %dma_start3A_252 : memref<1x32x128xf32, #tpu.memory_space<vmem>> -> memref<32x128xf32, #tpu.memory_space<vmem>>
    %dma_start3A_254 = arith.constant 0 : i32
    %dma_start3A_255 = tpu.memref_slice %arg3[%dma_start3A_254, %multiple_of3A_242] : memref<32x1000000xf32, #tpu.memory_space<hbm>> -> memref<32x128xf32, #tpu.memory_space<hbm>>
    tpu.enqueue_dma source(%dma_start3A_255 : memref<32x128xf32, #tpu.memory_space<hbm>>) target(%dma_start3A_253 : memref<32x128xf32, #tpu.memory_space<vmem>>) target_semaphore(%arg17 : memref<!tpu.dma_semaphore, #tpu.memory_space<semaphore_mem>>)
    %slice3A_256 = vector.extract_strided_slice %shift_left3A_19 {offsets = [7], sizes = [1], strides = [1]} : vector<16xi32> to vector<1xi32>
    %squeeze3A_257 = vector.extract %slice3A_256[0] : i32 from vector<1xi32>
    %multiple_of3A_258 = tpu.assume_multiple %squeeze3A_257, 128 : i32
    %dma_start3A_259 = arith.constant 7 : i32
    %dma_start3A_260 = arith.constant 0 : i32
    %dma_start3A_261 = arith.constant 0 : i32
    %dma_start3A_262 = tpu.memref_slice %arg8[%dma_start3A_259, %dma_start3A_260, %dma_start3A_261] : memref<8x32x128xf32, #tpu.memory_space<vmem>> -> memref<1x32x128xf32, #tpu.memory_space<vmem>>
    %dma_start3A_263 = tpu.memref_squeeze %dma_start3A_262 : memref<1x32x128xf32, #tpu.memory_space<vmem>> -> memref<32x128xf32, #tpu.memory_space<vmem>>
    %dma_start3A_264 = arith.constant 0 : i32
    %dma_start3A_265 = tpu.memref_slice %arg4[%dma_start3A_264, %multiple_of3A_258] : memref<32x1000000xf32, #tpu.memory_space<hbm>> -> memref<32x128xf32, #tpu.memory_space<hbm>>
    %dma_start3A_266 = arith.constant 0 : i32
    %dma_start3A_267 = arith.constant 0 : i32
    %dma_start3A_268 = tpu.memref_slice %arg8[%dma_start3A_259, %dma_start3A_266, %dma_start3A_267] : memref<8x32x128xf32, #tpu.memory_space<vmem>> -> memref<1x32x128xf32, #tpu.memory_space<vmem>>
    %dma_start3A_269 = tpu.memref_squeeze %dma_start3A_268 : memref<1x32x128xf32, #tpu.memory_space<vmem>> -> memref<32x128xf32, #tpu.memory_space<vmem>>
    %dma_start3A_270 = arith.constant 0 : i32
    %dma_start3A_271 = tpu.memref_slice %arg4[%dma_start3A_270, %multiple_of3A_258] : memref<32x1000000xf32, #tpu.memory_space<hbm>> -> memref<32x128xf32, #tpu.memory_space<hbm>>
    tpu.enqueue_dma source(%dma_start3A_271 : memref<32x128xf32, #tpu.memory_space<hbm>>) target(%dma_start3A_269 : memref<32x128xf32, #tpu.memory_space<vmem>>) target_semaphore(%arg17 : memref<!tpu.dma_semaphore, #tpu.memory_space<semaphore_mem>>)
    %scan3A = arith.constant 0 : i32
    %scan3A_272 = arith.constant 0 : i32
    %scan3A_273 = arith.constant 32 : i32
    %scan3A_274 = arith.addi %scan3A_272, %scan3A_273 : i32
    %scan3A_275 = arith.constant 1 : i32
    scf.for %scan3A_516 = %scan3A_272 to %scan3A_274 step %scan3A_275  : i32 {
      %mul3A_517 = arith.constant 16 : i32
      %mul3A_518 = arith.muli %scan3A_516, %mul3A_517 : i32
      %get3A_519 = arith.constant 0 : i32
      %get3A_520 = arith.index_cast %get3A_519 : i32 to index
      %get3A_521 = arith.index_cast %mul3A_518 : i32 to index
      %get3A_522 = tpu.vector_load %arg6[%get3A_520, %get3A_521] {strides = array<i32>} : memref<2x512xi32, #tpu.memory_space<vmem>>, vector<16xi32>,
      %get3A_523 = arith.constant 1 : i32
      %get3A_524 = arith.index_cast %get3A_523 : i32 to index
      %get3A_525 = arith.index_cast %mul3A_518 : i32 to index
      %get3A_526 = tpu.vector_load %arg6[%get3A_524, %get3A_525] {strides = array<i32>} : memref<2x512xi32, #tpu.memory_space<vmem>>, vector<16xi32>,
      %add3A_527 = arith.constant 1 : i32
      %add3A_528 = arith.addi %scan3A_516, %add3A_527 : i32
      %and3A = arith.constant 31 : i32
      %and3A_529 = arith.andi %add3A_528, %and3A : i32
      %mul3A_530 = arith.constant 16 : i32
      %mul3A_531 = arith.muli %and3A_529, %mul3A_530 : i32
      %get3A_532 = arith.constant 0 : i32
      %get3A_533 = arith.index_cast %get3A_532 : i32 to index
      %get3A_534 = arith.index_cast %mul3A_531 : i32 to index
      %get3A_535 = tpu.vector_load %arg6[%get3A_533, %get3A_534] {strides = array<i32>} : memref<2x512xi32, #tpu.memory_space<vmem>>, vector<16xi32>,
      %mul3A_536 = arith.constant 16 : i32
      %mul3A_537 = arith.muli %and3A_529, %mul3A_536 : i32
      %get3A_538 = arith.constant 1 : i32
      %get3A_539 = arith.index_cast %get3A_538 : i32 to index
      %get3A_540 = arith.index_cast %mul3A_537 : i32 to index
      %get3A_541 = tpu.vector_load %arg6[%get3A_539, %get3A_540] {strides = array<i32>} : memref<2x512xi32, #tpu.memory_space<vmem>>, vector<16xi32>,
      %and3A_542 = arith.constant 127 : i32
      %and3A_543 = vector.broadcast %and3A_542 : i32 to vector<16xi32>
      %and3A_544 = arith.andi %get3A_522, %and3A_543 : vector<16xi32>
      %and3A_545 = arith.constant 127 : i32
      %and3A_546 = vector.broadcast %and3A_545 : i32 to vector<16xi32>
      %and3A_547 = arith.andi %get3A_526, %and3A_546 : vector<16xi32>
      %shift_right_arithmetic3A_548 = arith.constant 7 : i32
      %shift_right_arithmetic3A_549 = vector.broadcast %shift_right_arithmetic3A_548 : i32 to vector<16xi32>
      %shift_right_arithmetic3A_550 = arith.shrsi %get3A_522, %shift_right_arithmetic3A_549 : vector<16xi32>
      %shift_left3A_551 = arith.constant 7 : i32
      %shift_left3A_552 = vector.broadcast %shift_left3A_551 : i32 to vector<16xi32>
      %shift_left3A_553 = arith.shli %shift_right_arithmetic3A_550, %shift_left3A_552 : vector<16xi32>
      %shift_right_arithmetic3A_554 = arith.constant 7 : i32
      %shift_right_arithmetic3A_555 = vector.broadcast %shift_right_arithmetic3A_554 : i32 to vector<16xi32>
      %shift_right_arithmetic3A_556 = arith.shrsi %get3A_526, %shift_right_arithmetic3A_555 : vector<16xi32>
      %shift_left3A_557 = arith.constant 7 : i32
      %shift_left3A_558 = vector.broadcast %shift_left3A_557 : i32 to vector<16xi32>
      %shift_left3A_559 = arith.shli %shift_right_arithmetic3A_556, %shift_left3A_558 : vector<16xi32>
      %shift_right_arithmetic3A_560 = arith.constant 7 : i32
      %shift_right_arithmetic3A_561 = vector.broadcast %shift_right_arithmetic3A_560 : i32 to vector<16xi32>
      %shift_right_arithmetic3A_562 = arith.shrsi %get3A_535, %shift_right_arithmetic3A_561 : vector<16xi32>
      %shift_left3A_563 = arith.constant 7 : i32
      %shift_left3A_564 = vector.broadcast %shift_left3A_563 : i32 to vector<16xi32>
      %shift_left3A_565 = arith.shli %shift_right_arithmetic3A_562, %shift_left3A_564 : vector<16xi32>
      %shift_right_arithmetic3A_566 = arith.constant 7 : i32
      %shift_right_arithmetic3A_567 = vector.broadcast %shift_right_arithmetic3A_566 : i32 to vector<16xi32>
      %shift_right_arithmetic3A_568 = arith.shrsi %get3A_541, %shift_right_arithmetic3A_567 : vector<16xi32>
      %shift_left3A_569 = arith.constant 7 : i32
      %shift_left3A_570 = vector.broadcast %shift_left3A_569 : i32 to vector<16xi32>
      %shift_left3A_571 = arith.shli %shift_right_arithmetic3A_568, %shift_left3A_570 : vector<16xi32>
      %broadcast_in_dim3A = arith.constant 1 : i32
      %broadcast_in_dim3A_572 = vector.broadcast %broadcast_in_dim3A : i32 to vector<16xi32>
      %broadcast_in_dim3A_573 = arith.constant 0.000000e+00 : f32
      %broadcast_in_dim3A_574 = vector.broadcast %broadcast_in_dim3A_573 : f32 to vector<16xf32>
      %mul3A_575 = arith.constant 0 : i32
      %mul3A_576 = vector.broadcast %mul3A_575 : i32 to vector<16xi32>
      %mul3A_577 = arith.muli %broadcast_in_dim3A_572, %mul3A_576 : vector<16xi32>
      %dma_wait3A_578 = arith.constant 0 : i32
      %dma_wait3A_579 = arith.constant 0 : i32
      %dma_wait3A_580 = arith.constant 0 : i32
      %dma_wait3A_581 = tpu.memref_slice %arg7[%dma_wait3A_578, %dma_wait3A_579, %dma_wait3A_580] : memref<8x32x128xf32, #tpu.memory_space<vmem>> -> memref<1x32x128xf32, #tpu.memory_space<vmem>>
      %dma_wait3A_582 = tpu.memref_squeeze %dma_wait3A_581 : memref<1x32x128xf32, #tpu.memory_space<vmem>> -> memref<32x128xf32, #tpu.memory_space<vmem>>
      %dma_wait3A_583 = arith.constant 0 : i32
      %dma_wait3A_584 = arith.constant 0 : i32
      %dma_wait3A_585 = tpu.memref_slice %arg3[%dma_wait3A_583, %dma_wait3A_584] : memref<32x1000000xf32, #tpu.memory_space<hbm>> -> memref<32x128xf32, #tpu.memory_space<hbm>>
      %dma_wait3A_586 = arith.constant 0 : i32
      %dma_wait3A_587 = arith.constant 0 : i32
      %dma_wait3A_588 = tpu.memref_slice %arg7[%dma_wait3A_578, %dma_wait3A_586, %dma_wait3A_587] : memref<8x32x128xf32, #tpu.memory_space<vmem>> -> memref<1x32x128xf32, #tpu.memory_space<vmem>>
      %dma_wait3A_589 = tpu.memref_squeeze %dma_wait3A_588 : memref<1x32x128xf32, #tpu.memory_space<vmem>> -> memref<32x128xf32, #tpu.memory_space<vmem>>
      %dma_wait3A_590 = arith.constant 0 : i32
      %dma_wait3A_591 = arith.constant 0 : i32
      %dma_wait3A_592 = tpu.memref_slice %arg3[%dma_wait3A_590, %dma_wait3A_591] : memref<32x1000000xf32, #tpu.memory_space<hbm>> -> memref<32x128xf32, #tpu.memory_space<hbm>>
      tpu.wait_dma2 semaphore(%arg10 : memref<!tpu.dma_semaphore, #tpu.memory_space<semaphore_mem>>) src(%dma_wait3A_592 : memref<32x128xf32, #tpu.memory_space<hbm>>) dst(%dma_wait3A_589 : memref<32x128xf32, #tpu.memory_space<vmem>>)
      %dma_wait3A_593 = arith.constant 0 : i32
      %dma_wait3A_594 = arith.constant 0 : i32
      %dma_wait3A_595 = arith.constant 0 : i32
      %dma_wait3A_596 = tpu.memref_slice %arg8[%dma_wait3A_593, %dma_wait3A_594, %dma_wait3A_595] : memref<8x32x128xf32, #tpu.memory_space<vmem>> -> memref<1x32x128xf32, #tpu.memory_space<vmem>>
      %dma_wait3A_597 = tpu.memref_squeeze %dma_wait3A_596 : memref<1x32x128xf32, #tpu.memory_space<vmem>> -> memref<32x128xf32, #tpu.memory_space<vmem>>
      %dma_wait3A_598 = arith.constant 0 : i32
      %dma_wait3A_599 = arith.constant 0 : i32
      %dma_wait3A_600 = tpu.memref_slice %arg4[%dma_wait3A_598, %dma_wait3A_599] : memref<32x1000000xf32, #tpu.memory_space<hbm>> -> memref<32x128xf32, #tpu.memory_space<hbm>>
      %dma_wait3A_601 = arith.constant 0 : i32
      %dma_wait3A_602 = arith.constant 0 : i32
      %dma_wait3A_603 = tpu.memref_slice %arg8[%dma_wait3A_593, %dma_wait3A_601, %dma_wait3A_602] : memref<8x32x128xf32, #tpu.memory_space<vmem>> -> memref<1x32x128xf32, #tpu.memory_space<vmem>>
      %dma_wait3A_604 = tpu.memref_squeeze %dma_wait3A_603 : memref<1x32x128xf32, #tpu.memory_space<vmem>> -> memref<32x128xf32, #tpu.memory_space<vmem>>
      %dma_wait3A_605 = arith.constant 0 : i32
      %dma_wait3A_606 = arith.constant 0 : i32
      %dma_wait3A_607 = tpu.memref_slice %arg4[%dma_wait3A_605, %dma_wait3A_606] : memref<32x1000000xf32, #tpu.memory_space<hbm>> -> memref<32x128xf32, #tpu.memory_space<hbm>>
      tpu.wait_dma2 semaphore(%arg10 : memref<!tpu.dma_semaphore, #tpu.memory_space<semaphore_mem>>) src(%dma_wait3A_607 : memref<32x128xf32, #tpu.memory_space<hbm>>) dst(%dma_wait3A_604 : memref<32x128xf32, #tpu.memory_space<vmem>>)
      %slice3A_608 = vector.extract_strided_slice %and3A_544 {offsets = [0], sizes = [1], strides = [1]} : vector<16xi32> to vector<1xi32>
      %squeeze3A_609 = vector.extract %slice3A_608[0] : i32 from vector<1xi32>
      %mul3A_610 = vector.broadcast %squeeze3A_609 : i32 to vector<16xi32>
      %mul3A_611 = arith.muli %broadcast_in_dim3A_572, %mul3A_610 : vector<16xi32>
      %slice3A_612 = vector.extract_strided_slice %and3A_547 {offsets = [0], sizes = [1], strides = [1]} : vector<16xi32> to vector<1xi32>
      %squeeze3A_613 = vector.extract %slice3A_612[0] : i32 from vector<1xi32>
      %mul3A_614 = vector.broadcast %squeeze3A_613 : i32 to vector<16xi32>
      %mul3A_615 = arith.muli %broadcast_in_dim3A_572, %mul3A_614 : vector<16xi32>
      %gather3A = tpu.vector_load_idx %arg7[%mul3A_577, %iota3A, %mul3A_611] : memref<8x32x128xf32, #tpu.memory_space<vmem>>[vector<16xi32>, vector<16xi32>, vector<16xi32>], vector<16xf32>,
      %add3A_616 = arith.constant 16 : i32
      %add3A_617 = vector.broadcast %add3A_616 : i32 to vector<16xi32>
      %add3A_618 = arith.addi %iota3A, %add3A_617 : vector<16xi32>
      %gather3A_619 = tpu.vector_load_idx %arg7[%mul3A_577, %add3A_618, %mul3A_611] : memref<8x32x128xf32, #tpu.memory_space<vmem>>[vector<16xi32>, vector<16xi32>, vector<16xi32>], vector<16xf32>,
      %gather3A_620 = tpu.vector_load_idx %arg8[%mul3A_577, %iota3A, %mul3A_615] : memref<8x32x128xf32, #tpu.memory_space<vmem>>[vector<16xi32>, vector<16xi32>, vector<16xi32>], vector<16xf32>,
      %add3A_621 = arith.constant 16 : i32
      %add3A_622 = vector.broadcast %add3A_621 : i32 to vector<16xi32>
      %add3A_623 = arith.addi %iota3A, %add3A_622 : vector<16xi32>
      %gather3A_624 = tpu.vector_load_idx %arg8[%mul3A_577, %add3A_623, %mul3A_615] : memref<8x32x128xf32, #tpu.memory_space<vmem>>[vector<16xi32>, vector<16xi32>, vector<16xi32>], vector<16xf32>,
      %mul3A_625 = arith.mulf %gather3A, %gather3A_620 : vector<16xf32>
      %mul3A_626 = arith.mulf %gather3A_619, %gather3A_624 : vector<16xf32>
      %add3A_627 = arith.addf %mul3A_625, %mul3A_626 : vector<16xf32>
      %reduce_sum3A = arith.constant true
      %reduce_sum3A_628 = vector.broadcast %reduce_sum3A : i1 to vector<16xi1>
      %reduce_sum3A_629 = tpu.scan <sum>, %add3A_627 masked %reduce_sum3A_628 : vector<16xf32>, vector<16xi1> -> vector<16xf32>
      %reduce_sum3A_630 = vector.extract %reduce_sum3A_629[15] : f32 from vector<16xf32>
      %eq3A = arith.constant 0 : i32
      %eq3A_631 = vector.broadcast %eq3A : i32 to vector<16xi32>
      %eq3A_632 = arith.cmpi eq, %iota3A, %eq3A_631 : vector<16xi32>
      %broadcast_in_dim3A_633 = vector.broadcast %reduce_sum3A_630 : f32 to vector<16xf32>
      %select_n3A = arith.select %eq3A_632, %broadcast_in_dim3A_633, %broadcast_in_dim3A_574 : vector<16xi1>, vector<16xf32>
      %slice3A_634 = vector.extract_strided_slice %shift_left3A_553 {offsets = [8], sizes = [1], strides = [1]} : vector<16xi32> to vector<1xi32>
      %squeeze3A_635 = vector.extract %slice3A_634[0] : i32 from vector<1xi32>
      %multiple_of3A_636 = tpu.assume_multiple %squeeze3A_635, 128 : i32
      %dma_start3A_637 = arith.constant 0 : i32
      %dma_start3A_638 = arith.constant 0 : i32
      %dma_start3A_639 = arith.constant 0 : i32
      %dma_start3A_640 = tpu.memref_slice %arg7[%dma_start3A_637, %dma_start3A_638, %dma_start3A_639] : memref<8x32x128xf32, #tpu.memory_space<vmem>> -> memref<1x32x128xf32, #tpu.memory_space<vmem>>
      %dma_start3A_641 = tpu.memref_squeeze %dma_start3A_640 : memref<1x32x128xf32, #tpu.memory_space<vmem>> -> memref<32x128xf32, #tpu.memory_space<vmem>>
      %dma_start3A_642 = arith.constant 0 : i32
      %dma_start3A_643 = tpu.memref_slice %arg3[%dma_start3A_642, %multiple_of3A_636] : memref<32x1000000xf32, #tpu.memory_space<hbm>> -> memref<32x128xf32, #tpu.memory_space<hbm>>
      %dma_start3A_644 = arith.constant 0 : i32
      %dma_start3A_645 = arith.constant 0 : i32
      %dma_start3A_646 = tpu.memref_slice %arg7[%dma_start3A_637, %dma_start3A_644, %dma_start3A_645] : memref<8x32x128xf32, #tpu.memory_space<vmem>> -> memref<1x32x128xf32, #tpu.memory_space<vmem>>
      %dma_start3A_647 = tpu.memref_squeeze %dma_start3A_646 : memref<1x32x128xf32, #tpu.memory_space<vmem>> -> memref<32x128xf32, #tpu.memory_space<vmem>>
      %dma_start3A_648 = arith.constant 0 : i32
      %dma_start3A_649 = tpu.memref_slice %arg3[%dma_start3A_648, %multiple_of3A_636] : memref<32x1000000xf32, #tpu.memory_space<hbm>> -> memref<32x128xf32, #tpu.memory_space<hbm>>
      tpu.enqueue_dma source(%dma_start3A_649 : memref<32x128xf32, #tpu.memory_space<hbm>>) target(%dma_start3A_647 : memref<32x128xf32, #tpu.memory_space<vmem>>) target_semaphore(%arg10 : memref<!tpu.dma_semaphore, #tpu.memory_space<semaphore_mem>>)
      %slice3A_650 = vector.extract_strided_slice %shift_left3A_559 {offsets = [8], sizes = [1], strides = [1]} : vector<16xi32> to vector<1xi32>
      %squeeze3A_651 = vector.extract %slice3A_650[0] : i32 from vector<1xi32>
      %multiple_of3A_652 = tpu.assume_multiple %squeeze3A_651, 128 : i32
      %dma_start3A_653 = arith.constant 0 : i32
      %dma_start3A_654 = arith.constant 0 : i32
      %dma_start3A_655 = arith.constant 0 : i32
      %dma_start3A_656 = tpu.memref_slice %arg8[%dma_start3A_653, %dma_start3A_654, %dma_start3A_655] : memref<8x32x128xf32, #tpu.memory_space<vmem>> -> memref<1x32x128xf32, #tpu.memory_space<vmem>>
      %dma_start3A_657 = tpu.memref_squeeze %dma_start3A_656 : memref<1x32x128xf32, #tpu.memory_space<vmem>> -> memref<32x128xf32, #tpu.memory_space<vmem>>
      %dma_start3A_658 = arith.constant 0 : i32
      %dma_start3A_659 = tpu.memref_slice %arg4[%dma_start3A_658, %multiple_of3A_652] : memref<32x1000000xf32, #tpu.memory_space<hbm>> -> memref<32x128xf32, #tpu.memory_space<hbm>>
      %dma_start3A_660 = arith.constant 0 : i32
      %dma_start3A_661 = arith.constant 0 : i32
      %dma_start3A_662 = tpu.memref_slice %arg8[%dma_start3A_653, %dma_start3A_660, %dma_start3A_661] : memref<8x32x128xf32, #tpu.memory_space<vmem>> -> memref<1x32x128xf32, #tpu.memory_space<vmem>>
      %dma_start3A_663 = tpu.memref_squeeze %dma_start3A_662 : memref<1x32x128xf32, #tpu.memory_space<vmem>> -> memref<32x128xf32, #tpu.memory_space<vmem>>
      %dma_start3A_664 = arith.constant 0 : i32
      %dma_start3A_665 = tpu.memref_slice %arg4[%dma_start3A_664, %multiple_of3A_652] : memref<32x1000000xf32, #tpu.memory_space<hbm>> -> memref<32x128xf32, #tpu.memory_space<hbm>>
      tpu.enqueue_dma source(%dma_start3A_665 : memref<32x128xf32, #tpu.memory_space<hbm>>) target(%dma_start3A_663 : memref<32x128xf32, #tpu.memory_space<vmem>>) target_semaphore(%arg10 : memref<!tpu.dma_semaphore, #tpu.memory_space<semaphore_mem>>)
      %mul3A_666 = arith.constant 1 : i32
      %mul3A_667 = vector.broadcast %mul3A_666 : i32 to vector<16xi32>
      %mul3A_668 = arith.muli %broadcast_in_dim3A_572, %mul3A_667 : vector<16xi32>
      %dma_wait3A_669 = arith.constant 1 : i32
      %dma_wait3A_670 = arith.constant 0 : i32
      %dma_wait3A_671 = arith.constant 0 : i32
      %dma_wait3A_672 = tpu.memref_slice %arg7[%dma_wait3A_669, %dma_wait3A_670, %dma_wait3A_671] : memref<8x32x128xf32, #tpu.memory_space<vmem>> -> memref<1x32x128xf32, #tpu.memory_space<vmem>>
      %dma_wait3A_673 = tpu.memref_squeeze %dma_wait3A_672 : memref<1x32x128xf32, #tpu.memory_space<vmem>> -> memref<32x128xf32, #tpu.memory_space<vmem>>
      %dma_wait3A_674 = arith.constant 0 : i32
      %dma_wait3A_675 = arith.constant 0 : i32
      %dma_wait3A_676 = tpu.memref_slice %arg3[%dma_wait3A_674, %dma_wait3A_675] : memref<32x1000000xf32, #tpu.memory_space<hbm>> -> memref<32x128xf32, #tpu.memory_space<hbm>>
      %dma_wait3A_677 = arith.constant 0 : i32
      %dma_wait3A_678 = arith.constant 0 : i32
      %dma_wait3A_679 = tpu.memref_slice %arg7[%dma_wait3A_669, %dma_wait3A_677, %dma_wait3A_678] : memref<8x32x128xf32, #tpu.memory_space<vmem>> -> memref<1x32x128xf32, #tpu.memory_space<vmem>>
      %dma_wait3A_680 = tpu.memref_squeeze %dma_wait3A_679 : memref<1x32x128xf32, #tpu.memory_space<vmem>> -> memref<32x128xf32, #tpu.memory_space<vmem>>
      %dma_wait3A_681 = arith.constant 0 : i32
      %dma_wait3A_682 = arith.constant 0 : i32
      %dma_wait3A_683 = tpu.memref_slice %arg3[%dma_wait3A_681, %dma_wait3A_682] : memref<32x1000000xf32, #tpu.memory_space<hbm>> -> memref<32x128xf32, #tpu.memory_space<hbm>>
      tpu.wait_dma2 semaphore(%arg11 : memref<!tpu.dma_semaphore, #tpu.memory_space<semaphore_mem>>) src(%dma_wait3A_683 : memref<32x128xf32, #tpu.memory_space<hbm>>) dst(%dma_wait3A_680 : memref<32x128xf32, #tpu.memory_space<vmem>>)
      %dma_wait3A_684 = arith.constant 1 : i32
      %dma_wait3A_685 = arith.constant 0 : i32
      %dma_wait3A_686 = arith.constant 0 : i32
      %dma_wait3A_687 = tpu.memref_slice %arg8[%dma_wait3A_684, %dma_wait3A_685, %dma_wait3A_686] : memref<8x32x128xf32, #tpu.memory_space<vmem>> -> memref<1x32x128xf32, #tpu.memory_space<vmem>>
      %dma_wait3A_688 = tpu.memref_squeeze %dma_wait3A_687 : memref<1x32x128xf32, #tpu.memory_space<vmem>> -> memref<32x128xf32, #tpu.memory_space<vmem>>
      %dma_wait3A_689 = arith.constant 0 : i32
      %dma_wait3A_690 = arith.constant 0 : i32
      %dma_wait3A_691 = tpu.memref_slice %arg4[%dma_wait3A_689, %dma_wait3A_690] : memref<32x1000000xf32, #tpu.memory_space<hbm>> -> memref<32x128xf32, #tpu.memory_space<hbm>>
      %dma_wait3A_692 = arith.constant 0 : i32
      %dma_wait3A_693 = arith.constant 0 : i32
      %dma_wait3A_694 = tpu.memref_slice %arg8[%dma_wait3A_684, %dma_wait3A_692, %dma_wait3A_693] : memref<8x32x128xf32, #tpu.memory_space<vmem>> -> memref<1x32x128xf32, #tpu.memory_space<vmem>>
      %dma_wait3A_695 = tpu.memref_squeeze %dma_wait3A_694 : memref<1x32x128xf32, #tpu.memory_space<vmem>> -> memref<32x128xf32, #tpu.memory_space<vmem>>
      %dma_wait3A_696 = arith.constant 0 : i32
      %dma_wait3A_697 = arith.constant 0 : i32
      %dma_wait3A_698 = tpu.memref_slice %arg4[%dma_wait3A_696, %dma_wait3A_697] : memref<32x1000000xf32, #tpu.memory_space<hbm>> -> memref<32x128xf32, #tpu.memory_space<hbm>>
      tpu.wait_dma2 semaphore(%arg11 : memref<!tpu.dma_semaphore, #tpu.memory_space<semaphore_mem>>) src(%dma_wait3A_698 : memref<32x128xf32, #tpu.memory_space<hbm>>) dst(%dma_wait3A_695 : memref<32x128xf32, #tpu.memory_space<vmem>>)
      %slice3A_699 = vector.extract_strided_slice %and3A_544 {offsets = [1], sizes = [1], strides = [1]} : vector<16xi32> to vector<1xi32>
      %squeeze3A_700 = vector.extract %slice3A_699[0] : i32 from vector<1xi32>
      %mul3A_701 = vector.broadcast %squeeze3A_700 : i32 to vector<16xi32>
      %mul3A_702 = arith.muli %broadcast_in_dim3A_572, %mul3A_701 : vector<16xi32>
      %slice3A_703 = vector.extract_strided_slice %and3A_547 {offsets = [1], sizes = [1], strides = [1]} : vector<16xi32> to vector<1xi32>
      %squeeze3A_704 = vector.extract %slice3A_703[0] : i32 from vector<1xi32>
      %mul3A_705 = vector.broadcast %squeeze3A_704 : i32 to vector<16xi32>
      %mul3A_706 = arith.muli %broadcast_in_dim3A_572, %mul3A_705 : vector<16xi32>
      %gather3A_707 = tpu.vector_load_idx %arg7[%mul3A_668, %iota3A, %mul3A_702] : memref<8x32x128xf32, #tpu.memory_space<vmem>>[vector<16xi32>, vector<16xi32>, vector<16xi32>], vector<16xf32>,
      %add3A_708 = arith.constant 16 : i32
      %add3A_709 = vector.broadcast %add3A_708 : i32 to vector<16xi32>
      %add3A_710 = arith.addi %iota3A, %add3A_709 : vector<16xi32>
      %gather3A_711 = tpu.vector_load_idx %arg7[%mul3A_668, %add3A_710, %mul3A_702] : memref<8x32x128xf32, #tpu.memory_space<vmem>>[vector<16xi32>, vector<16xi32>, vector<16xi32>], vector<16xf32>,
      %gather3A_712 = tpu.vector_load_idx %arg8[%mul3A_668, %iota3A, %mul3A_706] : memref<8x32x128xf32, #tpu.memory_space<vmem>>[vector<16xi32>, vector<16xi32>, vector<16xi32>], vector<16xf32>,
      %add3A_713 = arith.constant 16 : i32
      %add3A_714 = vector.broadcast %add3A_713 : i32 to vector<16xi32>
      %add3A_715 = arith.addi %iota3A, %add3A_714 : vector<16xi32>
      %gather3A_716 = tpu.vector_load_idx %arg8[%mul3A_668, %add3A_715, %mul3A_706] : memref<8x32x128xf32, #tpu.memory_space<vmem>>[vector<16xi32>, vector<16xi32>, vector<16xi32>], vector<16xf32>,
      %mul3A_717 = arith.mulf %gather3A_707, %gather3A_712 : vector<16xf32>
      %mul3A_718 = arith.mulf %gather3A_711, %gather3A_716 : vector<16xf32>
      %add3A_719 = arith.addf %mul3A_717, %mul3A_718 : vector<16xf32>
      %reduce_sum3A_720 = arith.constant true
      %reduce_sum3A_721 = vector.broadcast %reduce_sum3A_720 : i1 to vector<16xi1>
      %reduce_sum3A_722 = tpu.scan <sum>, %add3A_719 masked %reduce_sum3A_721 : vector<16xf32>, vector<16xi1> -> vector<16xf32>
      %reduce_sum3A_723 = vector.extract %reduce_sum3A_722[15] : f32 from vector<16xf32>
      %eq3A_724 = arith.constant 1 : i32
      %eq3A_725 = vector.broadcast %eq3A_724 : i32 to vector<16xi32>
      %eq3A_726 = arith.cmpi eq, %iota3A, %eq3A_725 : vector<16xi32>
      %broadcast_in_dim3A_727 = vector.broadcast %reduce_sum3A_723 : f32 to vector<16xf32>
      %select_n3A_728 = arith.select %eq3A_726, %broadcast_in_dim3A_727, %select_n3A : vector<16xi1>, vector<16xf32>
      %slice3A_729 = vector.extract_strided_slice %shift_left3A_553 {offsets = [9], sizes = [1], strides = [1]} : vector<16xi32> to vector<1xi32>
      %squeeze3A_730 = vector.extract %slice3A_729[0] : i32 from vector<1xi32>
      %multiple_of3A_731 = tpu.assume_multiple %squeeze3A_730, 128 : i32
      %dma_start3A_732 = arith.constant 1 : i32
      %dma_start3A_733 = arith.constant 0 : i32
      %dma_start3A_734 = arith.constant 0 : i32
      %dma_start3A_735 = tpu.memref_slice %arg7[%dma_start3A_732, %dma_start3A_733, %dma_start3A_734] : memref<8x32x128xf32, #tpu.memory_space<vmem>> -> memref<1x32x128xf32, #tpu.memory_space<vmem>>
      %dma_start3A_736 = tpu.memref_squeeze %dma_start3A_735 : memref<1x32x128xf32, #tpu.memory_space<vmem>> -> memref<32x128xf32, #tpu.memory_space<vmem>>
      %dma_start3A_737 = arith.constant 0 : i32
      %dma_start3A_738 = tpu.memref_slice %arg3[%dma_start3A_737, %multiple_of3A_731] : memref<32x1000000xf32, #tpu.memory_space<hbm>> -> memref<32x128xf32, #tpu.memory_space<hbm>>
      %dma_start3A_739 = arith.constant 0 : i32
      %dma_start3A_740 = arith.constant 0 : i32
      %dma_start3A_741 = tpu.memref_slice %arg7[%dma_start3A_732, %dma_start3A_739, %dma_start3A_740] : memref<8x32x128xf32, #tpu.memory_space<vmem>> -> memref<1x32x128xf32, #tpu.memory_space<vmem>>
      %dma_start3A_742 = tpu.memref_squeeze %dma_start3A_741 : memref<1x32x128xf32, #tpu.memory_space<vmem>> -> memref<32x128xf32, #tpu.memory_space<vmem>>
      %dma_start3A_743 = arith.constant 0 : i32
      %dma_start3A_744 = tpu.memref_slice %arg3[%dma_start3A_743, %multiple_of3A_731] : memref<32x1000000xf32, #tpu.memory_space<hbm>> -> memref<32x128xf32, #tpu.memory_space<hbm>>
      tpu.enqueue_dma source(%dma_start3A_744 : memref<32x128xf32, #tpu.memory_space<hbm>>) target(%dma_start3A_742 : memref<32x128xf32, #tpu.memory_space<vmem>>) target_semaphore(%arg11 : memref<!tpu.dma_semaphore, #tpu.memory_space<semaphore_mem>>)
      %slice3A_745 = vector.extract_strided_slice %shift_left3A_559 {offsets = [9], sizes = [1], strides = [1]} : vector<16xi32> to vector<1xi32>
      %squeeze3A_746 = vector.extract %slice3A_745[0] : i32 from vector<1xi32>
      %multiple_of3A_747 = tpu.assume_multiple %squeeze3A_746, 128 : i32
      %dma_start3A_748 = arith.constant 1 : i32
      %dma_start3A_749 = arith.constant 0 : i32
      %dma_start3A_750 = arith.constant 0 : i32
      %dma_start3A_751 = tpu.memref_slice %arg8[%dma_start3A_748, %dma_start3A_749, %dma_start3A_750] : memref<8x32x128xf32, #tpu.memory_space<vmem>> -> memref<1x32x128xf32, #tpu.memory_space<vmem>>
      %dma_start3A_752 = tpu.memref_squeeze %dma_start3A_751 : memref<1x32x128xf32, #tpu.memory_space<vmem>> -> memref<32x128xf32, #tpu.memory_space<vmem>>
      %dma_start3A_753 = arith.constant 0 : i32
      %dma_start3A_754 = tpu.memref_slice %arg4[%dma_start3A_753, %multiple_of3A_747] : memref<32x1000000xf32, #tpu.memory_space<hbm>> -> memref<32x128xf32, #tpu.memory_space<hbm>>
      %dma_start3A_755 = arith.constant 0 : i32
      %dma_start3A_756 = arith.constant 0 : i32
      %dma_start3A_757 = tpu.memref_slice %arg8[%dma_start3A_748, %dma_start3A_755, %dma_start3A_756] : memref<8x32x128xf32, #tpu.memory_space<vmem>> -> memref<1x32x128xf32, #tpu.memory_space<vmem>>
      %dma_start3A_758 = tpu.memref_squeeze %dma_start3A_757 : memref<1x32x128xf32, #tpu.memory_space<vmem>> -> memref<32x128xf32, #tpu.memory_space<vmem>>
      %dma_start3A_759 = arith.constant 0 : i32
      %dma_start3A_760 = tpu.memref_slice %arg4[%dma_start3A_759, %multiple_of3A_747] : memref<32x1000000xf32, #tpu.memory_space<hbm>> -> memref<32x128xf32, #tpu.memory_space<hbm>>
      tpu.enqueue_dma source(%dma_start3A_760 : memref<32x128xf32, #tpu.memory_space<hbm>>) target(%dma_start3A_758 : memref<32x128xf32, #tpu.memory_space<vmem>>) target_semaphore(%arg11 : memref<!tpu.dma_semaphore, #tpu.memory_space<semaphore_mem>>)
      %mul3A_761 = arith.constant 2 : i32
      %mul3A_762 = vector.broadcast %mul3A_761 : i32 to vector<16xi32>
      %mul3A_763 = arith.muli %broadcast_in_dim3A_572, %mul3A_762 : vector<16xi32>
      %dma_wait3A_764 = arith.constant 2 : i32
      %dma_wait3A_765 = arith.constant 0 : i32
      %dma_wait3A_766 = arith.constant 0 : i32
      %dma_wait3A_767 = tpu.memref_slice %arg7[%dma_wait3A_764, %dma_wait3A_765, %dma_wait3A_766] : memref<8x32x128xf32, #tpu.memory_space<vmem>> -> memref<1x32x128xf32, #tpu.memory_space<vmem>>
      %dma_wait3A_768 = tpu.memref_squeeze %dma_wait3A_767 : memref<1x32x128xf32, #tpu.memory_space<vmem>> -> memref<32x128xf32, #tpu.memory_space<vmem>>
      %dma_wait3A_769 = arith.constant 0 : i32
      %dma_wait3A_770 = arith.constant 0 : i32
      %dma_wait3A_771 = tpu.memref_slice %arg3[%dma_wait3A_769, %dma_wait3A_770] : memref<32x1000000xf32, #tpu.memory_space<hbm>> -> memref<32x128xf32, #tpu.memory_space<hbm>>
      %dma_wait3A_772 = arith.constant 0 : i32
      %dma_wait3A_773 = arith.constant 0 : i32
      %dma_wait3A_774 = tpu.memref_slice %arg7[%dma_wait3A_764, %dma_wait3A_772, %dma_wait3A_773] : memref<8x32x128xf32, #tpu.memory_space<vmem>> -> memref<1x32x128xf32, #tpu.memory_space<vmem>>
      %dma_wait3A_775 = tpu.memref_squeeze %dma_wait3A_774 : memref<1x32x128xf32, #tpu.memory_space<vmem>> -> memref<32x128xf32, #tpu.memory_space<vmem>>
      %dma_wait3A_776 = arith.constant 0 : i32
      %dma_wait3A_777 = arith.constant 0 : i32
      %dma_wait3A_778 = tpu.memref_slice %arg3[%dma_wait3A_776, %dma_wait3A_777] : memref<32x1000000xf32, #tpu.memory_space<hbm>> -> memref<32x128xf32, #tpu.memory_space<hbm>>
      tpu.wait_dma2 semaphore(%arg12 : memref<!tpu.dma_semaphore, #tpu.memory_space<semaphore_mem>>) src(%dma_wait3A_778 : memref<32x128xf32, #tpu.memory_space<hbm>>) dst(%dma_wait3A_775 : memref<32x128xf32, #tpu.memory_space<vmem>>)
      %dma_wait3A_779 = arith.constant 2 : i32
      %dma_wait3A_780 = arith.constant 0 : i32
      %dma_wait3A_781 = arith.constant 0 : i32
      %dma_wait3A_782 = tpu.memref_slice %arg8[%dma_wait3A_779, %dma_wait3A_780, %dma_wait3A_781] : memref<8x32x128xf32, #tpu.memory_space<vmem>> -> memref<1x32x128xf32, #tpu.memory_space<vmem>>
      %dma_wait3A_783 = tpu.memref_squeeze %dma_wait3A_782 : memref<1x32x128xf32, #tpu.memory_space<vmem>> -> memref<32x128xf32, #tpu.memory_space<vmem>>
      %dma_wait3A_784 = arith.constant 0 : i32
      %dma_wait3A_785 = arith.constant 0 : i32
      %dma_wait3A_786 = tpu.memref_slice %arg4[%dma_wait3A_784, %dma_wait3A_785] : memref<32x1000000xf32, #tpu.memory_space<hbm>> -> memref<32x128xf32, #tpu.memory_space<hbm>>
      %dma_wait3A_787 = arith.constant 0 : i32
      %dma_wait3A_788 = arith.constant 0 : i32
      %dma_wait3A_789 = tpu.memref_slice %arg8[%dma_wait3A_779, %dma_wait3A_787, %dma_wait3A_788] : memref<8x32x128xf32, #tpu.memory_space<vmem>> -> memref<1x32x128xf32, #tpu.memory_space<vmem>>
      %dma_wait3A_790 = tpu.memref_squeeze %dma_wait3A_789 : memref<1x32x128xf32, #tpu.memory_space<vmem>> -> memref<32x128xf32, #tpu.memory_space<vmem>>
      %dma_wait3A_791 = arith.constant 0 : i32
      %dma_wait3A_792 = arith.constant 0 : i32
      %dma_wait3A_793 = tpu.memref_slice %arg4[%dma_wait3A_791, %dma_wait3A_792] : memref<32x1000000xf32, #tpu.memory_space<hbm>> -> memref<32x128xf32, #tpu.memory_space<hbm>>
      tpu.wait_dma2 semaphore(%arg12 : memref<!tpu.dma_semaphore, #tpu.memory_space<semaphore_mem>>) src(%dma_wait3A_793 : memref<32x128xf32, #tpu.memory_space<hbm>>) dst(%dma_wait3A_790 : memref<32x128xf32, #tpu.memory_space<vmem>>)
      %slice3A_794 = vector.extract_strided_slice %and3A_544 {offsets = [2], sizes = [1], strides = [1]} : vector<16xi32> to vector<1xi32>
      %squeeze3A_795 = vector.extract %slice3A_794[0] : i32 from vector<1xi32>
      %mul3A_796 = vector.broadcast %squeeze3A_795 : i32 to vector<16xi32>
      %mul3A_797 = arith.muli %broadcast_in_dim3A_572, %mul3A_796 : vector<16xi32>
      %slice3A_798 = vector.extract_strided_slice %and3A_547 {offsets = [2], sizes = [1], strides = [1]} : vector<16xi32> to vector<1xi32>
      %squeeze3A_799 = vector.extract %slice3A_798[0] : i32 from vector<1xi32>
      %mul3A_800 = vector.broadcast %squeeze3A_799 : i32 to vector<16xi32>
      %mul3A_801 = arith.muli %broadcast_in_dim3A_572, %mul3A_800 : vector<16xi32>
      %gather3A_802 = tpu.vector_load_idx %arg7[%mul3A_763, %iota3A, %mul3A_797] : memref<8x32x128xf32, #tpu.memory_space<vmem>>[vector<16xi32>, vector<16xi32>, vector<16xi32>], vector<16xf32>,
      %add3A_803 = arith.constant 16 : i32
      %add3A_804 = vector.broadcast %add3A_803 : i32 to vector<16xi32>
      %add3A_805 = arith.addi %iota3A, %add3A_804 : vector<16xi32>
      %gather3A_806 = tpu.vector_load_idx %arg7[%mul3A_763, %add3A_805, %mul3A_797] : memref<8x32x128xf32, #tpu.memory_space<vmem>>[vector<16xi32>, vector<16xi32>, vector<16xi32>], vector<16xf32>,
      %gather3A_807 = tpu.vector_load_idx %arg8[%mul3A_763, %iota3A, %mul3A_801] : memref<8x32x128xf32, #tpu.memory_space<vmem>>[vector<16xi32>, vector<16xi32>, vector<16xi32>], vector<16xf32>,
      %add3A_808 = arith.constant 16 : i32
      %add3A_809 = vector.broadcast %add3A_808 : i32 to vector<16xi32>
      %add3A_810 = arith.addi %iota3A, %add3A_809 : vector<16xi32>
      %gather3A_811 = tpu.vector_load_idx %arg8[%mul3A_763, %add3A_810, %mul3A_801] : memref<8x32x128xf32, #tpu.memory_space<vmem>>[vector<16xi32>, vector<16xi32>, vector<16xi32>], vector<16xf32>,
      %mul3A_812 = arith.mulf %gather3A_802, %gather3A_807 : vector<16xf32>
      %mul3A_813 = arith.mulf %gather3A_806, %gather3A_811 : vector<16xf32>
      %add3A_814 = arith.addf %mul3A_812, %mul3A_813 : vector<16xf32>
      %reduce_sum3A_815 = arith.constant true
      %reduce_sum3A_816 = vector.broadcast %reduce_sum3A_815 : i1 to vector<16xi1>
      %reduce_sum3A_817 = tpu.scan <sum>, %add3A_814 masked %reduce_sum3A_816 : vector<16xf32>, vector<16xi1> -> vector<16xf32>
      %reduce_sum3A_818 = vector.extract %reduce_sum3A_817[15] : f32 from vector<16xf32>
      %eq3A_819 = arith.constant 2 : i32
      %eq3A_820 = vector.broadcast %eq3A_819 : i32 to vector<16xi32>
      %eq3A_821 = arith.cmpi eq, %iota3A, %eq3A_820 : vector<16xi32>
      %broadcast_in_dim3A_822 = vector.broadcast %reduce_sum3A_818 : f32 to vector<16xf32>
      %select_n3A_823 = arith.select %eq3A_821, %broadcast_in_dim3A_822, %select_n3A_728 : vector<16xi1>, vector<16xf32>
      %slice3A_824 = vector.extract_strided_slice %shift_left3A_553 {offsets = [10], sizes = [1], strides = [1]} : vector<16xi32> to vector<1xi32>
      %squeeze3A_825 = vector.extract %slice3A_824[0] : i32 from vector<1xi32>
      %multiple_of3A_826 = tpu.assume_multiple %squeeze3A_825, 128 : i32
      %dma_start3A_827 = arith.constant 2 : i32
      %dma_start3A_828 = arith.constant 0 : i32
      %dma_start3A_829 = arith.constant 0 : i32
      %dma_start3A_830 = tpu.memref_slice %arg7[%dma_start3A_827, %dma_start3A_828, %dma_start3A_829] : memref<8x32x128xf32, #tpu.memory_space<vmem>> -> memref<1x32x128xf32, #tpu.memory_space<vmem>>
      %dma_start3A_831 = tpu.memref_squeeze %dma_start3A_830 : memref<1x32x128xf32, #tpu.memory_space<vmem>> -> memref<32x128xf32, #tpu.memory_space<vmem>>
      %dma_start3A_832 = arith.constant 0 : i32
      %dma_start3A_833 = tpu.memref_slice %arg3[%dma_start3A_832, %multiple_of3A_826] : memref<32x1000000xf32, #tpu.memory_space<hbm>> -> memref<32x128xf32, #tpu.memory_space<hbm>>
      %dma_start3A_834 = arith.constant 0 : i32
      %dma_start3A_835 = arith.constant 0 : i32
      %dma_start3A_836 = tpu.memref_slice %arg7[%dma_start3A_827, %dma_start3A_834, %dma_start3A_835] : memref<8x32x128xf32, #tpu.memory_space<vmem>> -> memref<1x32x128xf32, #tpu.memory_space<vmem>>
      %dma_start3A_837 = tpu.memref_squeeze %dma_start3A_836 : memref<1x32x128xf32, #tpu.memory_space<vmem>> -> memref<32x128xf32, #tpu.memory_space<vmem>>
      %dma_start3A_838 = arith.constant 0 : i32
      %dma_start3A_839 = tpu.memref_slice %arg3[%dma_start3A_838, %multiple_of3A_826] : memref<32x1000000xf32, #tpu.memory_space<hbm>> -> memref<32x128xf32, #tpu.memory_space<hbm>>
      tpu.enqueue_dma source(%dma_start3A_839 : memref<32x128xf32, #tpu.memory_space<hbm>>) target(%dma_start3A_837 : memref<32x128xf32, #tpu.memory_space<vmem>>) target_semaphore(%arg12 : memref<!tpu.dma_semaphore, #tpu.memory_space<semaphore_mem>>)
      %slice3A_840 = vector.extract_strided_slice %shift_left3A_559 {offsets = [10], sizes = [1], strides = [1]} : vector<16xi32> to vector<1xi32>
      %squeeze3A_841 = vector.extract %slice3A_840[0] : i32 from vector<1xi32>
      %multiple_of3A_842 = tpu.assume_multiple %squeeze3A_841, 128 : i32
      %dma_start3A_843 = arith.constant 2 : i32
      %dma_start3A_844 = arith.constant 0 : i32
      %dma_start3A_845 = arith.constant 0 : i32
      %dma_start3A_846 = tpu.memref_slice %arg8[%dma_start3A_843, %dma_start3A_844, %dma_start3A_845] : memref<8x32x128xf32, #tpu.memory_space<vmem>> -> memref<1x32x128xf32, #tpu.memory_space<vmem>>
      %dma_start3A_847 = tpu.memref_squeeze %dma_start3A_846 : memref<1x32x128xf32, #tpu.memory_space<vmem>> -> memref<32x128xf32, #tpu.memory_space<vmem>>
      %dma_start3A_848 = arith.constant 0 : i32
      %dma_start3A_849 = tpu.memref_slice %arg4[%dma_start3A_848, %multiple_of3A_842] : memref<32x1000000xf32, #tpu.memory_space<hbm>> -> memref<32x128xf32, #tpu.memory_space<hbm>>
      %dma_start3A_850 = arith.constant 0 : i32
      %dma_start3A_851 = arith.constant 0 : i32
      %dma_start3A_852 = tpu.memref_slice %arg8[%dma_start3A_843, %dma_start3A_850, %dma_start3A_851] : memref<8x32x128xf32, #tpu.memory_space<vmem>> -> memref<1x32x128xf32, #tpu.memory_space<vmem>>
      %dma_start3A_853 = tpu.memref_squeeze %dma_start3A_852 : memref<1x32x128xf32, #tpu.memory_space<vmem>> -> memref<32x128xf32, #tpu.memory_space<vmem>>
      %dma_start3A_854 = arith.constant 0 : i32
      %dma_start3A_855 = tpu.memref_slice %arg4[%dma_start3A_854, %multiple_of3A_842] : memref<32x1000000xf32, #tpu.memory_space<hbm>> -> memref<32x128xf32, #tpu.memory_space<hbm>>
      tpu.enqueue_dma source(%dma_start3A_855 : memref<32x128xf32, #tpu.memory_space<hbm>>) target(%dma_start3A_853 : memref<32x128xf32, #tpu.memory_space<vmem>>) target_semaphore(%arg12 : memref<!tpu.dma_semaphore, #tpu.memory_space<semaphore_mem>>)
      %mul3A_856 = arith.constant 3 : i32
      %mul3A_857 = vector.broadcast %mul3A_856 : i32 to vector<16xi32>
      %mul3A_858 = arith.muli %broadcast_in_dim3A_572, %mul3A_857 : vector<16xi32>
      %dma_wait3A_859 = arith.constant 3 : i32
      %dma_wait3A_860 = arith.constant 0 : i32
      %dma_wait3A_861 = arith.constant 0 : i32
      %dma_wait3A_862 = tpu.memref_slice %arg7[%dma_wait3A_859, %dma_wait3A_860, %dma_wait3A_861] : memref<8x32x128xf32, #tpu.memory_space<vmem>> -> memref<1x32x128xf32, #tpu.memory_space<vmem>>
      %dma_wait3A_863 = tpu.memref_squeeze %dma_wait3A_862 : memref<1x32x128xf32, #tpu.memory_space<vmem>> -> memref<32x128xf32, #tpu.memory_space<vmem>>
      %dma_wait3A_864 = arith.constant 0 : i32
      %dma_wait3A_865 = arith.constant 0 : i32
      %dma_wait3A_866 = tpu.memref_slice %arg3[%dma_wait3A_864, %dma_wait3A_865] : memref<32x1000000xf32, #tpu.memory_space<hbm>> -> memref<32x128xf32, #tpu.memory_space<hbm>>
      %dma_wait3A_867 = arith.constant 0 : i32
      %dma_wait3A_868 = arith.constant 0 : i32
      %dma_wait3A_869 = tpu.memref_slice %arg7[%dma_wait3A_859, %dma_wait3A_867, %dma_wait3A_868] : memref<8x32x128xf32, #tpu.memory_space<vmem>> -> memref<1x32x128xf32, #tpu.memory_space<vmem>>
      %dma_wait3A_870 = tpu.memref_squeeze %dma_wait3A_869 : memref<1x32x128xf32, #tpu.memory_space<vmem>> -> memref<32x128xf32, #tpu.memory_space<vmem>>
      %dma_wait3A_871 = arith.constant 0 : i32
      %dma_wait3A_872 = arith.constant 0 : i32
      %dma_wait3A_873 = tpu.memref_slice %arg3[%dma_wait3A_871, %dma_wait3A_872] : memref<32x1000000xf32, #tpu.memory_space<hbm>> -> memref<32x128xf32, #tpu.memory_space<hbm>>
      tpu.wait_dma2 semaphore(%arg13 : memref<!tpu.dma_semaphore, #tpu.memory_space<semaphore_mem>>) src(%dma_wait3A_873 : memref<32x128xf32, #tpu.memory_space<hbm>>) dst(%dma_wait3A_870 : memref<32x128xf32, #tpu.memory_space<vmem>>)
      %dma_wait3A_874 = arith.constant 3 : i32
      %dma_wait3A_875 = arith.constant 0 : i32
      %dma_wait3A_876 = arith.constant 0 : i32
      %dma_wait3A_877 = tpu.memref_slice %arg8[%dma_wait3A_874, %dma_wait3A_875, %dma_wait3A_876] : memref<8x32x128xf32, #tpu.memory_space<vmem>> -> memref<1x32x128xf32, #tpu.memory_space<vmem>>
      %dma_wait3A_878 = tpu.memref_squeeze %dma_wait3A_877 : memref<1x32x128xf32, #tpu.memory_space<vmem>> -> memref<32x128xf32, #tpu.memory_space<vmem>>
      %dma_wait3A_879 = arith.constant 0 : i32
      %dma_wait3A_880 = arith.constant 0 : i32
      %dma_wait3A_881 = tpu.memref_slice %arg4[%dma_wait3A_879, %dma_wait3A_880] : memref<32x1000000xf32, #tpu.memory_space<hbm>> -> memref<32x128xf32, #tpu.memory_space<hbm>>
      %dma_wait3A_882 = arith.constant 0 : i32
      %dma_wait3A_883 = arith.constant 0 : i32
      %dma_wait3A_884 = tpu.memref_slice %arg8[%dma_wait3A_874, %dma_wait3A_882, %dma_wait3A_883] : memref<8x32x128xf32, #tpu.memory_space<vmem>> -> memref<1x32x128xf32, #tpu.memory_space<vmem>>
      %dma_wait3A_885 = tpu.memref_squeeze %dma_wait3A_884 : memref<1x32x128xf32, #tpu.memory_space<vmem>> -> memref<32x128xf32, #tpu.memory_space<vmem>>
      %dma_wait3A_886 = arith.constant 0 : i32
      %dma_wait3A_887 = arith.constant 0 : i32
      %dma_wait3A_888 = tpu.memref_slice %arg4[%dma_wait3A_886, %dma_wait3A_887] : memref<32x1000000xf32, #tpu.memory_space<hbm>> -> memref<32x128xf32, #tpu.memory_space<hbm>>
      tpu.wait_dma2 semaphore(%arg13 : memref<!tpu.dma_semaphore, #tpu.memory_space<semaphore_mem>>) src(%dma_wait3A_888 : memref<32x128xf32, #tpu.memory_space<hbm>>) dst(%dma_wait3A_885 : memref<32x128xf32, #tpu.memory_space<vmem>>)
      %slice3A_889 = vector.extract_strided_slice %and3A_544 {offsets = [3], sizes = [1], strides = [1]} : vector<16xi32> to vector<1xi32>
      %squeeze3A_890 = vector.extract %slice3A_889[0] : i32 from vector<1xi32>
      %mul3A_891 = vector.broadcast %squeeze3A_890 : i32 to vector<16xi32>
      %mul3A_892 = arith.muli %broadcast_in_dim3A_572, %mul3A_891 : vector<16xi32>
      %slice3A_893 = vector.extract_strided_slice %and3A_547 {offsets = [3], sizes = [1], strides = [1]} : vector<16xi32> to vector<1xi32>
      %squeeze3A_894 = vector.extract %slice3A_893[0] : i32 from vector<1xi32>
      %mul3A_895 = vector.broadcast %squeeze3A_894 : i32 to vector<16xi32>
      %mul3A_896 = arith.muli %broadcast_in_dim3A_572, %mul3A_895 : vector<16xi32>
      %gather3A_897 = tpu.vector_load_idx %arg7[%mul3A_858, %iota3A, %mul3A_892] : memref<8x32x128xf32, #tpu.memory_space<vmem>>[vector<16xi32>, vector<16xi32>, vector<16xi32>], vector<16xf32>,
      %add3A_898 = arith.constant 16 : i32
      %add3A_899 = vector.broadcast %add3A_898 : i32 to vector<16xi32>
      %add3A_900 = arith.addi %iota3A, %add3A_899 : vector<16xi32>
      %gather3A_901 = tpu.vector_load_idx %arg7[%mul3A_858, %add3A_900, %mul3A_892] : memref<8x32x128xf32, #tpu.memory_space<vmem>>[vector<16xi32>, vector<16xi32>, vector<16xi32>], vector<16xf32>,
      %gather3A_902 = tpu.vector_load_idx %arg8[%mul3A_858, %iota3A, %mul3A_896] : memref<8x32x128xf32, #tpu.memory_space<vmem>>[vector<16xi32>, vector<16xi32>, vector<16xi32>], vector<16xf32>,
      %add3A_903 = arith.constant 16 : i32
      %add3A_904 = vector.broadcast %add3A_903 : i32 to vector<16xi32>
      %add3A_905 = arith.addi %iota3A, %add3A_904 : vector<16xi32>
      %gather3A_906 = tpu.vector_load_idx %arg8[%mul3A_858, %add3A_905, %mul3A_896] : memref<8x32x128xf32, #tpu.memory_space<vmem>>[vector<16xi32>, vector<16xi32>, vector<16xi32>], vector<16xf32>,
      %mul3A_907 = arith.mulf %gather3A_897, %gather3A_902 : vector<16xf32>
      %mul3A_908 = arith.mulf %gather3A_901, %gather3A_906 : vector<16xf32>
      %add3A_909 = arith.addf %mul3A_907, %mul3A_908 : vector<16xf32>
      %reduce_sum3A_910 = arith.constant true
      %reduce_sum3A_911 = vector.broadcast %reduce_sum3A_910 : i1 to vector<16xi1>
      %reduce_sum3A_912 = tpu.scan <sum>, %add3A_909 masked %reduce_sum3A_911 : vector<16xf32>, vector<16xi1> -> vector<16xf32>
      %reduce_sum3A_913 = vector.extract %reduce_sum3A_912[15] : f32 from vector<16xf32>
      %eq3A_914 = arith.constant 3 : i32
      %eq3A_915 = vector.broadcast %eq3A_914 : i32 to vector<16xi32>
      %eq3A_916 = arith.cmpi eq, %iota3A, %eq3A_915 : vector<16xi32>
      %broadcast_in_dim3A_917 = vector.broadcast %reduce_sum3A_913 : f32 to vector<16xf32>
      %select_n3A_918 = arith.select %eq3A_916, %broadcast_in_dim3A_917, %select_n3A_823 : vector<16xi1>, vector<16xf32>
      %slice3A_919 = vector.extract_strided_slice %shift_left3A_553 {offsets = [11], sizes = [1], strides = [1]} : vector<16xi32> to vector<1xi32>
      %squeeze3A_920 = vector.extract %slice3A_919[0] : i32 from vector<1xi32>
      %multiple_of3A_921 = tpu.assume_multiple %squeeze3A_920, 128 : i32
      %dma_start3A_922 = arith.constant 3 : i32
      %dma_start3A_923 = arith.constant 0 : i32
      %dma_start3A_924 = arith.constant 0 : i32
      %dma_start3A_925 = tpu.memref_slice %arg7[%dma_start3A_922, %dma_start3A_923, %dma_start3A_924] : memref<8x32x128xf32, #tpu.memory_space<vmem>> -> memref<1x32x128xf32, #tpu.memory_space<vmem>>
      %dma_start3A_926 = tpu.memref_squeeze %dma_start3A_925 : memref<1x32x128xf32, #tpu.memory_space<vmem>> -> memref<32x128xf32, #tpu.memory_space<vmem>>
      %dma_start3A_927 = arith.constant 0 : i32
      %dma_start3A_928 = tpu.memref_slice %arg3[%dma_start3A_927, %multiple_of3A_921] : memref<32x1000000xf32, #tpu.memory_space<hbm>> -> memref<32x128xf32, #tpu.memory_space<hbm>>
      %dma_start3A_929 = arith.constant 0 : i32
      %dma_start3A_930 = arith.constant 0 : i32
      %dma_start3A_931 = tpu.memref_slice %arg7[%dma_start3A_922, %dma_start3A_929, %dma_start3A_930] : memref<8x32x128xf32, #tpu.memory_space<vmem>> -> memref<1x32x128xf32, #tpu.memory_space<vmem>>
      %dma_start3A_932 = tpu.memref_squeeze %dma_start3A_931 : memref<1x32x128xf32, #tpu.memory_space<vmem>> -> memref<32x128xf32, #tpu.memory_space<vmem>>
      %dma_start3A_933 = arith.constant 0 : i32
      %dma_start3A_934 = tpu.memref_slice %arg3[%dma_start3A_933, %multiple_of3A_921] : memref<32x1000000xf32, #tpu.memory_space<hbm>> -> memref<32x128xf32, #tpu.memory_space<hbm>>
      tpu.enqueue_dma source(%dma_start3A_934 : memref<32x128xf32, #tpu.memory_space<hbm>>) target(%dma_start3A_932 : memref<32x128xf32, #tpu.memory_space<vmem>>) target_semaphore(%arg13 : memref<!tpu.dma_semaphore, #tpu.memory_space<semaphore_mem>>)
      %slice3A_935 = vector.extract_strided_slice %shift_left3A_559 {offsets = [11], sizes = [1], strides = [1]} : vector<16xi32> to vector<1xi32>
      %squeeze3A_936 = vector.extract %slice3A_935[0] : i32 from vector<1xi32>
      %multiple_of3A_937 = tpu.assume_multiple %squeeze3A_936, 128 : i32
      %dma_start3A_938 = arith.constant 3 : i32
      %dma_start3A_939 = arith.constant 0 : i32
      %dma_start3A_940 = arith.constant 0 : i32
      %dma_start3A_941 = tpu.memref_slice %arg8[%dma_start3A_938, %dma_start3A_939, %dma_start3A_940] : memref<8x32x128xf32, #tpu.memory_space<vmem>> -> memref<1x32x128xf32, #tpu.memory_space<vmem>>
      %dma_start3A_942 = tpu.memref_squeeze %dma_start3A_941 : memref<1x32x128xf32, #tpu.memory_space<vmem>> -> memref<32x128xf32, #tpu.memory_space<vmem>>
      %dma_start3A_943 = arith.constant 0 : i32
      %dma_start3A_944 = tpu.memref_slice %arg4[%dma_start3A_943, %multiple_of3A_937] : memref<32x1000000xf32, #tpu.memory_space<hbm>> -> memref<32x128xf32, #tpu.memory_space<hbm>>
      %dma_start3A_945 = arith.constant 0 : i32
      %dma_start3A_946 = arith.constant 0 : i32
      %dma_start3A_947 = tpu.memref_slice %arg8[%dma_start3A_938, %dma_start3A_945, %dma_start3A_946] : memref<8x32x128xf32, #tpu.memory_space<vmem>> -> memref<1x32x128xf32, #tpu.memory_space<vmem>>
      %dma_start3A_948 = tpu.memref_squeeze %dma_start3A_947 : memref<1x32x128xf32, #tpu.memory_space<vmem>> -> memref<32x128xf32, #tpu.memory_space<vmem>>
      %dma_start3A_949 = arith.constant 0 : i32
      %dma_start3A_950 = tpu.memref_slice %arg4[%dma_start3A_949, %multiple_of3A_937] : memref<32x1000000xf32, #tpu.memory_space<hbm>> -> memref<32x128xf32, #tpu.memory_space<hbm>>
      tpu.enqueue_dma source(%dma_start3A_950 : memref<32x128xf32, #tpu.memory_space<hbm>>) target(%dma_start3A_948 : memref<32x128xf32, #tpu.memory_space<vmem>>) target_semaphore(%arg13 : memref<!tpu.dma_semaphore, #tpu.memory_space<semaphore_mem>>)
      %mul3A_951 = arith.constant 4 : i32
      %mul3A_952 = vector.broadcast %mul3A_951 : i32 to vector<16xi32>
      %mul3A_953 = arith.muli %broadcast_in_dim3A_572, %mul3A_952 : vector<16xi32>
      %dma_wait3A_954 = arith.constant 4 : i32
      %dma_wait3A_955 = arith.constant 0 : i32
      %dma_wait3A_956 = arith.constant 0 : i32
      %dma_wait3A_957 = tpu.memref_slice %arg7[%dma_wait3A_954, %dma_wait3A_955, %dma_wait3A_956] : memref<8x32x128xf32, #tpu.memory_space<vmem>> -> memref<1x32x128xf32, #tpu.memory_space<vmem>>
      %dma_wait3A_958 = tpu.memref_squeeze %dma_wait3A_957 : memref<1x32x128xf32, #tpu.memory_space<vmem>> -> memref<32x128xf32, #tpu.memory_space<vmem>>
      %dma_wait3A_959 = arith.constant 0 : i32
      %dma_wait3A_960 = arith.constant 0 : i32
      %dma_wait3A_961 = tpu.memref_slice %arg3[%dma_wait3A_959, %dma_wait3A_960] : memref<32x1000000xf32, #tpu.memory_space<hbm>> -> memref<32x128xf32, #tpu.memory_space<hbm>>
      %dma_wait3A_962 = arith.constant 0 : i32
      %dma_wait3A_963 = arith.constant 0 : i32
      %dma_wait3A_964 = tpu.memref_slice %arg7[%dma_wait3A_954, %dma_wait3A_962, %dma_wait3A_963] : memref<8x32x128xf32, #tpu.memory_space<vmem>> -> memref<1x32x128xf32, #tpu.memory_space<vmem>>
      %dma_wait3A_965 = tpu.memref_squeeze %dma_wait3A_964 : memref<1x32x128xf32, #tpu.memory_space<vmem>> -> memref<32x128xf32, #tpu.memory_space<vmem>>
      %dma_wait3A_966 = arith.constant 0 : i32
      %dma_wait3A_967 = arith.constant 0 : i32
      %dma_wait3A_968 = tpu.memref_slice %arg3[%dma_wait3A_966, %dma_wait3A_967] : memref<32x1000000xf32, #tpu.memory_space<hbm>> -> memref<32x128xf32, #tpu.memory_space<hbm>>
      tpu.wait_dma2 semaphore(%arg14 : memref<!tpu.dma_semaphore, #tpu.memory_space<semaphore_mem>>) src(%dma_wait3A_968 : memref<32x128xf32, #tpu.memory_space<hbm>>) dst(%dma_wait3A_965 : memref<32x128xf32, #tpu.memory_space<vmem>>)
      %dma_wait3A_969 = arith.constant 4 : i32
      %dma_wait3A_970 = arith.constant 0 : i32
      %dma_wait3A_971 = arith.constant 0 : i32
      %dma_wait3A_972 = tpu.memref_slice %arg8[%dma_wait3A_969, %dma_wait3A_970, %dma_wait3A_971] : memref<8x32x128xf32, #tpu.memory_space<vmem>> -> memref<1x32x128xf32, #tpu.memory_space<vmem>>
      %dma_wait3A_973 = tpu.memref_squeeze %dma_wait3A_972 : memref<1x32x128xf32, #tpu.memory_space<vmem>> -> memref<32x128xf32, #tpu.memory_space<vmem>>
      %dma_wait3A_974 = arith.constant 0 : i32
      %dma_wait3A_975 = arith.constant 0 : i32
      %dma_wait3A_976 = tpu.memref_slice %arg4[%dma_wait3A_974, %dma_wait3A_975] : memref<32x1000000xf32, #tpu.memory_space<hbm>> -> memref<32x128xf32, #tpu.memory_space<hbm>>
      %dma_wait3A_977 = arith.constant 0 : i32
      %dma_wait3A_978 = arith.constant 0 : i32
      %dma_wait3A_979 = tpu.memref_slice %arg8[%dma_wait3A_969, %dma_wait3A_977, %dma_wait3A_978] : memref<8x32x128xf32, #tpu.memory_space<vmem>> -> memref<1x32x128xf32, #tpu.memory_space<vmem>>
      %dma_wait3A_980 = tpu.memref_squeeze %dma_wait3A_979 : memref<1x32x128xf32, #tpu.memory_space<vmem>> -> memref<32x128xf32, #tpu.memory_space<vmem>>
      %dma_wait3A_981 = arith.constant 0 : i32
      %dma_wait3A_982 = arith.constant 0 : i32
      %dma_wait3A_983 = tpu.memref_slice %arg4[%dma_wait3A_981, %dma_wait3A_982] : memref<32x1000000xf32, #tpu.memory_space<hbm>> -> memref<32x128xf32, #tpu.memory_space<hbm>>
      tpu.wait_dma2 semaphore(%arg14 : memref<!tpu.dma_semaphore, #tpu.memory_space<semaphore_mem>>) src(%dma_wait3A_983 : memref<32x128xf32, #tpu.memory_space<hbm>>) dst(%dma_wait3A_980 : memref<32x128xf32, #tpu.memory_space<vmem>>)
      %slice3A_984 = vector.extract_strided_slice %and3A_544 {offsets = [4], sizes = [1], strides = [1]} : vector<16xi32> to vector<1xi32>
      %squeeze3A_985 = vector.extract %slice3A_984[0] : i32 from vector<1xi32>
      %mul3A_986 = vector.broadcast %squeeze3A_985 : i32 to vector<16xi32>
      %mul3A_987 = arith.muli %broadcast_in_dim3A_572, %mul3A_986 : vector<16xi32>
      %slice3A_988 = vector.extract_strided_slice %and3A_547 {offsets = [4], sizes = [1], strides = [1]} : vector<16xi32> to vector<1xi32>
      %squeeze3A_989 = vector.extract %slice3A_988[0] : i32 from vector<1xi32>
      %mul3A_990 = vector.broadcast %squeeze3A_989 : i32 to vector<16xi32>
      %mul3A_991 = arith.muli %broadcast_in_dim3A_572, %mul3A_990 : vector<16xi32>
      %gather3A_992 = tpu.vector_load_idx %arg7[%mul3A_953, %iota3A, %mul3A_987] : memref<8x32x128xf32, #tpu.memory_space<vmem>>[vector<16xi32>, vector<16xi32>, vector<16xi32>], vector<16xf32>,
      %add3A_993 = arith.constant 16 : i32
      %add3A_994 = vector.broadcast %add3A_993 : i32 to vector<16xi32>
      %add3A_995 = arith.addi %iota3A, %add3A_994 : vector<16xi32>
      %gather3A_996 = tpu.vector_load_idx %arg7[%mul3A_953, %add3A_995, %mul3A_987] : memref<8x32x128xf32, #tpu.memory_space<vmem>>[vector<16xi32>, vector<16xi32>, vector<16xi32>], vector<16xf32>,
      %gather3A_997 = tpu.vector_load_idx %arg8[%mul3A_953, %iota3A, %mul3A_991] : memref<8x32x128xf32, #tpu.memory_space<vmem>>[vector<16xi32>, vector<16xi32>, vector<16xi32>], vector<16xf32>,
      %add3A_998 = arith.constant 16 : i32
      %add3A_999 = vector.broadcast %add3A_998 : i32 to vector<16xi32>
      %add3A_1000 = arith.addi %iota3A, %add3A_999 : vector<16xi32>
      %gather3A_1001 = tpu.vector_load_idx %arg8[%mul3A_953, %add3A_1000, %mul3A_991] : memref<8x32x128xf32, #tpu.memory_space<vmem>>[vector<16xi32>, vector<16xi32>, vector<16xi32>], vector<16xf32>,
      %mul3A_1002 = arith.mulf %gather3A_992, %gather3A_997 : vector<16xf32>
      %mul3A_1003 = arith.mulf %gather3A_996, %gather3A_1001 : vector<16xf32>
      %add3A_1004 = arith.addf %mul3A_1002, %mul3A_1003 : vector<16xf32>
      %reduce_sum3A_1005 = arith.constant true
      %reduce_sum3A_1006 = vector.broadcast %reduce_sum3A_1005 : i1 to vector<16xi1>
      %reduce_sum3A_1007 = tpu.scan <sum>, %add3A_1004 masked %reduce_sum3A_1006 : vector<16xf32>, vector<16xi1> -> vector<16xf32>
      %reduce_sum3A_1008 = vector.extract %reduce_sum3A_1007[15] : f32 from vector<16xf32>
      %eq3A_1009 = arith.constant 4 : i32
      %eq3A_1010 = vector.broadcast %eq3A_1009 : i32 to vector<16xi32>
      %eq3A_1011 = arith.cmpi eq, %iota3A, %eq3A_1010 : vector<16xi32>
      %broadcast_in_dim3A_1012 = vector.broadcast %reduce_sum3A_1008 : f32 to vector<16xf32>
      %select_n3A_1013 = arith.select %eq3A_1011, %broadcast_in_dim3A_1012, %select_n3A_918 : vector<16xi1>, vector<16xf32>
      %slice3A_1014 = vector.extract_strided_slice %shift_left3A_553 {offsets = [12], sizes = [1], strides = [1]} : vector<16xi32> to vector<1xi32>
      %squeeze3A_1015 = vector.extract %slice3A_1014[0] : i32 from vector<1xi32>
      %multiple_of3A_1016 = tpu.assume_multiple %squeeze3A_1015, 128 : i32
      %dma_start3A_1017 = arith.constant 4 : i32
      %dma_start3A_1018 = arith.constant 0 : i32
      %dma_start3A_1019 = arith.constant 0 : i32
      %dma_start3A_1020 = tpu.memref_slice %arg7[%dma_start3A_1017, %dma_start3A_1018, %dma_start3A_1019] : memref<8x32x128xf32, #tpu.memory_space<vmem>> -> memref<1x32x128xf32, #tpu.memory_space<vmem>>
      %dma_start3A_1021 = tpu.memref_squeeze %dma_start3A_1020 : memref<1x32x128xf32, #tpu.memory_space<vmem>> -> memref<32x128xf32, #tpu.memory_space<vmem>>
      %dma_start3A_1022 = arith.constant 0 : i32
      %dma_start3A_1023 = tpu.memref_slice %arg3[%dma_start3A_1022, %multiple_of3A_1016] : memref<32x1000000xf32, #tpu.memory_space<hbm>> -> memref<32x128xf32, #tpu.memory_space<hbm>>
      %dma_start3A_1024 = arith.constant 0 : i32
      %dma_start3A_1025 = arith.constant 0 : i32
      %dma_start3A_1026 = tpu.memref_slice %arg7[%dma_start3A_1017, %dma_start3A_1024, %dma_start3A_1025] : memref<8x32x128xf32, #tpu.memory_space<vmem>> -> memref<1x32x128xf32, #tpu.memory_space<vmem>>
      %dma_start3A_1027 = tpu.memref_squeeze %dma_start3A_1026 : memref<1x32x128xf32, #tpu.memory_space<vmem>> -> memref<32x128xf32, #tpu.memory_space<vmem>>
      %dma_start3A_1028 = arith.constant 0 : i32
      %dma_start3A_1029 = tpu.memref_slice %arg3[%dma_start3A_1028, %multiple_of3A_1016] : memref<32x1000000xf32, #tpu.memory_space<hbm>> -> memref<32x128xf32, #tpu.memory_space<hbm>>
      tpu.enqueue_dma source(%dma_start3A_1029 : memref<32x128xf32, #tpu.memory_space<hbm>>) target(%dma_start3A_1027 : memref<32x128xf32, #tpu.memory_space<vmem>>) target_semaphore(%arg14 : memref<!tpu.dma_semaphore, #tpu.memory_space<semaphore_mem>>)
      %slice3A_1030 = vector.extract_strided_slice %shift_left3A_559 {offsets = [12], sizes = [1], strides = [1]} : vector<16xi32> to vector<1xi32>
      %squeeze3A_1031 = vector.extract %slice3A_1030[0] : i32 from vector<1xi32>
      %multiple_of3A_1032 = tpu.assume_multiple %squeeze3A_1031, 128 : i32
      %dma_start3A_1033 = arith.constant 4 : i32
      %dma_start3A_1034 = arith.constant 0 : i32
      %dma_start3A_1035 = arith.constant 0 : i32
      %dma_start3A_1036 = tpu.memref_slice %arg8[%dma_start3A_1033, %dma_start3A_1034, %dma_start3A_1035] : memref<8x32x128xf32, #tpu.memory_space<vmem>> -> memref<1x32x128xf32, #tpu.memory_space<vmem>>
      %dma_start3A_1037 = tpu.memref_squeeze %dma_start3A_1036 : memref<1x32x128xf32, #tpu.memory_space<vmem>> -> memref<32x128xf32, #tpu.memory_space<vmem>>
      %dma_start3A_1038 = arith.constant 0 : i32
      %dma_start3A_1039 = tpu.memref_slice %arg4[%dma_start3A_1038, %multiple_of3A_1032] : memref<32x1000000xf32, #tpu.memory_space<hbm>> -> memref<32x128xf32, #tpu.memory_space<hbm>>
      %dma_start3A_1040 = arith.constant 0 : i32
      %dma_start3A_1041 = arith.constant 0 : i32
      %dma_start3A_1042 = tpu.memref_slice %arg8[%dma_start3A_1033, %dma_start3A_1040, %dma_start3A_1041] : memref<8x32x128xf32, #tpu.memory_space<vmem>> -> memref<1x32x128xf32, #tpu.memory_space<vmem>>
      %dma_start3A_1043 = tpu.memref_squeeze %dma_start3A_1042 : memref<1x32x128xf32, #tpu.memory_space<vmem>> -> memref<32x128xf32, #tpu.memory_space<vmem>>
      %dma_start3A_1044 = arith.constant 0 : i32
      %dma_start3A_1045 = tpu.memref_slice %arg4[%dma_start3A_1044, %multiple_of3A_1032] : memref<32x1000000xf32, #tpu.memory_space<hbm>> -> memref<32x128xf32, #tpu.memory_space<hbm>>
      tpu.enqueue_dma source(%dma_start3A_1045 : memref<32x128xf32, #tpu.memory_space<hbm>>) target(%dma_start3A_1043 : memref<32x128xf32, #tpu.memory_space<vmem>>) target_semaphore(%arg14 : memref<!tpu.dma_semaphore, #tpu.memory_space<semaphore_mem>>)
      %mul3A_1046 = arith.constant 5 : i32
      %mul3A_1047 = vector.broadcast %mul3A_1046 : i32 to vector<16xi32>
      %mul3A_1048 = arith.muli %broadcast_in_dim3A_572, %mul3A_1047 : vector<16xi32>
      %dma_wait3A_1049 = arith.constant 5 : i32
      %dma_wait3A_1050 = arith.constant 0 : i32
      %dma_wait3A_1051 = arith.constant 0 : i32
      %dma_wait3A_1052 = tpu.memref_slice %arg7[%dma_wait3A_1049, %dma_wait3A_1050, %dma_wait3A_1051] : memref<8x32x128xf32, #tpu.memory_space<vmem>> -> memref<1x32x128xf32, #tpu.memory_space<vmem>>
      %dma_wait3A_1053 = tpu.memref_squeeze %dma_wait3A_1052 : memref<1x32x128xf32, #tpu.memory_space<vmem>> -> memref<32x128xf32, #tpu.memory_space<vmem>>
      %dma_wait3A_1054 = arith.constant 0 : i32
      %dma_wait3A_1055 = arith.constant 0 : i32
      %dma_wait3A_1056 = tpu.memref_slice %arg3[%dma_wait3A_1054, %dma_wait3A_1055] : memref<32x1000000xf32, #tpu.memory_space<hbm>> -> memref<32x128xf32, #tpu.memory_space<hbm>>
      %dma_wait3A_1057 = arith.constant 0 : i32
      %dma_wait3A_1058 = arith.constant 0 : i32
      %dma_wait3A_1059 = tpu.memref_slice %arg7[%dma_wait3A_1049, %dma_wait3A_1057, %dma_wait3A_1058] : memref<8x32x128xf32, #tpu.memory_space<vmem>> -> memref<1x32x128xf32, #tpu.memory_space<vmem>>
      %dma_wait3A_1060 = tpu.memref_squeeze %dma_wait3A_1059 : memref<1x32x128xf32, #tpu.memory_space<vmem>> -> memref<32x128xf32, #tpu.memory_space<vmem>>
      %dma_wait3A_1061 = arith.constant 0 : i32
      %dma_wait3A_1062 = arith.constant 0 : i32
      %dma_wait3A_1063 = tpu.memref_slice %arg3[%dma_wait3A_1061, %dma_wait3A_1062] : memref<32x1000000xf32, #tpu.memory_space<hbm>> -> memref<32x128xf32, #tpu.memory_space<hbm>>
      tpu.wait_dma2 semaphore(%arg15 : memref<!tpu.dma_semaphore, #tpu.memory_space<semaphore_mem>>) src(%dma_wait3A_1063 : memref<32x128xf32, #tpu.memory_space<hbm>>) dst(%dma_wait3A_1060 : memref<32x128xf32, #tpu.memory_space<vmem>>)
      %dma_wait3A_1064 = arith.constant 5 : i32
      %dma_wait3A_1065 = arith.constant 0 : i32
      %dma_wait3A_1066 = arith.constant 0 : i32
      %dma_wait3A_1067 = tpu.memref_slice %arg8[%dma_wait3A_1064, %dma_wait3A_1065, %dma_wait3A_1066] : memref<8x32x128xf32, #tpu.memory_space<vmem>> -> memref<1x32x128xf32, #tpu.memory_space<vmem>>
      %dma_wait3A_1068 = tpu.memref_squeeze %dma_wait3A_1067 : memref<1x32x128xf32, #tpu.memory_space<vmem>> -> memref<32x128xf32, #tpu.memory_space<vmem>>
      %dma_wait3A_1069 = arith.constant 0 : i32
      %dma_wait3A_1070 = arith.constant 0 : i32
      %dma_wait3A_1071 = tpu.memref_slice %arg4[%dma_wait3A_1069, %dma_wait3A_1070] : memref<32x1000000xf32, #tpu.memory_space<hbm>> -> memref<32x128xf32, #tpu.memory_space<hbm>>
      %dma_wait3A_1072 = arith.constant 0 : i32
      %dma_wait3A_1073 = arith.constant 0 : i32
      %dma_wait3A_1074 = tpu.memref_slice %arg8[%dma_wait3A_1064, %dma_wait3A_1072, %dma_wait3A_1073] : memref<8x32x128xf32, #tpu.memory_space<vmem>> -> memref<1x32x128xf32, #tpu.memory_space<vmem>>
      %dma_wait3A_1075 = tpu.memref_squeeze %dma_wait3A_1074 : memref<1x32x128xf32, #tpu.memory_space<vmem>> -> memref<32x128xf32, #tpu.memory_space<vmem>>
      %dma_wait3A_1076 = arith.constant 0 : i32
      %dma_wait3A_1077 = arith.constant 0 : i32
      %dma_wait3A_1078 = tpu.memref_slice %arg4[%dma_wait3A_1076, %dma_wait3A_1077] : memref<32x1000000xf32, #tpu.memory_space<hbm>> -> memref<32x128xf32, #tpu.memory_space<hbm>>
      tpu.wait_dma2 semaphore(%arg15 : memref<!tpu.dma_semaphore, #tpu.memory_space<semaphore_mem>>) src(%dma_wait3A_1078 : memref<32x128xf32, #tpu.memory_space<hbm>>) dst(%dma_wait3A_1075 : memref<32x128xf32, #tpu.memory_space<vmem>>)
      %slice3A_1079 = vector.extract_strided_slice %and3A_544 {offsets = [5], sizes = [1], strides = [1]} : vector<16xi32> to vector<1xi32>
      %squeeze3A_1080 = vector.extract %slice3A_1079[0] : i32 from vector<1xi32>
      %mul3A_1081 = vector.broadcast %squeeze3A_1080 : i32 to vector<16xi32>
      %mul3A_1082 = arith.muli %broadcast_in_dim3A_572, %mul3A_1081 : vector<16xi32>
      %slice3A_1083 = vector.extract_strided_slice %and3A_547 {offsets = [5], sizes = [1], strides = [1]} : vector<16xi32> to vector<1xi32>
      %squeeze3A_1084 = vector.extract %slice3A_1083[0] : i32 from vector<1xi32>
      %mul3A_1085 = vector.broadcast %squeeze3A_1084 : i32 to vector<16xi32>
      %mul3A_1086 = arith.muli %broadcast_in_dim3A_572, %mul3A_1085 : vector<16xi32>
      %gather3A_1087 = tpu.vector_load_idx %arg7[%mul3A_1048, %iota3A, %mul3A_1082] : memref<8x32x128xf32, #tpu.memory_space<vmem>>[vector<16xi32>, vector<16xi32>, vector<16xi32>], vector<16xf32>,
      %add3A_1088 = arith.constant 16 : i32
      %add3A_1089 = vector.broadcast %add3A_1088 : i32 to vector<16xi32>
      %add3A_1090 = arith.addi %iota3A, %add3A_1089 : vector<16xi32>
      %gather3A_1091 = tpu.vector_load_idx %arg7[%mul3A_1048, %add3A_1090, %mul3A_1082] : memref<8x32x128xf32, #tpu.memory_space<vmem>>[vector<16xi32>, vector<16xi32>, vector<16xi32>], vector<16xf32>,
      %gather3A_1092 = tpu.vector_load_idx %arg8[%mul3A_1048, %iota3A, %mul3A_1086] : memref<8x32x128xf32, #tpu.memory_space<vmem>>[vector<16xi32>, vector<16xi32>, vector<16xi32>], vector<16xf32>,
      %add3A_1093 = arith.constant 16 : i32
      %add3A_1094 = vector.broadcast %add3A_1093 : i32 to vector<16xi32>
      %add3A_1095 = arith.addi %iota3A, %add3A_1094 : vector<16xi32>
      %gather3A_1096 = tpu.vector_load_idx %arg8[%mul3A_1048, %add3A_1095, %mul3A_1086] : memref<8x32x128xf32, #tpu.memory_space<vmem>>[vector<16xi32>, vector<16xi32>, vector<16xi32>], vector<16xf32>,
      %mul3A_1097 = arith.mulf %gather3A_1087, %gather3A_1092 : vector<16xf32>
      %mul3A_1098 = arith.mulf %gather3A_1091, %gather3A_1096 : vector<16xf32>
      %add3A_1099 = arith.addf %mul3A_1097, %mul3A_1098 : vector<16xf32>
      %reduce_sum3A_1100 = arith.constant true
      %reduce_sum3A_1101 = vector.broadcast %reduce_sum3A_1100 : i1 to vector<16xi1>
      %reduce_sum3A_1102 = tpu.scan <sum>, %add3A_1099 masked %reduce_sum3A_1101 : vector<16xf32>, vector<16xi1> -> vector<16xf32>
      %reduce_sum3A_1103 = vector.extract %reduce_sum3A_1102[15] : f32 from vector<16xf32>
      %eq3A_1104 = arith.constant 5 : i32
      %eq3A_1105 = vector.broadcast %eq3A_1104 : i32 to vector<16xi32>
      %eq3A_1106 = arith.cmpi eq, %iota3A, %eq3A_1105 : vector<16xi32>
      %broadcast_in_dim3A_1107 = vector.broadcast %reduce_sum3A_1103 : f32 to vector<16xf32>
      %select_n3A_1108 = arith.select %eq3A_1106, %broadcast_in_dim3A_1107, %select_n3A_1013 : vector<16xi1>, vector<16xf32>
      %slice3A_1109 = vector.extract_strided_slice %shift_left3A_553 {offsets = [13], sizes = [1], strides = [1]} : vector<16xi32> to vector<1xi32>
      %squeeze3A_1110 = vector.extract %slice3A_1109[0] : i32 from vector<1xi32>
      %multiple_of3A_1111 = tpu.assume_multiple %squeeze3A_1110, 128 : i32
      %dma_start3A_1112 = arith.constant 5 : i32
      %dma_start3A_1113 = arith.constant 0 : i32
      %dma_start3A_1114 = arith.constant 0 : i32
      %dma_start3A_1115 = tpu.memref_slice %arg7[%dma_start3A_1112, %dma_start3A_1113, %dma_start3A_1114] : memref<8x32x128xf32, #tpu.memory_space<vmem>> -> memref<1x32x128xf32, #tpu.memory_space<vmem>>
      %dma_start3A_1116 = tpu.memref_squeeze %dma_start3A_1115 : memref<1x32x128xf32, #tpu.memory_space<vmem>> -> memref<32x128xf32, #tpu.memory_space<vmem>>
      %dma_start3A_1117 = arith.constant 0 : i32
      %dma_start3A_1118 = tpu.memref_slice %arg3[%dma_start3A_1117, %multiple_of3A_1111] : memref<32x1000000xf32, #tpu.memory_space<hbm>> -> memref<32x128xf32, #tpu.memory_space<hbm>>
      %dma_start3A_1119 = arith.constant 0 : i32
      %dma_start3A_1120 = arith.constant 0 : i32
      %dma_start3A_1121 = tpu.memref_slice %arg7[%dma_start3A_1112, %dma_start3A_1119, %dma_start3A_1120] : memref<8x32x128xf32, #tpu.memory_space<vmem>> -> memref<1x32x128xf32, #tpu.memory_space<vmem>>
      %dma_start3A_1122 = tpu.memref_squeeze %dma_start3A_1121 : memref<1x32x128xf32, #tpu.memory_space<vmem>> -> memref<32x128xf32, #tpu.memory_space<vmem>>
      %dma_start3A_1123 = arith.constant 0 : i32
      %dma_start3A_1124 = tpu.memref_slice %arg3[%dma_start3A_1123, %multiple_of3A_1111] : memref<32x1000000xf32, #tpu.memory_space<hbm>> -> memref<32x128xf32, #tpu.memory_space<hbm>>
      tpu.enqueue_dma source(%dma_start3A_1124 : memref<32x128xf32, #tpu.memory_space<hbm>>) target(%dma_start3A_1122 : memref<32x128xf32, #tpu.memory_space<vmem>>) target_semaphore(%arg15 : memref<!tpu.dma_semaphore, #tpu.memory_space<semaphore_mem>>)
      %slice3A_1125 = vector.extract_strided_slice %shift_left3A_559 {offsets = [13], sizes = [1], strides = [1]} : vector<16xi32> to vector<1xi32>
      %squeeze3A_1126 = vector.extract %slice3A_1125[0] : i32 from vector<1xi32>
      %multiple_of3A_1127 = tpu.assume_multiple %squeeze3A_1126, 128 : i32
      %dma_start3A_1128 = arith.constant 5 : i32
      %dma_start3A_1129 = arith.constant 0 : i32
      %dma_start3A_1130 = arith.constant 0 : i32
      %dma_start3A_1131 = tpu.memref_slice %arg8[%dma_start3A_1128, %dma_start3A_1129, %dma_start3A_1130] : memref<8x32x128xf32, #tpu.memory_space<vmem>> -> memref<1x32x128xf32, #tpu.memory_space<vmem>>
      %dma_start3A_1132 = tpu.memref_squeeze %dma_start3A_1131 : memref<1x32x128xf32, #tpu.memory_space<vmem>> -> memref<32x128xf32, #tpu.memory_space<vmem>>
      %dma_start3A_1133 = arith.constant 0 : i32
      %dma_start3A_1134 = tpu.memref_slice %arg4[%dma_start3A_1133, %multiple_of3A_1127] : memref<32x1000000xf32, #tpu.memory_space<hbm>> -> memref<32x128xf32, #tpu.memory_space<hbm>>
      %dma_start3A_1135 = arith.constant 0 : i32
      %dma_start3A_1136 = arith.constant 0 : i32
      %dma_start3A_1137 = tpu.memref_slice %arg8[%dma_start3A_1128, %dma_start3A_1135, %dma_start3A_1136] : memref<8x32x128xf32, #tpu.memory_space<vmem>> -> memref<1x32x128xf32, #tpu.memory_space<vmem>>
      %dma_start3A_1138 = tpu.memref_squeeze %dma_start3A_1137 : memref<1x32x128xf32, #tpu.memory_space<vmem>> -> memref<32x128xf32, #tpu.memory_space<vmem>>
      %dma_start3A_1139 = arith.constant 0 : i32
      %dma_start3A_1140 = tpu.memref_slice %arg4[%dma_start3A_1139, %multiple_of3A_1127] : memref<32x1000000xf32, #tpu.memory_space<hbm>> -> memref<32x128xf32, #tpu.memory_space<hbm>>
      tpu.enqueue_dma source(%dma_start3A_1140 : memref<32x128xf32, #tpu.memory_space<hbm>>) target(%dma_start3A_1138 : memref<32x128xf32, #tpu.memory_space<vmem>>) target_semaphore(%arg15 : memref<!tpu.dma_semaphore, #tpu.memory_space<semaphore_mem>>)
      %mul3A_1141 = arith.constant 6 : i32
      %mul3A_1142 = vector.broadcast %mul3A_1141 : i32 to vector<16xi32>
      %mul3A_1143 = arith.muli %broadcast_in_dim3A_572, %mul3A_1142 : vector<16xi32>
      %dma_wait3A_1144 = arith.constant 6 : i32
      %dma_wait3A_1145 = arith.constant 0 : i32
      %dma_wait3A_1146 = arith.constant 0 : i32
      %dma_wait3A_1147 = tpu.memref_slice %arg7[%dma_wait3A_1144, %dma_wait3A_1145, %dma_wait3A_1146] : memref<8x32x128xf32, #tpu.memory_space<vmem>> -> memref<1x32x128xf32, #tpu.memory_space<vmem>>
      %dma_wait3A_1148 = tpu.memref_squeeze %dma_wait3A_1147 : memref<1x32x128xf32, #tpu.memory_space<vmem>> -> memref<32x128xf32, #tpu.memory_space<vmem>>
      %dma_wait3A_1149 = arith.constant 0 : i32
      %dma_wait3A_1150 = arith.constant 0 : i32
      %dma_wait3A_1151 = tpu.memref_slice %arg3[%dma_wait3A_1149, %dma_wait3A_1150] : memref<32x1000000xf32, #tpu.memory_space<hbm>> -> memref<32x128xf32, #tpu.memory_space<hbm>>
      %dma_wait3A_1152 = arith.constant 0 : i32
      %dma_wait3A_1153 = arith.constant 0 : i32
      %dma_wait3A_1154 = tpu.memref_slice %arg7[%dma_wait3A_1144, %dma_wait3A_1152, %dma_wait3A_1153] : memref<8x32x128xf32, #tpu.memory_space<vmem>> -> memref<1x32x128xf32, #tpu.memory_space<vmem>>
      %dma_wait3A_1155 = tpu.memref_squeeze %dma_wait3A_1154 : memref<1x32x128xf32, #tpu.memory_space<vmem>> -> memref<32x128xf32, #tpu.memory_space<vmem>>
      %dma_wait3A_1156 = arith.constant 0 : i32
      %dma_wait3A_1157 = arith.constant 0 : i32
      %dma_wait3A_1158 = tpu.memref_slice %arg3[%dma_wait3A_1156, %dma_wait3A_1157] : memref<32x1000000xf32, #tpu.memory_space<hbm>> -> memref<32x128xf32, #tpu.memory_space<hbm>>
      tpu.wait_dma2 semaphore(%arg16 : memref<!tpu.dma_semaphore, #tpu.memory_space<semaphore_mem>>) src(%dma_wait3A_1158 : memref<32x128xf32, #tpu.memory_space<hbm>>) dst(%dma_wait3A_1155 : memref<32x128xf32, #tpu.memory_space<vmem>>)
      %dma_wait3A_1159 = arith.constant 6 : i32
      %dma_wait3A_1160 = arith.constant 0 : i32
      %dma_wait3A_1161 = arith.constant 0 : i32
      %dma_wait3A_1162 = tpu.memref_slice %arg8[%dma_wait3A_1159, %dma_wait3A_1160, %dma_wait3A_1161] : memref<8x32x128xf32, #tpu.memory_space<vmem>> -> memref<1x32x128xf32, #tpu.memory_space<vmem>>
      %dma_wait3A_1163 = tpu.memref_squeeze %dma_wait3A_1162 : memref<1x32x128xf32, #tpu.memory_space<vmem>> -> memref<32x128xf32, #tpu.memory_space<vmem>>
      %dma_wait3A_1164 = arith.constant 0 : i32
      %dma_wait3A_1165 = arith.constant 0 : i32
      %dma_wait3A_1166 = tpu.memref_slice %arg4[%dma_wait3A_1164, %dma_wait3A_1165] : memref<32x1000000xf32, #tpu.memory_space<hbm>> -> memref<32x128xf32, #tpu.memory_space<hbm>>
      %dma_wait3A_1167 = arith.constant 0 : i32
      %dma_wait3A_1168 = arith.constant 0 : i32
      %dma_wait3A_1169 = tpu.memref_slice %arg8[%dma_wait3A_1159, %dma_wait3A_1167, %dma_wait3A_1168] : memref<8x32x128xf32, #tpu.memory_space<vmem>> -> memref<1x32x128xf32, #tpu.memory_space<vmem>>
      %dma_wait3A_1170 = tpu.memref_squeeze %dma_wait3A_1169 : memref<1x32x128xf32, #tpu.memory_space<vmem>> -> memref<32x128xf32, #tpu.memory_space<vmem>>
      %dma_wait3A_1171 = arith.constant 0 : i32
      %dma_wait3A_1172 = arith.constant 0 : i32
      %dma_wait3A_1173 = tpu.memref_slice %arg4[%dma_wait3A_1171, %dma_wait3A_1172] : memref<32x1000000xf32, #tpu.memory_space<hbm>> -> memref<32x128xf32, #tpu.memory_space<hbm>>
      tpu.wait_dma2 semaphore(%arg16 : memref<!tpu.dma_semaphore, #tpu.memory_space<semaphore_mem>>) src(%dma_wait3A_1173 : memref<32x128xf32, #tpu.memory_space<hbm>>) dst(%dma_wait3A_1170 : memref<32x128xf32, #tpu.memory_space<vmem>>)
      %slice3A_1174 = vector.extract_strided_slice %and3A_544 {offsets = [6], sizes = [1], strides = [1]} : vector<16xi32> to vector<1xi32>
      %squeeze3A_1175 = vector.extract %slice3A_1174[0] : i32 from vector<1xi32>
      %mul3A_1176 = vector.broadcast %squeeze3A_1175 : i32 to vector<16xi32>
      %mul3A_1177 = arith.muli %broadcast_in_dim3A_572, %mul3A_1176 : vector<16xi32>
      %slice3A_1178 = vector.extract_strided_slice %and3A_547 {offsets = [6], sizes = [1], strides = [1]} : vector<16xi32> to vector<1xi32>
      %squeeze3A_1179 = vector.extract %slice3A_1178[0] : i32 from vector<1xi32>
      %mul3A_1180 = vector.broadcast %squeeze3A_1179 : i32 to vector<16xi32>
      %mul3A_1181 = arith.muli %broadcast_in_dim3A_572, %mul3A_1180 : vector<16xi32>
      %gather3A_1182 = tpu.vector_load_idx %arg7[%mul3A_1143, %iota3A, %mul3A_1177] : memref<8x32x128xf32, #tpu.memory_space<vmem>>[vector<16xi32>, vector<16xi32>, vector<16xi32>], vector<16xf32>,
      %add3A_1183 = arith.constant 16 : i32
      %add3A_1184 = vector.broadcast %add3A_1183 : i32 to vector<16xi32>
      %add3A_1185 = arith.addi %iota3A, %add3A_1184 : vector<16xi32>
      %gather3A_1186 = tpu.vector_load_idx %arg7[%mul3A_1143, %add3A_1185, %mul3A_1177] : memref<8x32x128xf32, #tpu.memory_space<vmem>>[vector<16xi32>, vector<16xi32>, vector<16xi32>], vector<16xf32>,
      %gather3A_1187 = tpu.vector_load_idx %arg8[%mul3A_1143, %iota3A, %mul3A_1181] : memref<8x32x128xf32, #tpu.memory_space<vmem>>[vector<16xi32>, vector<16xi32>, vector<16xi32>], vector<16xf32>,
      %add3A_1188 = arith.constant 16 : i32
      %add3A_1189 = vector.broadcast %add3A_1188 : i32 to vector<16xi32>
      %add3A_1190 = arith.addi %iota3A, %add3A_1189 : vector<16xi32>
      %gather3A_1191 = tpu.vector_load_idx %arg8[%mul3A_1143, %add3A_1190, %mul3A_1181] : memref<8x32x128xf32, #tpu.memory_space<vmem>>[vector<16xi32>, vector<16xi32>, vector<16xi32>], vector<16xf32>,
      %mul3A_1192 = arith.mulf %gather3A_1182, %gather3A_1187 : vector<16xf32>
      %mul3A_1193 = arith.mulf %gather3A_1186, %gather3A_1191 : vector<16xf32>
      %add3A_1194 = arith.addf %mul3A_1192, %mul3A_1193 : vector<16xf32>
      %reduce_sum3A_1195 = arith.constant true
      %reduce_sum3A_1196 = vector.broadcast %reduce_sum3A_1195 : i1 to vector<16xi1>
      %reduce_sum3A_1197 = tpu.scan <sum>, %add3A_1194 masked %reduce_sum3A_1196 : vector<16xf32>, vector<16xi1> -> vector<16xf32>
      %reduce_sum3A_1198 = vector.extract %reduce_sum3A_1197[15] : f32 from vector<16xf32>
      %eq3A_1199 = arith.constant 6 : i32
      %eq3A_1200 = vector.broadcast %eq3A_1199 : i32 to vector<16xi32>
      %eq3A_1201 = arith.cmpi eq, %iota3A, %eq3A_1200 : vector<16xi32>
      %broadcast_in_dim3A_1202 = vector.broadcast %reduce_sum3A_1198 : f32 to vector<16xf32>
      %select_n3A_1203 = arith.select %eq3A_1201, %broadcast_in_dim3A_1202, %select_n3A_1108 : vector<16xi1>, vector<16xf32>
      %slice3A_1204 = vector.extract_strided_slice %shift_left3A_553 {offsets = [14], sizes = [1], strides = [1]} : vector<16xi32> to vector<1xi32>
      %squeeze3A_1205 = vector.extract %slice3A_1204[0] : i32 from vector<1xi32>
      %multiple_of3A_1206 = tpu.assume_multiple %squeeze3A_1205, 128 : i32
      %dma_start3A_1207 = arith.constant 6 : i32
      %dma_start3A_1208 = arith.constant 0 : i32
      %dma_start3A_1209 = arith.constant 0 : i32
      %dma_start3A_1210 = tpu.memref_slice %arg7[%dma_start3A_1207, %dma_start3A_1208, %dma_start3A_1209] : memref<8x32x128xf32, #tpu.memory_space<vmem>> -> memref<1x32x128xf32, #tpu.memory_space<vmem>>
      %dma_start3A_1211 = tpu.memref_squeeze %dma_start3A_1210 : memref<1x32x128xf32, #tpu.memory_space<vmem>> -> memref<32x128xf32, #tpu.memory_space<vmem>>
      %dma_start3A_1212 = arith.constant 0 : i32
      %dma_start3A_1213 = tpu.memref_slice %arg3[%dma_start3A_1212, %multiple_of3A_1206] : memref<32x1000000xf32, #tpu.memory_space<hbm>> -> memref<32x128xf32, #tpu.memory_space<hbm>>
      %dma_start3A_1214 = arith.constant 0 : i32
      %dma_start3A_1215 = arith.constant 0 : i32
      %dma_start3A_1216 = tpu.memref_slice %arg7[%dma_start3A_1207, %dma_start3A_1214, %dma_start3A_1215] : memref<8x32x128xf32, #tpu.memory_space<vmem>> -> memref<1x32x128xf32, #tpu.memory_space<vmem>>
      %dma_start3A_1217 = tpu.memref_squeeze %dma_start3A_1216 : memref<1x32x128xf32, #tpu.memory_space<vmem>> -> memref<32x128xf32, #tpu.memory_space<vmem>>
      %dma_start3A_1218 = arith.constant 0 : i32
      %dma_start3A_1219 = tpu.memref_slice %arg3[%dma_start3A_1218, %multiple_of3A_1206] : memref<32x1000000xf32, #tpu.memory_space<hbm>> -> memref<32x128xf32, #tpu.memory_space<hbm>>
      tpu.enqueue_dma source(%dma_start3A_1219 : memref<32x128xf32, #tpu.memory_space<hbm>>) target(%dma_start3A_1217 : memref<32x128xf32, #tpu.memory_space<vmem>>) target_semaphore(%arg16 : memref<!tpu.dma_semaphore, #tpu.memory_space<semaphore_mem>>)
      %slice3A_1220 = vector.extract_strided_slice %shift_left3A_559 {offsets = [14], sizes = [1], strides = [1]} : vector<16xi32> to vector<1xi32>
      %squeeze3A_1221 = vector.extract %slice3A_1220[0] : i32 from vector<1xi32>
      %multiple_of3A_1222 = tpu.assume_multiple %squeeze3A_1221, 128 : i32
      %dma_start3A_1223 = arith.constant 6 : i32
      %dma_start3A_1224 = arith.constant 0 : i32
      %dma_start3A_1225 = arith.constant 0 : i32
      %dma_start3A_1226 = tpu.memref_slice %arg8[%dma_start3A_1223, %dma_start3A_1224, %dma_start3A_1225] : memref<8x32x128xf32, #tpu.memory_space<vmem>> -> memref<1x32x128xf32, #tpu.memory_space<vmem>>
      %dma_start3A_1227 = tpu.memref_squeeze %dma_start3A_1226 : memref<1x32x128xf32, #tpu.memory_space<vmem>> -> memref<32x128xf32, #tpu.memory_space<vmem>>
      %dma_start3A_1228 = arith.constant 0 : i32
      %dma_start3A_1229 = tpu.memref_slice %arg4[%dma_start3A_1228, %multiple_of3A_1222] : memref<32x1000000xf32, #tpu.memory_space<hbm>> -> memref<32x128xf32, #tpu.memory_space<hbm>>
      %dma_start3A_1230 = arith.constant 0 : i32
      %dma_start3A_1231 = arith.constant 0 : i32
      %dma_start3A_1232 = tpu.memref_slice %arg8[%dma_start3A_1223, %dma_start3A_1230, %dma_start3A_1231] : memref<8x32x128xf32, #tpu.memory_space<vmem>> -> memref<1x32x128xf32, #tpu.memory_space<vmem>>
      %dma_start3A_1233 = tpu.memref_squeeze %dma_start3A_1232 : memref<1x32x128xf32, #tpu.memory_space<vmem>> -> memref<32x128xf32, #tpu.memory_space<vmem>>
      %dma_start3A_1234 = arith.constant 0 : i32
      %dma_start3A_1235 = tpu.memref_slice %arg4[%dma_start3A_1234, %multiple_of3A_1222] : memref<32x1000000xf32, #tpu.memory_space<hbm>> -> memref<32x128xf32, #tpu.memory_space<hbm>>
      tpu.enqueue_dma source(%dma_start3A_1235 : memref<32x128xf32, #tpu.memory_space<hbm>>) target(%dma_start3A_1233 : memref<32x128xf32, #tpu.memory_space<vmem>>) target_semaphore(%arg16 : memref<!tpu.dma_semaphore, #tpu.memory_space<semaphore_mem>>)
      %mul3A_1236 = arith.constant 7 : i32
      %mul3A_1237 = vector.broadcast %mul3A_1236 : i32 to vector<16xi32>
      %mul3A_1238 = arith.muli %broadcast_in_dim3A_572, %mul3A_1237 : vector<16xi32>
      %dma_wait3A_1239 = arith.constant 7 : i32
      %dma_wait3A_1240 = arith.constant 0 : i32
      %dma_wait3A_1241 = arith.constant 0 : i32
      %dma_wait3A_1242 = tpu.memref_slice %arg7[%dma_wait3A_1239, %dma_wait3A_1240, %dma_wait3A_1241] : memref<8x32x128xf32, #tpu.memory_space<vmem>> -> memref<1x32x128xf32, #tpu.memory_space<vmem>>
      %dma_wait3A_1243 = tpu.memref_squeeze %dma_wait3A_1242 : memref<1x32x128xf32, #tpu.memory_space<vmem>> -> memref<32x128xf32, #tpu.memory_space<vmem>>
      %dma_wait3A_1244 = arith.constant 0 : i32
      %dma_wait3A_1245 = arith.constant 0 : i32
      %dma_wait3A_1246 = tpu.memref_slice %arg3[%dma_wait3A_1244, %dma_wait3A_1245] : memref<32x1000000xf32, #tpu.memory_space<hbm>> -> memref<32x128xf32, #tpu.memory_space<hbm>>
      %dma_wait3A_1247 = arith.constant 0 : i32
      %dma_wait3A_1248 = arith.constant 0 : i32
      %dma_wait3A_1249 = tpu.memref_slice %arg7[%dma_wait3A_1239, %dma_wait3A_1247, %dma_wait3A_1248] : memref<8x32x128xf32, #tpu.memory_space<vmem>> -> memref<1x32x128xf32, #tpu.memory_space<vmem>>
      %dma_wait3A_1250 = tpu.memref_squeeze %dma_wait3A_1249 : memref<1x32x128xf32, #tpu.memory_space<vmem>> -> memref<32x128xf32, #tpu.memory_space<vmem>>
      %dma_wait3A_1251 = arith.constant 0 : i32
      %dma_wait3A_1252 = arith.constant 0 : i32
      %dma_wait3A_1253 = tpu.memref_slice %arg3[%dma_wait3A_1251, %dma_wait3A_1252] : memref<32x1000000xf32, #tpu.memory_space<hbm>> -> memref<32x128xf32, #tpu.memory_space<hbm>>
      tpu.wait_dma2 semaphore(%arg17 : memref<!tpu.dma_semaphore, #tpu.memory_space<semaphore_mem>>) src(%dma_wait3A_1253 : memref<32x128xf32, #tpu.memory_space<hbm>>) dst(%dma_wait3A_1250 : memref<32x128xf32, #tpu.memory_space<vmem>>)
      %dma_wait3A_1254 = arith.constant 7 : i32
      %dma_wait3A_1255 = arith.constant 0 : i32
      %dma_wait3A_1256 = arith.constant 0 : i32
      %dma_wait3A_1257 = tpu.memref_slice %arg8[%dma_wait3A_1254, %dma_wait3A_1255, %dma_wait3A_1256] : memref<8x32x128xf32, #tpu.memory_space<vmem>> -> memref<1x32x128xf32, #tpu.memory_space<vmem>>
      %dma_wait3A_1258 = tpu.memref_squeeze %dma_wait3A_1257 : memref<1x32x128xf32, #tpu.memory_space<vmem>> -> memref<32x128xf32, #tpu.memory_space<vmem>>
      %dma_wait3A_1259 = arith.constant 0 : i32
      %dma_wait3A_1260 = arith.constant 0 : i32
      %dma_wait3A_1261 = tpu.memref_slice %arg4[%dma_wait3A_1259, %dma_wait3A_1260] : memref<32x1000000xf32, #tpu.memory_space<hbm>> -> memref<32x128xf32, #tpu.memory_space<hbm>>
      %dma_wait3A_1262 = arith.constant 0 : i32
      %dma_wait3A_1263 = arith.constant 0 : i32
      %dma_wait3A_1264 = tpu.memref_slice %arg8[%dma_wait3A_1254, %dma_wait3A_1262, %dma_wait3A_1263] : memref<8x32x128xf32, #tpu.memory_space<vmem>> -> memref<1x32x128xf32, #tpu.memory_space<vmem>>
      %dma_wait3A_1265 = tpu.memref_squeeze %dma_wait3A_1264 : memref<1x32x128xf32, #tpu.memory_space<vmem>> -> memref<32x128xf32, #tpu.memory_space<vmem>>
      %dma_wait3A_1266 = arith.constant 0 : i32
      %dma_wait3A_1267 = arith.constant 0 : i32
      %dma_wait3A_1268 = tpu.memref_slice %arg4[%dma_wait3A_1266, %dma_wait3A_1267] : memref<32x1000000xf32, #tpu.memory_space<hbm>> -> memref<32x128xf32, #tpu.memory_space<hbm>>
      tpu.wait_dma2 semaphore(%arg17 : memref<!tpu.dma_semaphore, #tpu.memory_space<semaphore_mem>>) src(%dma_wait3A_1268 : memref<32x128xf32, #tpu.memory_space<hbm>>) dst(%dma_wait3A_1265 : memref<32x128xf32, #tpu.memory_space<vmem>>)
      %slice3A_1269 = vector.extract_strided_slice %and3A_544 {offsets = [7], sizes = [1], strides = [1]} : vector<16xi32> to vector<1xi32>
      %squeeze3A_1270 = vector.extract %slice3A_1269[0] : i32 from vector<1xi32>
      %mul3A_1271 = vector.broadcast %squeeze3A_1270 : i32 to vector<16xi32>
      %mul3A_1272 = arith.muli %broadcast_in_dim3A_572, %mul3A_1271 : vector<16xi32>
      %slice3A_1273 = vector.extract_strided_slice %and3A_547 {offsets = [7], sizes = [1], strides = [1]} : vector<16xi32> to vector<1xi32>
      %squeeze3A_1274 = vector.extract %slice3A_1273[0] : i32 from vector<1xi32>
      %mul3A_1275 = vector.broadcast %squeeze3A_1274 : i32 to vector<16xi32>
      %mul3A_1276 = arith.muli %broadcast_in_dim3A_572, %mul3A_1275 : vector<16xi32>
      %gather3A_1277 = tpu.vector_load_idx %arg7[%mul3A_1238, %iota3A, %mul3A_1272] : memref<8x32x128xf32, #tpu.memory_space<vmem>>[vector<16xi32>, vector<16xi32>, vector<16xi32>], vector<16xf32>,
      %add3A_1278 = arith.constant 16 : i32
      %add3A_1279 = vector.broadcast %add3A_1278 : i32 to vector<16xi32>
      %add3A_1280 = arith.addi %iota3A, %add3A_1279 : vector<16xi32>
      %gather3A_1281 = tpu.vector_load_idx %arg7[%mul3A_1238, %add3A_1280, %mul3A_1272] : memref<8x32x128xf32, #tpu.memory_space<vmem>>[vector<16xi32>, vector<16xi32>, vector<16xi32>], vector<16xf32>,
      %gather3A_1282 = tpu.vector_load_idx %arg8[%mul3A_1238, %iota3A, %mul3A_1276] : memref<8x32x128xf32, #tpu.memory_space<vmem>>[vector<16xi32>, vector<16xi32>, vector<16xi32>], vector<16xf32>,
      %add3A_1283 = arith.constant 16 : i32
      %add3A_1284 = vector.broadcast %add3A_1283 : i32 to vector<16xi32>
      %add3A_1285 = arith.addi %iota3A, %add3A_1284 : vector<16xi32>
      %gather3A_1286 = tpu.vector_load_idx %arg8[%mul3A_1238, %add3A_1285, %mul3A_1276] : memref<8x32x128xf32, #tpu.memory_space<vmem>>[vector<16xi32>, vector<16xi32>, vector<16xi32>], vector<16xf32>,
      %mul3A_1287 = arith.mulf %gather3A_1277, %gather3A_1282 : vector<16xf32>
      %mul3A_1288 = arith.mulf %gather3A_1281, %gather3A_1286 : vector<16xf32>
      %add3A_1289 = arith.addf %mul3A_1287, %mul3A_1288 : vector<16xf32>
      %reduce_sum3A_1290 = arith.constant true
      %reduce_sum3A_1291 = vector.broadcast %reduce_sum3A_1290 : i1 to vector<16xi1>
      %reduce_sum3A_1292 = tpu.scan <sum>, %add3A_1289 masked %reduce_sum3A_1291 : vector<16xf32>, vector<16xi1> -> vector<16xf32>
      %reduce_sum3A_1293 = vector.extract %reduce_sum3A_1292[15] : f32 from vector<16xf32>
      %eq3A_1294 = arith.constant 7 : i32
      %eq3A_1295 = vector.broadcast %eq3A_1294 : i32 to vector<16xi32>
      %eq3A_1296 = arith.cmpi eq, %iota3A, %eq3A_1295 : vector<16xi32>
      %broadcast_in_dim3A_1297 = vector.broadcast %reduce_sum3A_1293 : f32 to vector<16xf32>
      %select_n3A_1298 = arith.select %eq3A_1296, %broadcast_in_dim3A_1297, %select_n3A_1203 : vector<16xi1>, vector<16xf32>
      %slice3A_1299 = vector.extract_strided_slice %shift_left3A_553 {offsets = [15], sizes = [1], strides = [1]} : vector<16xi32> to vector<1xi32>
      %squeeze3A_1300 = vector.extract %slice3A_1299[0] : i32 from vector<1xi32>
      %multiple_of3A_1301 = tpu.assume_multiple %squeeze3A_1300, 128 : i32
      %dma_start3A_1302 = arith.constant 7 : i32
      %dma_start3A_1303 = arith.constant 0 : i32
      %dma_start3A_1304 = arith.constant 0 : i32
      %dma_start3A_1305 = tpu.memref_slice %arg7[%dma_start3A_1302, %dma_start3A_1303, %dma_start3A_1304] : memref<8x32x128xf32, #tpu.memory_space<vmem>> -> memref<1x32x128xf32, #tpu.memory_space<vmem>>
      %dma_start3A_1306 = tpu.memref_squeeze %dma_start3A_1305 : memref<1x32x128xf32, #tpu.memory_space<vmem>> -> memref<32x128xf32, #tpu.memory_space<vmem>>
      %dma_start3A_1307 = arith.constant 0 : i32
      %dma_start3A_1308 = tpu.memref_slice %arg3[%dma_start3A_1307, %multiple_of3A_1301] : memref<32x1000000xf32, #tpu.memory_space<hbm>> -> memref<32x128xf32, #tpu.memory_space<hbm>>
      %dma_start3A_1309 = arith.constant 0 : i32
      %dma_start3A_1310 = arith.constant 0 : i32
      %dma_start3A_1311 = tpu.memref_slice %arg7[%dma_start3A_1302, %dma_start3A_1309, %dma_start3A_1310] : memref<8x32x128xf32, #tpu.memory_space<vmem>> -> memref<1x32x128xf32, #tpu.memory_space<vmem>>
      %dma_start3A_1312 = tpu.memref_squeeze %dma_start3A_1311 : memref<1x32x128xf32, #tpu.memory_space<vmem>> -> memref<32x128xf32, #tpu.memory_space<vmem>>
      %dma_start3A_1313 = arith.constant 0 : i32
      %dma_start3A_1314 = tpu.memref_slice %arg3[%dma_start3A_1313, %multiple_of3A_1301] : memref<32x1000000xf32, #tpu.memory_space<hbm>> -> memref<32x128xf32, #tpu.memory_space<hbm>>
      tpu.enqueue_dma source(%dma_start3A_1314 : memref<32x128xf32, #tpu.memory_space<hbm>>) target(%dma_start3A_1312 : memref<32x128xf32, #tpu.memory_space<vmem>>) target_semaphore(%arg17 : memref<!tpu.dma_semaphore, #tpu.memory_space<semaphore_mem>>)
      %slice3A_1315 = vector.extract_strided_slice %shift_left3A_559 {offsets = [15], sizes = [1], strides = [1]} : vector<16xi32> to vector<1xi32>
      %squeeze3A_1316 = vector.extract %slice3A_1315[0] : i32 from vector<1xi32>
      %multiple_of3A_1317 = tpu.assume_multiple %squeeze3A_1316, 128 : i32
      %dma_start3A_1318 = arith.constant 7 : i32
      %dma_start3A_1319 = arith.constant 0 : i32
      %dma_start3A_1320 = arith.constant 0 : i32
      %dma_start3A_1321 = tpu.memref_slice %arg8[%dma_start3A_1318, %dma_start3A_1319, %dma_start3A_1320] : memref<8x32x128xf32, #tpu.memory_space<vmem>> -> memref<1x32x128xf32, #tpu.memory_space<vmem>>
      %dma_start3A_1322 = tpu.memref_squeeze %dma_start3A_1321 : memref<1x32x128xf32, #tpu.memory_space<vmem>> -> memref<32x128xf32, #tpu.memory_space<vmem>>
      %dma_start3A_1323 = arith.constant 0 : i32
      %dma_start3A_1324 = tpu.memref_slice %arg4[%dma_start3A_1323, %multiple_of3A_1317] : memref<32x1000000xf32, #tpu.memory_space<hbm>> -> memref<32x128xf32, #tpu.memory_space<hbm>>
      %dma_start3A_1325 = arith.constant 0 : i32
      %dma_start3A_1326 = arith.constant 0 : i32
      %dma_start3A_1327 = tpu.memref_slice %arg8[%dma_start3A_1318, %dma_start3A_1325, %dma_start3A_1326] : memref<8x32x128xf32, #tpu.memory_space<vmem>> -> memref<1x32x128xf32, #tpu.memory_space<vmem>>
      %dma_start3A_1328 = tpu.memref_squeeze %dma_start3A_1327 : memref<1x32x128xf32, #tpu.memory_space<vmem>> -> memref<32x128xf32, #tpu.memory_space<vmem>>
      %dma_start3A_1329 = arith.constant 0 : i32
      %dma_start3A_1330 = tpu.memref_slice %arg4[%dma_start3A_1329, %multiple_of3A_1317] : memref<32x1000000xf32, #tpu.memory_space<hbm>> -> memref<32x128xf32, #tpu.memory_space<hbm>>
      tpu.enqueue_dma source(%dma_start3A_1330 : memref<32x128xf32, #tpu.memory_space<hbm>>) target(%dma_start3A_1328 : memref<32x128xf32, #tpu.memory_space<vmem>>) target_semaphore(%arg17 : memref<!tpu.dma_semaphore, #tpu.memory_space<semaphore_mem>>)
      %mul3A_1331 = arith.constant 0 : i32
      %mul3A_1332 = vector.broadcast %mul3A_1331 : i32 to vector<16xi32>
      %mul3A_1333 = arith.muli %broadcast_in_dim3A_572, %mul3A_1332 : vector<16xi32>
      %dma_wait3A_1334 = arith.constant 0 : i32
      %dma_wait3A_1335 = arith.constant 0 : i32
      %dma_wait3A_1336 = arith.constant 0 : i32
      %dma_wait3A_1337 = tpu.memref_slice %arg7[%dma_wait3A_1334, %dma_wait3A_1335, %dma_wait3A_1336] : memref<8x32x128xf32, #tpu.memory_space<vmem>> -> memref<1x32x128xf32, #tpu.memory_space<vmem>>
      %dma_wait3A_1338 = tpu.memref_squeeze %dma_wait3A_1337 : memref<1x32x128xf32, #tpu.memory_space<vmem>> -> memref<32x128xf32, #tpu.memory_space<vmem>>
      %dma_wait3A_1339 = arith.constant 0 : i32
      %dma_wait3A_1340 = arith.constant 0 : i32
      %dma_wait3A_1341 = tpu.memref_slice %arg3[%dma_wait3A_1339, %dma_wait3A_1340] : memref<32x1000000xf32, #tpu.memory_space<hbm>> -> memref<32x128xf32, #tpu.memory_space<hbm>>
      %dma_wait3A_1342 = arith.constant 0 : i32
      %dma_wait3A_1343 = arith.constant 0 : i32
      %dma_wait3A_1344 = tpu.memref_slice %arg7[%dma_wait3A_1334, %dma_wait3A_1342, %dma_wait3A_1343] : memref<8x32x128xf32, #tpu.memory_space<vmem>> -> memref<1x32x128xf32, #tpu.memory_space<vmem>>
      %dma_wait3A_1345 = tpu.memref_squeeze %dma_wait3A_1344 : memref<1x32x128xf32, #tpu.memory_space<vmem>> -> memref<32x128xf32, #tpu.memory_space<vmem>>
      %dma_wait3A_1346 = arith.constant 0 : i32
      %dma_wait3A_1347 = arith.constant 0 : i32
      %dma_wait3A_1348 = tpu.memref_slice %arg3[%dma_wait3A_1346, %dma_wait3A_1347] : memref<32x1000000xf32, #tpu.memory_space<hbm>> -> memref<32x128xf32, #tpu.memory_space<hbm>>
      tpu.wait_dma2 semaphore(%arg10 : memref<!tpu.dma_semaphore, #tpu.memory_space<semaphore_mem>>) src(%dma_wait3A_1348 : memref<32x128xf32, #tpu.memory_space<hbm>>) dst(%dma_wait3A_1345 : memref<32x128xf32, #tpu.memory_space<vmem>>)
      %dma_wait3A_1349 = arith.constant 0 : i32
      %dma_wait3A_1350 = arith.constant 0 : i32
      %dma_wait3A_1351 = arith.constant 0 : i32
      %dma_wait3A_1352 = tpu.memref_slice %arg8[%dma_wait3A_1349, %dma_wait3A_1350, %dma_wait3A_1351] : memref<8x32x128xf32, #tpu.memory_space<vmem>> -> memref<1x32x128xf32, #tpu.memory_space<vmem>>
      %dma_wait3A_1353 = tpu.memref_squeeze %dma_wait3A_1352 : memref<1x32x128xf32, #tpu.memory_space<vmem>> -> memref<32x128xf32, #tpu.memory_space<vmem>>
      %dma_wait3A_1354 = arith.constant 0 : i32
      %dma_wait3A_1355 = arith.constant 0 : i32
      %dma_wait3A_1356 = tpu.memref_slice %arg4[%dma_wait3A_1354, %dma_wait3A_1355] : memref<32x1000000xf32, #tpu.memory_space<hbm>> -> memref<32x128xf32, #tpu.memory_space<hbm>>
      %dma_wait3A_1357 = arith.constant 0 : i32
      %dma_wait3A_1358 = arith.constant 0 : i32
      %dma_wait3A_1359 = tpu.memref_slice %arg8[%dma_wait3A_1349, %dma_wait3A_1357, %dma_wait3A_1358] : memref<8x32x128xf32, #tpu.memory_space<vmem>> -> memref<1x32x128xf32, #tpu.memory_space<vmem>>
      %dma_wait3A_1360 = tpu.memref_squeeze %dma_wait3A_1359 : memref<1x32x128xf32, #tpu.memory_space<vmem>> -> memref<32x128xf32, #tpu.memory_space<vmem>>
      %dma_wait3A_1361 = arith.constant 0 : i32
      %dma_wait3A_1362 = arith.constant 0 : i32
      %dma_wait3A_1363 = tpu.memref_slice %arg4[%dma_wait3A_1361, %dma_wait3A_1362] : memref<32x1000000xf32, #tpu.memory_space<hbm>> -> memref<32x128xf32, #tpu.memory_space<hbm>>
      tpu.wait_dma2 semaphore(%arg10 : memref<!tpu.dma_semaphore, #tpu.memory_space<semaphore_mem>>) src(%dma_wait3A_1363 : memref<32x128xf32, #tpu.memory_space<hbm>>) dst(%dma_wait3A_1360 : memref<32x128xf32, #tpu.memory_space<vmem>>)
      %slice3A_1364 = vector.extract_strided_slice %and3A_544 {offsets = [8], sizes = [1], strides = [1]} : vector<16xi32> to vector<1xi32>
      %squeeze3A_1365 = vector.extract %slice3A_1364[0] : i32 from vector<1xi32>
      %mul3A_1366 = vector.broadcast %squeeze3A_1365 : i32 to vector<16xi32>
      %mul3A_1367 = arith.muli %broadcast_in_dim3A_572, %mul3A_1366 : vector<16xi32>
      %slice3A_1368 = vector.extract_strided_slice %and3A_547 {offsets = [8], sizes = [1], strides = [1]} : vector<16xi32> to vector<1xi32>
      %squeeze3A_1369 = vector.extract %slice3A_1368[0] : i32 from vector<1xi32>
      %mul3A_1370 = vector.broadcast %squeeze3A_1369 : i32 to vector<16xi32>
      %mul3A_1371 = arith.muli %broadcast_in_dim3A_572, %mul3A_1370 : vector<16xi32>
      %gather3A_1372 = tpu.vector_load_idx %arg7[%mul3A_1333, %iota3A, %mul3A_1367] : memref<8x32x128xf32, #tpu.memory_space<vmem>>[vector<16xi32>, vector<16xi32>, vector<16xi32>], vector<16xf32>,
      %add3A_1373 = arith.constant 16 : i32
      %add3A_1374 = vector.broadcast %add3A_1373 : i32 to vector<16xi32>
      %add3A_1375 = arith.addi %iota3A, %add3A_1374 : vector<16xi32>
      %gather3A_1376 = tpu.vector_load_idx %arg7[%mul3A_1333, %add3A_1375, %mul3A_1367] : memref<8x32x128xf32, #tpu.memory_space<vmem>>[vector<16xi32>, vector<16xi32>, vector<16xi32>], vector<16xf32>,
      %gather3A_1377 = tpu.vector_load_idx %arg8[%mul3A_1333, %iota3A, %mul3A_1371] : memref<8x32x128xf32, #tpu.memory_space<vmem>>[vector<16xi32>, vector<16xi32>, vector<16xi32>], vector<16xf32>,
      %add3A_1378 = arith.constant 16 : i32
      %add3A_1379 = vector.broadcast %add3A_1378 : i32 to vector<16xi32>
      %add3A_1380 = arith.addi %iota3A, %add3A_1379 : vector<16xi32>
      %gather3A_1381 = tpu.vector_load_idx %arg8[%mul3A_1333, %add3A_1380, %mul3A_1371] : memref<8x32x128xf32, #tpu.memory_space<vmem>>[vector<16xi32>, vector<16xi32>, vector<16xi32>], vector<16xf32>,
      %mul3A_1382 = arith.mulf %gather3A_1372, %gather3A_1377 : vector<16xf32>
      %mul3A_1383 = arith.mulf %gather3A_1376, %gather3A_1381 : vector<16xf32>
      %add3A_1384 = arith.addf %mul3A_1382, %mul3A_1383 : vector<16xf32>
      %reduce_sum3A_1385 = arith.constant true
      %reduce_sum3A_1386 = vector.broadcast %reduce_sum3A_1385 : i1 to vector<16xi1>
      %reduce_sum3A_1387 = tpu.scan <sum>, %add3A_1384 masked %reduce_sum3A_1386 : vector<16xf32>, vector<16xi1> -> vector<16xf32>
      %reduce_sum3A_1388 = vector.extract %reduce_sum3A_1387[15] : f32 from vector<16xf32>
      %eq3A_1389 = arith.constant 8 : i32
      %eq3A_1390 = vector.broadcast %eq3A_1389 : i32 to vector<16xi32>
      %eq3A_1391 = arith.cmpi eq, %iota3A, %eq3A_1390 : vector<16xi32>
      %broadcast_in_dim3A_1392 = vector.broadcast %reduce_sum3A_1388 : f32 to vector<16xf32>
      %select_n3A_1393 = arith.select %eq3A_1391, %broadcast_in_dim3A_1392, %select_n3A_1298 : vector<16xi1>, vector<16xf32>
      %slice3A_1394 = vector.extract_strided_slice %shift_left3A_565 {offsets = [0], sizes = [1], strides = [1]} : vector<16xi32> to vector<1xi32>
      %squeeze3A_1395 = vector.extract %slice3A_1394[0] : i32 from vector<1xi32>
      %multiple_of3A_1396 = tpu.assume_multiple %squeeze3A_1395, 128 : i32
      %dma_start3A_1397 = arith.constant 0 : i32
      %dma_start3A_1398 = arith.constant 0 : i32
      %dma_start3A_1399 = arith.constant 0 : i32
      %dma_start3A_1400 = tpu.memref_slice %arg7[%dma_start3A_1397, %dma_start3A_1398, %dma_start3A_1399] : memref<8x32x128xf32, #tpu.memory_space<vmem>> -> memref<1x32x128xf32, #tpu.memory_space<vmem>>
      %dma_start3A_1401 = tpu.memref_squeeze %dma_start3A_1400 : memref<1x32x128xf32, #tpu.memory_space<vmem>> -> memref<32x128xf32, #tpu.memory_space<vmem>>
      %dma_start3A_1402 = arith.constant 0 : i32
      %dma_start3A_1403 = tpu.memref_slice %arg3[%dma_start3A_1402, %multiple_of3A_1396] : memref<32x1000000xf32, #tpu.memory_space<hbm>> -> memref<32x128xf32, #tpu.memory_space<hbm>>
      %dma_start3A_1404 = arith.constant 0 : i32
      %dma_start3A_1405 = arith.constant 0 : i32
      %dma_start3A_1406 = tpu.memref_slice %arg7[%dma_start3A_1397, %dma_start3A_1404, %dma_start3A_1405] : memref<8x32x128xf32, #tpu.memory_space<vmem>> -> memref<1x32x128xf32, #tpu.memory_space<vmem>>
      %dma_start3A_1407 = tpu.memref_squeeze %dma_start3A_1406 : memref<1x32x128xf32, #tpu.memory_space<vmem>> -> memref<32x128xf32, #tpu.memory_space<vmem>>
      %dma_start3A_1408 = arith.constant 0 : i32
      %dma_start3A_1409 = tpu.memref_slice %arg3[%dma_start3A_1408, %multiple_of3A_1396] : memref<32x1000000xf32, #tpu.memory_space<hbm>> -> memref<32x128xf32, #tpu.memory_space<hbm>>
      tpu.enqueue_dma source(%dma_start3A_1409 : memref<32x128xf32, #tpu.memory_space<hbm>>) target(%dma_start3A_1407 : memref<32x128xf32, #tpu.memory_space<vmem>>) target_semaphore(%arg10 : memref<!tpu.dma_semaphore, #tpu.memory_space<semaphore_mem>>)
      %slice3A_1410 = vector.extract_strided_slice %shift_left3A_571 {offsets = [0], sizes = [1], strides = [1]} : vector<16xi32> to vector<1xi32>
      %squeeze3A_1411 = vector.extract %slice3A_1410[0] : i32 from vector<1xi32>
      %multiple_of3A_1412 = tpu.assume_multiple %squeeze3A_1411, 128 : i32
      %dma_start3A_1413 = arith.constant 0 : i32
      %dma_start3A_1414 = arith.constant 0 : i32
      %dma_start3A_1415 = arith.constant 0 : i32
      %dma_start3A_1416 = tpu.memref_slice %arg8[%dma_start3A_1413, %dma_start3A_1414, %dma_start3A_1415] : memref<8x32x128xf32, #tpu.memory_space<vmem>> -> memref<1x32x128xf32, #tpu.memory_space<vmem>>
      %dma_start3A_1417 = tpu.memref_squeeze %dma_start3A_1416 : memref<1x32x128xf32, #tpu.memory_space<vmem>> -> memref<32x128xf32, #tpu.memory_space<vmem>>
      %dma_start3A_1418 = arith.constant 0 : i32
      %dma_start3A_1419 = tpu.memref_slice %arg4[%dma_start3A_1418, %multiple_of3A_1412] : memref<32x1000000xf32, #tpu.memory_space<hbm>> -> memref<32x128xf32, #tpu.memory_space<hbm>>
      %dma_start3A_1420 = arith.constant 0 : i32
      %dma_start3A_1421 = arith.constant 0 : i32
      %dma_start3A_1422 = tpu.memref_slice %arg8[%dma_start3A_1413, %dma_start3A_1420, %dma_start3A_1421] : memref<8x32x128xf32, #tpu.memory_space<vmem>> -> memref<1x32x128xf32, #tpu.memory_space<vmem>>
      %dma_start3A_1423 = tpu.memref_squeeze %dma_start3A_1422 : memref<1x32x128xf32, #tpu.memory_space<vmem>> -> memref<32x128xf32, #tpu.memory_space<vmem>>
      %dma_start3A_1424 = arith.constant 0 : i32
      %dma_start3A_1425 = tpu.memref_slice %arg4[%dma_start3A_1424, %multiple_of3A_1412] : memref<32x1000000xf32, #tpu.memory_space<hbm>> -> memref<32x128xf32, #tpu.memory_space<hbm>>
      tpu.enqueue_dma source(%dma_start3A_1425 : memref<32x128xf32, #tpu.memory_space<hbm>>) target(%dma_start3A_1423 : memref<32x128xf32, #tpu.memory_space<vmem>>) target_semaphore(%arg10 : memref<!tpu.dma_semaphore, #tpu.memory_space<semaphore_mem>>)
      %mul3A_1426 = arith.constant 1 : i32
      %mul3A_1427 = vector.broadcast %mul3A_1426 : i32 to vector<16xi32>
      %mul3A_1428 = arith.muli %broadcast_in_dim3A_572, %mul3A_1427 : vector<16xi32>
      %dma_wait3A_1429 = arith.constant 1 : i32
      %dma_wait3A_1430 = arith.constant 0 : i32
      %dma_wait3A_1431 = arith.constant 0 : i32
      %dma_wait3A_1432 = tpu.memref_slice %arg7[%dma_wait3A_1429, %dma_wait3A_1430, %dma_wait3A_1431] : memref<8x32x128xf32, #tpu.memory_space<vmem>> -> memref<1x32x128xf32, #tpu.memory_space<vmem>>
      %dma_wait3A_1433 = tpu.memref_squeeze %dma_wait3A_1432 : memref<1x32x128xf32, #tpu.memory_space<vmem>> -> memref<32x128xf32, #tpu.memory_space<vmem>>
      %dma_wait3A_1434 = arith.constant 0 : i32
      %dma_wait3A_1435 = arith.constant 0 : i32
      %dma_wait3A_1436 = tpu.memref_slice %arg3[%dma_wait3A_1434, %dma_wait3A_1435] : memref<32x1000000xf32, #tpu.memory_space<hbm>> -> memref<32x128xf32, #tpu.memory_space<hbm>>
      %dma_wait3A_1437 = arith.constant 0 : i32
      %dma_wait3A_1438 = arith.constant 0 : i32
      %dma_wait3A_1439 = tpu.memref_slice %arg7[%dma_wait3A_1429, %dma_wait3A_1437, %dma_wait3A_1438] : memref<8x32x128xf32, #tpu.memory_space<vmem>> -> memref<1x32x128xf32, #tpu.memory_space<vmem>>
      %dma_wait3A_1440 = tpu.memref_squeeze %dma_wait3A_1439 : memref<1x32x128xf32, #tpu.memory_space<vmem>> -> memref<32x128xf32, #tpu.memory_space<vmem>>
      %dma_wait3A_1441 = arith.constant 0 : i32
      %dma_wait3A_1442 = arith.constant 0 : i32
      %dma_wait3A_1443 = tpu.memref_slice %arg3[%dma_wait3A_1441, %dma_wait3A_1442] : memref<32x1000000xf32, #tpu.memory_space<hbm>> -> memref<32x128xf32, #tpu.memory_space<hbm>>
      tpu.wait_dma2 semaphore(%arg11 : memref<!tpu.dma_semaphore, #tpu.memory_space<semaphore_mem>>) src(%dma_wait3A_1443 : memref<32x128xf32, #tpu.memory_space<hbm>>) dst(%dma_wait3A_1440 : memref<32x128xf32, #tpu.memory_space<vmem>>)
      %dma_wait3A_1444 = arith.constant 1 : i32
      %dma_wait3A_1445 = arith.constant 0 : i32
      %dma_wait3A_1446 = arith.constant 0 : i32
      %dma_wait3A_1447 = tpu.memref_slice %arg8[%dma_wait3A_1444, %dma_wait3A_1445, %dma_wait3A_1446] : memref<8x32x128xf32, #tpu.memory_space<vmem>> -> memref<1x32x128xf32, #tpu.memory_space<vmem>>
      %dma_wait3A_1448 = tpu.memref_squeeze %dma_wait3A_1447 : memref<1x32x128xf32, #tpu.memory_space<vmem>> -> memref<32x128xf32, #tpu.memory_space<vmem>>
      %dma_wait3A_1449 = arith.constant 0 : i32
      %dma_wait3A_1450 = arith.constant 0 : i32
      %dma_wait3A_1451 = tpu.memref_slice %arg4[%dma_wait3A_1449, %dma_wait3A_1450] : memref<32x1000000xf32, #tpu.memory_space<hbm>> -> memref<32x128xf32, #tpu.memory_space<hbm>>
      %dma_wait3A_1452 = arith.constant 0 : i32
      %dma_wait3A_1453 = arith.constant 0 : i32
      %dma_wait3A_1454 = tpu.memref_slice %arg8[%dma_wait3A_1444, %dma_wait3A_1452, %dma_wait3A_1453] : memref<8x32x128xf32, #tpu.memory_space<vmem>> -> memref<1x32x128xf32, #tpu.memory_space<vmem>>
      %dma_wait3A_1455 = tpu.memref_squeeze %dma_wait3A_1454 : memref<1x32x128xf32, #tpu.memory_space<vmem>> -> memref<32x128xf32, #tpu.memory_space<vmem>>
      %dma_wait3A_1456 = arith.constant 0 : i32
      %dma_wait3A_1457 = arith.constant 0 : i32
      %dma_wait3A_1458 = tpu.memref_slice %arg4[%dma_wait3A_1456, %dma_wait3A_1457] : memref<32x1000000xf32, #tpu.memory_space<hbm>> -> memref<32x128xf32, #tpu.memory_space<hbm>>
      tpu.wait_dma2 semaphore(%arg11 : memref<!tpu.dma_semaphore, #tpu.memory_space<semaphore_mem>>) src(%dma_wait3A_1458 : memref<32x128xf32, #tpu.memory_space<hbm>>) dst(%dma_wait3A_1455 : memref<32x128xf32, #tpu.memory_space<vmem>>)
      %slice3A_1459 = vector.extract_strided_slice %and3A_544 {offsets = [9], sizes = [1], strides = [1]} : vector<16xi32> to vector<1xi32>
      %squeeze3A_1460 = vector.extract %slice3A_1459[0] : i32 from vector<1xi32>
      %mul3A_1461 = vector.broadcast %squeeze3A_1460 : i32 to vector<16xi32>
      %mul3A_1462 = arith.muli %broadcast_in_dim3A_572, %mul3A_1461 : vector<16xi32>
      %slice3A_1463 = vector.extract_strided_slice %and3A_547 {offsets = [9], sizes = [1], strides = [1]} : vector<16xi32> to vector<1xi32>
      %squeeze3A_1464 = vector.extract %slice3A_1463[0] : i32 from vector<1xi32>
      %mul3A_1465 = vector.broadcast %squeeze3A_1464 : i32 to vector<16xi32>
      %mul3A_1466 = arith.muli %broadcast_in_dim3A_572, %mul3A_1465 : vector<16xi32>
      %gather3A_1467 = tpu.vector_load_idx %arg7[%mul3A_1428, %iota3A, %mul3A_1462] : memref<8x32x128xf32, #tpu.memory_space<vmem>>[vector<16xi32>, vector<16xi32>, vector<16xi32>], vector<16xf32>,
      %add3A_1468 = arith.constant 16 : i32
      %add3A_1469 = vector.broadcast %add3A_1468 : i32 to vector<16xi32>
      %add3A_1470 = arith.addi %iota3A, %add3A_1469 : vector<16xi32>
      %gather3A_1471 = tpu.vector_load_idx %arg7[%mul3A_1428, %add3A_1470, %mul3A_1462] : memref<8x32x128xf32, #tpu.memory_space<vmem>>[vector<16xi32>, vector<16xi32>, vector<16xi32>], vector<16xf32>,
      %gather3A_1472 = tpu.vector_load_idx %arg8[%mul3A_1428, %iota3A, %mul3A_1466] : memref<8x32x128xf32, #tpu.memory_space<vmem>>[vector<16xi32>, vector<16xi32>, vector<16xi32>], vector<16xf32>,
      %add3A_1473 = arith.constant 16 : i32
      %add3A_1474 = vector.broadcast %add3A_1473 : i32 to vector<16xi32>
      %add3A_1475 = arith.addi %iota3A, %add3A_1474 : vector<16xi32>
      %gather3A_1476 = tpu.vector_load_idx %arg8[%mul3A_1428, %add3A_1475, %mul3A_1466] : memref<8x32x128xf32, #tpu.memory_space<vmem>>[vector<16xi32>, vector<16xi32>, vector<16xi32>], vector<16xf32>,
      %mul3A_1477 = arith.mulf %gather3A_1467, %gather3A_1472 : vector<16xf32>
      %mul3A_1478 = arith.mulf %gather3A_1471, %gather3A_1476 : vector<16xf32>
      %add3A_1479 = arith.addf %mul3A_1477, %mul3A_1478 : vector<16xf32>
      %reduce_sum3A_1480 = arith.constant true
      %reduce_sum3A_1481 = vector.broadcast %reduce_sum3A_1480 : i1 to vector<16xi1>
      %reduce_sum3A_1482 = tpu.scan <sum>, %add3A_1479 masked %reduce_sum3A_1481 : vector<16xf32>, vector<16xi1> -> vector<16xf32>
      %reduce_sum3A_1483 = vector.extract %reduce_sum3A_1482[15] : f32 from vector<16xf32>
      %eq3A_1484 = arith.constant 9 : i32
      %eq3A_1485 = vector.broadcast %eq3A_1484 : i32 to vector<16xi32>
      %eq3A_1486 = arith.cmpi eq, %iota3A, %eq3A_1485 : vector<16xi32>
      %broadcast_in_dim3A_1487 = vector.broadcast %reduce_sum3A_1483 : f32 to vector<16xf32>
      %select_n3A_1488 = arith.select %eq3A_1486, %broadcast_in_dim3A_1487, %select_n3A_1393 : vector<16xi1>, vector<16xf32>
      %slice3A_1489 = vector.extract_strided_slice %shift_left3A_565 {offsets = [1], sizes = [1], strides = [1]} : vector<16xi32> to vector<1xi32>
      %squeeze3A_1490 = vector.extract %slice3A_1489[0] : i32 from vector<1xi32>
      %multiple_of3A_1491 = tpu.assume_multiple %squeeze3A_1490, 128 : i32
      %dma_start3A_1492 = arith.constant 1 : i32
      %dma_start3A_1493 = arith.constant 0 : i32
      %dma_start3A_1494 = arith.constant 0 : i32
      %dma_start3A_1495 = tpu.memref_slice %arg7[%dma_start3A_1492, %dma_start3A_1493, %dma_start3A_1494] : memref<8x32x128xf32, #tpu.memory_space<vmem>> -> memref<1x32x128xf32, #tpu.memory_space<vmem>>
      %dma_start3A_1496 = tpu.memref_squeeze %dma_start3A_1495 : memref<1x32x128xf32, #tpu.memory_space<vmem>> -> memref<32x128xf32, #tpu.memory_space<vmem>>
      %dma_start3A_1497 = arith.constant 0 : i32
      %dma_start3A_1498 = tpu.memref_slice %arg3[%dma_start3A_1497, %multiple_of3A_1491] : memref<32x1000000xf32, #tpu.memory_space<hbm>> -> memref<32x128xf32, #tpu.memory_space<hbm>>
      %dma_start3A_1499 = arith.constant 0 : i32
      %dma_start3A_1500 = arith.constant 0 : i32
      %dma_start3A_1501 = tpu.memref_slice %arg7[%dma_start3A_1492, %dma_start3A_1499, %dma_start3A_1500] : memref<8x32x128xf32, #tpu.memory_space<vmem>> -> memref<1x32x128xf32, #tpu.memory_space<vmem>>
      %dma_start3A_1502 = tpu.memref_squeeze %dma_start3A_1501 : memref<1x32x128xf32, #tpu.memory_space<vmem>> -> memref<32x128xf32, #tpu.memory_space<vmem>>
      %dma_start3A_1503 = arith.constant 0 : i32
      %dma_start3A_1504 = tpu.memref_slice %arg3[%dma_start3A_1503, %multiple_of3A_1491] : memref<32x1000000xf32, #tpu.memory_space<hbm>> -> memref<32x128xf32, #tpu.memory_space<hbm>>
      tpu.enqueue_dma source(%dma_start3A_1504 : memref<32x128xf32, #tpu.memory_space<hbm>>) target(%dma_start3A_1502 : memref<32x128xf32, #tpu.memory_space<vmem>>) target_semaphore(%arg11 : memref<!tpu.dma_semaphore, #tpu.memory_space<semaphore_mem>>)
      %slice3A_1505 = vector.extract_strided_slice %shift_left3A_571 {offsets = [1], sizes = [1], strides = [1]} : vector<16xi32> to vector<1xi32>
      %squeeze3A_1506 = vector.extract %slice3A_1505[0] : i32 from vector<1xi32>
      %multiple_of3A_1507 = tpu.assume_multiple %squeeze3A_1506, 128 : i32
      %dma_start3A_1508 = arith.constant 1 : i32
      %dma_start3A_1509 = arith.constant 0 : i32
      %dma_start3A_1510 = arith.constant 0 : i32
      %dma_start3A_1511 = tpu.memref_slice %arg8[%dma_start3A_1508, %dma_start3A_1509, %dma_start3A_1510] : memref<8x32x128xf32, #tpu.memory_space<vmem>> -> memref<1x32x128xf32, #tpu.memory_space<vmem>>
      %dma_start3A_1512 = tpu.memref_squeeze %dma_start3A_1511 : memref<1x32x128xf32, #tpu.memory_space<vmem>> -> memref<32x128xf32, #tpu.memory_space<vmem>>
      %dma_start3A_1513 = arith.constant 0 : i32
      %dma_start3A_1514 = tpu.memref_slice %arg4[%dma_start3A_1513, %multiple_of3A_1507] : memref<32x1000000xf32, #tpu.memory_space<hbm>> -> memref<32x128xf32, #tpu.memory_space<hbm>>
      %dma_start3A_1515 = arith.constant 0 : i32
      %dma_start3A_1516 = arith.constant 0 : i32
      %dma_start3A_1517 = tpu.memref_slice %arg8[%dma_start3A_1508, %dma_start3A_1515, %dma_start3A_1516] : memref<8x32x128xf32, #tpu.memory_space<vmem>> -> memref<1x32x128xf32, #tpu.memory_space<vmem>>
      %dma_start3A_1518 = tpu.memref_squeeze %dma_start3A_1517 : memref<1x32x128xf32, #tpu.memory_space<vmem>> -> memref<32x128xf32, #tpu.memory_space<vmem>>
      %dma_start3A_1519 = arith.constant 0 : i32
      %dma_start3A_1520 = tpu.memref_slice %arg4[%dma_start3A_1519, %multiple_of3A_1507] : memref<32x1000000xf32, #tpu.memory_space<hbm>> -> memref<32x128xf32, #tpu.memory_space<hbm>>
      tpu.enqueue_dma source(%dma_start3A_1520 : memref<32x128xf32, #tpu.memory_space<hbm>>) target(%dma_start3A_1518 : memref<32x128xf32, #tpu.memory_space<vmem>>) target_semaphore(%arg11 : memref<!tpu.dma_semaphore, #tpu.memory_space<semaphore_mem>>)
      %mul3A_1521 = arith.constant 2 : i32
      %mul3A_1522 = vector.broadcast %mul3A_1521 : i32 to vector<16xi32>
      %mul3A_1523 = arith.muli %broadcast_in_dim3A_572, %mul3A_1522 : vector<16xi32>
      %dma_wait3A_1524 = arith.constant 2 : i32
      %dma_wait3A_1525 = arith.constant 0 : i32
      %dma_wait3A_1526 = arith.constant 0 : i32
      %dma_wait3A_1527 = tpu.memref_slice %arg7[%dma_wait3A_1524, %dma_wait3A_1525, %dma_wait3A_1526] : memref<8x32x128xf32, #tpu.memory_space<vmem>> -> memref<1x32x128xf32, #tpu.memory_space<vmem>>
      %dma_wait3A_1528 = tpu.memref_squeeze %dma_wait3A_1527 : memref<1x32x128xf32, #tpu.memory_space<vmem>> -> memref<32x128xf32, #tpu.memory_space<vmem>>
      %dma_wait3A_1529 = arith.constant 0 : i32
      %dma_wait3A_1530 = arith.constant 0 : i32
      %dma_wait3A_1531 = tpu.memref_slice %arg3[%dma_wait3A_1529, %dma_wait3A_1530] : memref<32x1000000xf32, #tpu.memory_space<hbm>> -> memref<32x128xf32, #tpu.memory_space<hbm>>
      %dma_wait3A_1532 = arith.constant 0 : i32
      %dma_wait3A_1533 = arith.constant 0 : i32
      %dma_wait3A_1534 = tpu.memref_slice %arg7[%dma_wait3A_1524, %dma_wait3A_1532, %dma_wait3A_1533] : memref<8x32x128xf32, #tpu.memory_space<vmem>> -> memref<1x32x128xf32, #tpu.memory_space<vmem>>
      %dma_wait3A_1535 = tpu.memref_squeeze %dma_wait3A_1534 : memref<1x32x128xf32, #tpu.memory_space<vmem>> -> memref<32x128xf32, #tpu.memory_space<vmem>>
      %dma_wait3A_1536 = arith.constant 0 : i32
      %dma_wait3A_1537 = arith.constant 0 : i32
      %dma_wait3A_1538 = tpu.memref_slice %arg3[%dma_wait3A_1536, %dma_wait3A_1537] : memref<32x1000000xf32, #tpu.memory_space<hbm>> -> memref<32x128xf32, #tpu.memory_space<hbm>>
      tpu.wait_dma2 semaphore(%arg12 : memref<!tpu.dma_semaphore, #tpu.memory_space<semaphore_mem>>) src(%dma_wait3A_1538 : memref<32x128xf32, #tpu.memory_space<hbm>>) dst(%dma_wait3A_1535 : memref<32x128xf32, #tpu.memory_space<vmem>>)
      %dma_wait3A_1539 = arith.constant 2 : i32
      %dma_wait3A_1540 = arith.constant 0 : i32
      %dma_wait3A_1541 = arith.constant 0 : i32
      %dma_wait3A_1542 = tpu.memref_slice %arg8[%dma_wait3A_1539, %dma_wait3A_1540, %dma_wait3A_1541] : memref<8x32x128xf32, #tpu.memory_space<vmem>> -> memref<1x32x128xf32, #tpu.memory_space<vmem>>
      %dma_wait3A_1543 = tpu.memref_squeeze %dma_wait3A_1542 : memref<1x32x128xf32, #tpu.memory_space<vmem>> -> memref<32x128xf32, #tpu.memory_space<vmem>>
      %dma_wait3A_1544 = arith.constant 0 : i32
      %dma_wait3A_1545 = arith.constant 0 : i32
      %dma_wait3A_1546 = tpu.memref_slice %arg4[%dma_wait3A_1544, %dma_wait3A_1545] : memref<32x1000000xf32, #tpu.memory_space<hbm>> -> memref<32x128xf32, #tpu.memory_space<hbm>>
      %dma_wait3A_1547 = arith.constant 0 : i32
      %dma_wait3A_1548 = arith.constant 0 : i32
      %dma_wait3A_1549 = tpu.memref_slice %arg8[%dma_wait3A_1539, %dma_wait3A_1547, %dma_wait3A_1548] : memref<8x32x128xf32, #tpu.memory_space<vmem>> -> memref<1x32x128xf32, #tpu.memory_space<vmem>>
      %dma_wait3A_1550 = tpu.memref_squeeze %dma_wait3A_1549 : memref<1x32x128xf32, #tpu.memory_space<vmem>> -> memref<32x128xf32, #tpu.memory_space<vmem>>
      %dma_wait3A_1551 = arith.constant 0 : i32
      %dma_wait3A_1552 = arith.constant 0 : i32
      %dma_wait3A_1553 = tpu.memref_slice %arg4[%dma_wait3A_1551, %dma_wait3A_1552] : memref<32x1000000xf32, #tpu.memory_space<hbm>> -> memref<32x128xf32, #tpu.memory_space<hbm>>
      tpu.wait_dma2 semaphore(%arg12 : memref<!tpu.dma_semaphore, #tpu.memory_space<semaphore_mem>>) src(%dma_wait3A_1553 : memref<32x128xf32, #tpu.memory_space<hbm>>) dst(%dma_wait3A_1550 : memref<32x128xf32, #tpu.memory_space<vmem>>)
      %slice3A_1554 = vector.extract_strided_slice %and3A_544 {offsets = [10], sizes = [1], strides = [1]} : vector<16xi32> to vector<1xi32>
      %squeeze3A_1555 = vector.extract %slice3A_1554[0] : i32 from vector<1xi32>
      %mul3A_1556 = vector.broadcast %squeeze3A_1555 : i32 to vector<16xi32>
      %mul3A_1557 = arith.muli %broadcast_in_dim3A_572, %mul3A_1556 : vector<16xi32>
      %slice3A_1558 = vector.extract_strided_slice %and3A_547 {offsets = [10], sizes = [1], strides = [1]} : vector<16xi32> to vector<1xi32>
      %squeeze3A_1559 = vector.extract %slice3A_1558[0] : i32 from vector<1xi32>
      %mul3A_1560 = vector.broadcast %squeeze3A_1559 : i32 to vector<16xi32>
      %mul3A_1561 = arith.muli %broadcast_in_dim3A_572, %mul3A_1560 : vector<16xi32>
      %gather3A_1562 = tpu.vector_load_idx %arg7[%mul3A_1523, %iota3A, %mul3A_1557] : memref<8x32x128xf32, #tpu.memory_space<vmem>>[vector<16xi32>, vector<16xi32>, vector<16xi32>], vector<16xf32>,
      %add3A_1563 = arith.constant 16 : i32
      %add3A_1564 = vector.broadcast %add3A_1563 : i32 to vector<16xi32>
      %add3A_1565 = arith.addi %iota3A, %add3A_1564 : vector<16xi32>
      %gather3A_1566 = tpu.vector_load_idx %arg7[%mul3A_1523, %add3A_1565, %mul3A_1557] : memref<8x32x128xf32, #tpu.memory_space<vmem>>[vector<16xi32>, vector<16xi32>, vector<16xi32>], vector<16xf32>,
      %gather3A_1567 = tpu.vector_load_idx %arg8[%mul3A_1523, %iota3A, %mul3A_1561] : memref<8x32x128xf32, #tpu.memory_space<vmem>>[vector<16xi32>, vector<16xi32>, vector<16xi32>], vector<16xf32>,
      %add3A_1568 = arith.constant 16 : i32
      %add3A_1569 = vector.broadcast %add3A_1568 : i32 to vector<16xi32>
      %add3A_1570 = arith.addi %iota3A, %add3A_1569 : vector<16xi32>
      %gather3A_1571 = tpu.vector_load_idx %arg8[%mul3A_1523, %add3A_1570, %mul3A_1561] : memref<8x32x128xf32, #tpu.memory_space<vmem>>[vector<16xi32>, vector<16xi32>, vector<16xi32>], vector<16xf32>,
      %mul3A_1572 = arith.mulf %gather3A_1562, %gather3A_1567 : vector<16xf32>
      %mul3A_1573 = arith.mulf %gather3A_1566, %gather3A_1571 : vector<16xf32>
      %add3A_1574 = arith.addf %mul3A_1572, %mul3A_1573 : vector<16xf32>
      %reduce_sum3A_1575 = arith.constant true
      %reduce_sum3A_1576 = vector.broadcast %reduce_sum3A_1575 : i1 to vector<16xi1>
      %reduce_sum3A_1577 = tpu.scan <sum>, %add3A_1574 masked %reduce_sum3A_1576 : vector<16xf32>, vector<16xi1> -> vector<16xf32>
      %reduce_sum3A_1578 = vector.extract %reduce_sum3A_1577[15] : f32 from vector<16xf32>
      %eq3A_1579 = arith.constant 10 : i32
      %eq3A_1580 = vector.broadcast %eq3A_1579 : i32 to vector<16xi32>
      %eq3A_1581 = arith.cmpi eq, %iota3A, %eq3A_1580 : vector<16xi32>
      %broadcast_in_dim3A_1582 = vector.broadcast %reduce_sum3A_1578 : f32 to vector<16xf32>
      %select_n3A_1583 = arith.select %eq3A_1581, %broadcast_in_dim3A_1582, %select_n3A_1488 : vector<16xi1>, vector<16xf32>
      %slice3A_1584 = vector.extract_strided_slice %shift_left3A_565 {offsets = [2], sizes = [1], strides = [1]} : vector<16xi32> to vector<1xi32>
      %squeeze3A_1585 = vector.extract %slice3A_1584[0] : i32 from vector<1xi32>
      %multiple_of3A_1586 = tpu.assume_multiple %squeeze3A_1585, 128 : i32
      %dma_start3A_1587 = arith.constant 2 : i32
      %dma_start3A_1588 = arith.constant 0 : i32
      %dma_start3A_1589 = arith.constant 0 : i32
      %dma_start3A_1590 = tpu.memref_slice %arg7[%dma_start3A_1587, %dma_start3A_1588, %dma_start3A_1589] : memref<8x32x128xf32, #tpu.memory_space<vmem>> -> memref<1x32x128xf32, #tpu.memory_space<vmem>>
      %dma_start3A_1591 = tpu.memref_squeeze %dma_start3A_1590 : memref<1x32x128xf32, #tpu.memory_space<vmem>> -> memref<32x128xf32, #tpu.memory_space<vmem>>
      %dma_start3A_1592 = arith.constant 0 : i32
      %dma_start3A_1593 = tpu.memref_slice %arg3[%dma_start3A_1592, %multiple_of3A_1586] : memref<32x1000000xf32, #tpu.memory_space<hbm>> -> memref<32x128xf32, #tpu.memory_space<hbm>>
      %dma_start3A_1594 = arith.constant 0 : i32
      %dma_start3A_1595 = arith.constant 0 : i32
      %dma_start3A_1596 = tpu.memref_slice %arg7[%dma_start3A_1587, %dma_start3A_1594, %dma_start3A_1595] : memref<8x32x128xf32, #tpu.memory_space<vmem>> -> memref<1x32x128xf32, #tpu.memory_space<vmem>>
      %dma_start3A_1597 = tpu.memref_squeeze %dma_start3A_1596 : memref<1x32x128xf32, #tpu.memory_space<vmem>> -> memref<32x128xf32, #tpu.memory_space<vmem>>
      %dma_start3A_1598 = arith.constant 0 : i32
      %dma_start3A_1599 = tpu.memref_slice %arg3[%dma_start3A_1598, %multiple_of3A_1586] : memref<32x1000000xf32, #tpu.memory_space<hbm>> -> memref<32x128xf32, #tpu.memory_space<hbm>>
      tpu.enqueue_dma source(%dma_start3A_1599 : memref<32x128xf32, #tpu.memory_space<hbm>>) target(%dma_start3A_1597 : memref<32x128xf32, #tpu.memory_space<vmem>>) target_semaphore(%arg12 : memref<!tpu.dma_semaphore, #tpu.memory_space<semaphore_mem>>)
      %slice3A_1600 = vector.extract_strided_slice %shift_left3A_571 {offsets = [2], sizes = [1], strides = [1]} : vector<16xi32> to vector<1xi32>
      %squeeze3A_1601 = vector.extract %slice3A_1600[0] : i32 from vector<1xi32>
      %multiple_of3A_1602 = tpu.assume_multiple %squeeze3A_1601, 128 : i32
      %dma_start3A_1603 = arith.constant 2 : i32
      %dma_start3A_1604 = arith.constant 0 : i32
      %dma_start3A_1605 = arith.constant 0 : i32
      %dma_start3A_1606 = tpu.memref_slice %arg8[%dma_start3A_1603, %dma_start3A_1604, %dma_start3A_1605] : memref<8x32x128xf32, #tpu.memory_space<vmem>> -> memref<1x32x128xf32, #tpu.memory_space<vmem>>
      %dma_start3A_1607 = tpu.memref_squeeze %dma_start3A_1606 : memref<1x32x128xf32, #tpu.memory_space<vmem>> -> memref<32x128xf32, #tpu.memory_space<vmem>>
      %dma_start3A_1608 = arith.constant 0 : i32
      %dma_start3A_1609 = tpu.memref_slice %arg4[%dma_start3A_1608, %multiple_of3A_1602] : memref<32x1000000xf32, #tpu.memory_space<hbm>> -> memref<32x128xf32, #tpu.memory_space<hbm>>
      %dma_start3A_1610 = arith.constant 0 : i32
      %dma_start3A_1611 = arith.constant 0 : i32
      %dma_start3A_1612 = tpu.memref_slice %arg8[%dma_start3A_1603, %dma_start3A_1610, %dma_start3A_1611] : memref<8x32x128xf32, #tpu.memory_space<vmem>> -> memref<1x32x128xf32, #tpu.memory_space<vmem>>
      %dma_start3A_1613 = tpu.memref_squeeze %dma_start3A_1612 : memref<1x32x128xf32, #tpu.memory_space<vmem>> -> memref<32x128xf32, #tpu.memory_space<vmem>>
      %dma_start3A_1614 = arith.constant 0 : i32
      %dma_start3A_1615 = tpu.memref_slice %arg4[%dma_start3A_1614, %multiple_of3A_1602] : memref<32x1000000xf32, #tpu.memory_space<hbm>> -> memref<32x128xf32, #tpu.memory_space<hbm>>
      tpu.enqueue_dma source(%dma_start3A_1615 : memref<32x128xf32, #tpu.memory_space<hbm>>) target(%dma_start3A_1613 : memref<32x128xf32, #tpu.memory_space<vmem>>) target_semaphore(%arg12 : memref<!tpu.dma_semaphore, #tpu.memory_space<semaphore_mem>>)
      %mul3A_1616 = arith.constant 3 : i32
      %mul3A_1617 = vector.broadcast %mul3A_1616 : i32 to vector<16xi32>
      %mul3A_1618 = arith.muli %broadcast_in_dim3A_572, %mul3A_1617 : vector<16xi32>
      %dma_wait3A_1619 = arith.constant 3 : i32
      %dma_wait3A_1620 = arith.constant 0 : i32
      %dma_wait3A_1621 = arith.constant 0 : i32
      %dma_wait3A_1622 = tpu.memref_slice %arg7[%dma_wait3A_1619, %dma_wait3A_1620, %dma_wait3A_1621] : memref<8x32x128xf32, #tpu.memory_space<vmem>> -> memref<1x32x128xf32, #tpu.memory_space<vmem>>
      %dma_wait3A_1623 = tpu.memref_squeeze %dma_wait3A_1622 : memref<1x32x128xf32, #tpu.memory_space<vmem>> -> memref<32x128xf32, #tpu.memory_space<vmem>>
      %dma_wait3A_1624 = arith.constant 0 : i32
      %dma_wait3A_1625 = arith.constant 0 : i32
      %dma_wait3A_1626 = tpu.memref_slice %arg3[%dma_wait3A_1624, %dma_wait3A_1625] : memref<32x1000000xf32, #tpu.memory_space<hbm>> -> memref<32x128xf32, #tpu.memory_space<hbm>>
      %dma_wait3A_1627 = arith.constant 0 : i32
      %dma_wait3A_1628 = arith.constant 0 : i32
      %dma_wait3A_1629 = tpu.memref_slice %arg7[%dma_wait3A_1619, %dma_wait3A_1627, %dma_wait3A_1628] : memref<8x32x128xf32, #tpu.memory_space<vmem>> -> memref<1x32x128xf32, #tpu.memory_space<vmem>>
      %dma_wait3A_1630 = tpu.memref_squeeze %dma_wait3A_1629 : memref<1x32x128xf32, #tpu.memory_space<vmem>> -> memref<32x128xf32, #tpu.memory_space<vmem>>
      %dma_wait3A_1631 = arith.constant 0 : i32
      %dma_wait3A_1632 = arith.constant 0 : i32
      %dma_wait3A_1633 = tpu.memref_slice %arg3[%dma_wait3A_1631, %dma_wait3A_1632] : memref<32x1000000xf32, #tpu.memory_space<hbm>> -> memref<32x128xf32, #tpu.memory_space<hbm>>
      tpu.wait_dma2 semaphore(%arg13 : memref<!tpu.dma_semaphore, #tpu.memory_space<semaphore_mem>>) src(%dma_wait3A_1633 : memref<32x128xf32, #tpu.memory_space<hbm>>) dst(%dma_wait3A_1630 : memref<32x128xf32, #tpu.memory_space<vmem>>)
      %dma_wait3A_1634 = arith.constant 3 : i32
      %dma_wait3A_1635 = arith.constant 0 : i32
      %dma_wait3A_1636 = arith.constant 0 : i32
      %dma_wait3A_1637 = tpu.memref_slice %arg8[%dma_wait3A_1634, %dma_wait3A_1635, %dma_wait3A_1636] : memref<8x32x128xf32, #tpu.memory_space<vmem>> -> memref<1x32x128xf32, #tpu.memory_space<vmem>>
      %dma_wait3A_1638 = tpu.memref_squeeze %dma_wait3A_1637 : memref<1x32x128xf32, #tpu.memory_space<vmem>> -> memref<32x128xf32, #tpu.memory_space<vmem>>
      %dma_wait3A_1639 = arith.constant 0 : i32
      %dma_wait3A_1640 = arith.constant 0 : i32
      %dma_wait3A_1641 = tpu.memref_slice %arg4[%dma_wait3A_1639, %dma_wait3A_1640] : memref<32x1000000xf32, #tpu.memory_space<hbm>> -> memref<32x128xf32, #tpu.memory_space<hbm>>
      %dma_wait3A_1642 = arith.constant 0 : i32
      %dma_wait3A_1643 = arith.constant 0 : i32
      %dma_wait3A_1644 = tpu.memref_slice %arg8[%dma_wait3A_1634, %dma_wait3A_1642, %dma_wait3A_1643] : memref<8x32x128xf32, #tpu.memory_space<vmem>> -> memref<1x32x128xf32, #tpu.memory_space<vmem>>
      %dma_wait3A_1645 = tpu.memref_squeeze %dma_wait3A_1644 : memref<1x32x128xf32, #tpu.memory_space<vmem>> -> memref<32x128xf32, #tpu.memory_space<vmem>>
      %dma_wait3A_1646 = arith.constant 0 : i32
      %dma_wait3A_1647 = arith.constant 0 : i32
      %dma_wait3A_1648 = tpu.memref_slice %arg4[%dma_wait3A_1646, %dma_wait3A_1647] : memref<32x1000000xf32, #tpu.memory_space<hbm>> -> memref<32x128xf32, #tpu.memory_space<hbm>>
      tpu.wait_dma2 semaphore(%arg13 : memref<!tpu.dma_semaphore, #tpu.memory_space<semaphore_mem>>) src(%dma_wait3A_1648 : memref<32x128xf32, #tpu.memory_space<hbm>>) dst(%dma_wait3A_1645 : memref<32x128xf32, #tpu.memory_space<vmem>>)
      %slice3A_1649 = vector.extract_strided_slice %and3A_544 {offsets = [11], sizes = [1], strides = [1]} : vector<16xi32> to vector<1xi32>
      %squeeze3A_1650 = vector.extract %slice3A_1649[0] : i32 from vector<1xi32>
      %mul3A_1651 = vector.broadcast %squeeze3A_1650 : i32 to vector<16xi32>
      %mul3A_1652 = arith.muli %broadcast_in_dim3A_572, %mul3A_1651 : vector<16xi32>
      %slice3A_1653 = vector.extract_strided_slice %and3A_547 {offsets = [11], sizes = [1], strides = [1]} : vector<16xi32> to vector<1xi32>
      %squeeze3A_1654 = vector.extract %slice3A_1653[0] : i32 from vector<1xi32>
      %mul3A_1655 = vector.broadcast %squeeze3A_1654 : i32 to vector<16xi32>
      %mul3A_1656 = arith.muli %broadcast_in_dim3A_572, %mul3A_1655 : vector<16xi32>
      %gather3A_1657 = tpu.vector_load_idx %arg7[%mul3A_1618, %iota3A, %mul3A_1652] : memref<8x32x128xf32, #tpu.memory_space<vmem>>[vector<16xi32>, vector<16xi32>, vector<16xi32>], vector<16xf32>,
      %add3A_1658 = arith.constant 16 : i32
      %add3A_1659 = vector.broadcast %add3A_1658 : i32 to vector<16xi32>
      %add3A_1660 = arith.addi %iota3A, %add3A_1659 : vector<16xi32>
      %gather3A_1661 = tpu.vector_load_idx %arg7[%mul3A_1618, %add3A_1660, %mul3A_1652] : memref<8x32x128xf32, #tpu.memory_space<vmem>>[vector<16xi32>, vector<16xi32>, vector<16xi32>], vector<16xf32>,
      %gather3A_1662 = tpu.vector_load_idx %arg8[%mul3A_1618, %iota3A, %mul3A_1656] : memref<8x32x128xf32, #tpu.memory_space<vmem>>[vector<16xi32>, vector<16xi32>, vector<16xi32>], vector<16xf32>,
      %add3A_1663 = arith.constant 16 : i32
      %add3A_1664 = vector.broadcast %add3A_1663 : i32 to vector<16xi32>
      %add3A_1665 = arith.addi %iota3A, %add3A_1664 : vector<16xi32>
      %gather3A_1666 = tpu.vector_load_idx %arg8[%mul3A_1618, %add3A_1665, %mul3A_1656] : memref<8x32x128xf32, #tpu.memory_space<vmem>>[vector<16xi32>, vector<16xi32>, vector<16xi32>], vector<16xf32>,
      %mul3A_1667 = arith.mulf %gather3A_1657, %gather3A_1662 : vector<16xf32>
      %mul3A_1668 = arith.mulf %gather3A_1661, %gather3A_1666 : vector<16xf32>
      %add3A_1669 = arith.addf %mul3A_1667, %mul3A_1668 : vector<16xf32>
      %reduce_sum3A_1670 = arith.constant true
      %reduce_sum3A_1671 = vector.broadcast %reduce_sum3A_1670 : i1 to vector<16xi1>
      %reduce_sum3A_1672 = tpu.scan <sum>, %add3A_1669 masked %reduce_sum3A_1671 : vector<16xf32>, vector<16xi1> -> vector<16xf32>
      %reduce_sum3A_1673 = vector.extract %reduce_sum3A_1672[15] : f32 from vector<16xf32>
      %eq3A_1674 = arith.constant 11 : i32
      %eq3A_1675 = vector.broadcast %eq3A_1674 : i32 to vector<16xi32>
      %eq3A_1676 = arith.cmpi eq, %iota3A, %eq3A_1675 : vector<16xi32>
      %broadcast_in_dim3A_1677 = vector.broadcast %reduce_sum3A_1673 : f32 to vector<16xf32>
      %select_n3A_1678 = arith.select %eq3A_1676, %broadcast_in_dim3A_1677, %select_n3A_1583 : vector<16xi1>, vector<16xf32>
      %slice3A_1679 = vector.extract_strided_slice %shift_left3A_565 {offsets = [3], sizes = [1], strides = [1]} : vector<16xi32> to vector<1xi32>
      %squeeze3A_1680 = vector.extract %slice3A_1679[0] : i32 from vector<1xi32>
      %multiple_of3A_1681 = tpu.assume_multiple %squeeze3A_1680, 128 : i32
      %dma_start3A_1682 = arith.constant 3 : i32
      %dma_start3A_1683 = arith.constant 0 : i32
      %dma_start3A_1684 = arith.constant 0 : i32
      %dma_start3A_1685 = tpu.memref_slice %arg7[%dma_start3A_1682, %dma_start3A_1683, %dma_start3A_1684] : memref<8x32x128xf32, #tpu.memory_space<vmem>> -> memref<1x32x128xf32, #tpu.memory_space<vmem>>
      %dma_start3A_1686 = tpu.memref_squeeze %dma_start3A_1685 : memref<1x32x128xf32, #tpu.memory_space<vmem>> -> memref<32x128xf32, #tpu.memory_space<vmem>>
      %dma_start3A_1687 = arith.constant 0 : i32
      %dma_start3A_1688 = tpu.memref_slice %arg3[%dma_start3A_1687, %multiple_of3A_1681] : memref<32x1000000xf32, #tpu.memory_space<hbm>> -> memref<32x128xf32, #tpu.memory_space<hbm>>
      %dma_start3A_1689 = arith.constant 0 : i32
      %dma_start3A_1690 = arith.constant 0 : i32
      %dma_start3A_1691 = tpu.memref_slice %arg7[%dma_start3A_1682, %dma_start3A_1689, %dma_start3A_1690] : memref<8x32x128xf32, #tpu.memory_space<vmem>> -> memref<1x32x128xf32, #tpu.memory_space<vmem>>
      %dma_start3A_1692 = tpu.memref_squeeze %dma_start3A_1691 : memref<1x32x128xf32, #tpu.memory_space<vmem>> -> memref<32x128xf32, #tpu.memory_space<vmem>>
      %dma_start3A_1693 = arith.constant 0 : i32
      %dma_start3A_1694 = tpu.memref_slice %arg3[%dma_start3A_1693, %multiple_of3A_1681] : memref<32x1000000xf32, #tpu.memory_space<hbm>> -> memref<32x128xf32, #tpu.memory_space<hbm>>
      tpu.enqueue_dma source(%dma_start3A_1694 : memref<32x128xf32, #tpu.memory_space<hbm>>) target(%dma_start3A_1692 : memref<32x128xf32, #tpu.memory_space<vmem>>) target_semaphore(%arg13 : memref<!tpu.dma_semaphore, #tpu.memory_space<semaphore_mem>>)
      %slice3A_1695 = vector.extract_strided_slice %shift_left3A_571 {offsets = [3], sizes = [1], strides = [1]} : vector<16xi32> to vector<1xi32>
      %squeeze3A_1696 = vector.extract %slice3A_1695[0] : i32 from vector<1xi32>
      %multiple_of3A_1697 = tpu.assume_multiple %squeeze3A_1696, 128 : i32
      %dma_start3A_1698 = arith.constant 3 : i32
      %dma_start3A_1699 = arith.constant 0 : i32
      %dma_start3A_1700 = arith.constant 0 : i32
      %dma_start3A_1701 = tpu.memref_slice %arg8[%dma_start3A_1698, %dma_start3A_1699, %dma_start3A_1700] : memref<8x32x128xf32, #tpu.memory_space<vmem>> -> memref<1x32x128xf32, #tpu.memory_space<vmem>>
      %dma_start3A_1702 = tpu.memref_squeeze %dma_start3A_1701 : memref<1x32x128xf32, #tpu.memory_space<vmem>> -> memref<32x128xf32, #tpu.memory_space<vmem>>
      %dma_start3A_1703 = arith.constant 0 : i32
      %dma_start3A_1704 = tpu.memref_slice %arg4[%dma_start3A_1703, %multiple_of3A_1697] : memref<32x1000000xf32, #tpu.memory_space<hbm>> -> memref<32x128xf32, #tpu.memory_space<hbm>>
      %dma_start3A_1705 = arith.constant 0 : i32
      %dma_start3A_1706 = arith.constant 0 : i32
      %dma_start3A_1707 = tpu.memref_slice %arg8[%dma_start3A_1698, %dma_start3A_1705, %dma_start3A_1706] : memref<8x32x128xf32, #tpu.memory_space<vmem>> -> memref<1x32x128xf32, #tpu.memory_space<vmem>>
      %dma_start3A_1708 = tpu.memref_squeeze %dma_start3A_1707 : memref<1x32x128xf32, #tpu.memory_space<vmem>> -> memref<32x128xf32, #tpu.memory_space<vmem>>
      %dma_start3A_1709 = arith.constant 0 : i32
      %dma_start3A_1710 = tpu.memref_slice %arg4[%dma_start3A_1709, %multiple_of3A_1697] : memref<32x1000000xf32, #tpu.memory_space<hbm>> -> memref<32x128xf32, #tpu.memory_space<hbm>>
      tpu.enqueue_dma source(%dma_start3A_1710 : memref<32x128xf32, #tpu.memory_space<hbm>>) target(%dma_start3A_1708 : memref<32x128xf32, #tpu.memory_space<vmem>>) target_semaphore(%arg13 : memref<!tpu.dma_semaphore, #tpu.memory_space<semaphore_mem>>)
      %mul3A_1711 = arith.constant 4 : i32
      %mul3A_1712 = vector.broadcast %mul3A_1711 : i32 to vector<16xi32>
      %mul3A_1713 = arith.muli %broadcast_in_dim3A_572, %mul3A_1712 : vector<16xi32>
      %dma_wait3A_1714 = arith.constant 4 : i32
      %dma_wait3A_1715 = arith.constant 0 : i32
      %dma_wait3A_1716 = arith.constant 0 : i32
      %dma_wait3A_1717 = tpu.memref_slice %arg7[%dma_wait3A_1714, %dma_wait3A_1715, %dma_wait3A_1716] : memref<8x32x128xf32, #tpu.memory_space<vmem>> -> memref<1x32x128xf32, #tpu.memory_space<vmem>>
      %dma_wait3A_1718 = tpu.memref_squeeze %dma_wait3A_1717 : memref<1x32x128xf32, #tpu.memory_space<vmem>> -> memref<32x128xf32, #tpu.memory_space<vmem>>
      %dma_wait3A_1719 = arith.constant 0 : i32
      %dma_wait3A_1720 = arith.constant 0 : i32
      %dma_wait3A_1721 = tpu.memref_slice %arg3[%dma_wait3A_1719, %dma_wait3A_1720] : memref<32x1000000xf32, #tpu.memory_space<hbm>> -> memref<32x128xf32, #tpu.memory_space<hbm>>
      %dma_wait3A_1722 = arith.constant 0 : i32
      %dma_wait3A_1723 = arith.constant 0 : i32
      %dma_wait3A_1724 = tpu.memref_slice %arg7[%dma_wait3A_1714, %dma_wait3A_1722, %dma_wait3A_1723] : memref<8x32x128xf32, #tpu.memory_space<vmem>> -> memref<1x32x128xf32, #tpu.memory_space<vmem>>
      %dma_wait3A_1725 = tpu.memref_squeeze %dma_wait3A_1724 : memref<1x32x128xf32, #tpu.memory_space<vmem>> -> memref<32x128xf32, #tpu.memory_space<vmem>>
      %dma_wait3A_1726 = arith.constant 0 : i32
      %dma_wait3A_1727 = arith.constant 0 : i32
      %dma_wait3A_1728 = tpu.memref_slice %arg3[%dma_wait3A_1726, %dma_wait3A_1727] : memref<32x1000000xf32, #tpu.memory_space<hbm>> -> memref<32x128xf32, #tpu.memory_space<hbm>>
      tpu.wait_dma2 semaphore(%arg14 : memref<!tpu.dma_semaphore, #tpu.memory_space<semaphore_mem>>) src(%dma_wait3A_1728 : memref<32x128xf32, #tpu.memory_space<hbm>>) dst(%dma_wait3A_1725 : memref<32x128xf32, #tpu.memory_space<vmem>>)
      %dma_wait3A_1729 = arith.constant 4 : i32
      %dma_wait3A_1730 = arith.constant 0 : i32
      %dma_wait3A_1731 = arith.constant 0 : i32
      %dma_wait3A_1732 = tpu.memref_slice %arg8[%dma_wait3A_1729, %dma_wait3A_1730, %dma_wait3A_1731] : memref<8x32x128xf32, #tpu.memory_space<vmem>> -> memref<1x32x128xf32, #tpu.memory_space<vmem>>
      %dma_wait3A_1733 = tpu.memref_squeeze %dma_wait3A_1732 : memref<1x32x128xf32, #tpu.memory_space<vmem>> -> memref<32x128xf32, #tpu.memory_space<vmem>>
      %dma_wait3A_1734 = arith.constant 0 : i32
      %dma_wait3A_1735 = arith.constant 0 : i32
      %dma_wait3A_1736 = tpu.memref_slice %arg4[%dma_wait3A_1734, %dma_wait3A_1735] : memref<32x1000000xf32, #tpu.memory_space<hbm>> -> memref<32x128xf32, #tpu.memory_space<hbm>>
      %dma_wait3A_1737 = arith.constant 0 : i32
      %dma_wait3A_1738 = arith.constant 0 : i32
      %dma_wait3A_1739 = tpu.memref_slice %arg8[%dma_wait3A_1729, %dma_wait3A_1737, %dma_wait3A_1738] : memref<8x32x128xf32, #tpu.memory_space<vmem>> -> memref<1x32x128xf32, #tpu.memory_space<vmem>>
      %dma_wait3A_1740 = tpu.memref_squeeze %dma_wait3A_1739 : memref<1x32x128xf32, #tpu.memory_space<vmem>> -> memref<32x128xf32, #tpu.memory_space<vmem>>
      %dma_wait3A_1741 = arith.constant 0 : i32
      %dma_wait3A_1742 = arith.constant 0 : i32
      %dma_wait3A_1743 = tpu.memref_slice %arg4[%dma_wait3A_1741, %dma_wait3A_1742] : memref<32x1000000xf32, #tpu.memory_space<hbm>> -> memref<32x128xf32, #tpu.memory_space<hbm>>
      tpu.wait_dma2 semaphore(%arg14 : memref<!tpu.dma_semaphore, #tpu.memory_space<semaphore_mem>>) src(%dma_wait3A_1743 : memref<32x128xf32, #tpu.memory_space<hbm>>) dst(%dma_wait3A_1740 : memref<32x128xf32, #tpu.memory_space<vmem>>)
      %slice3A_1744 = vector.extract_strided_slice %and3A_544 {offsets = [12], sizes = [1], strides = [1]} : vector<16xi32> to vector<1xi32>
      %squeeze3A_1745 = vector.extract %slice3A_1744[0] : i32 from vector<1xi32>
      %mul3A_1746 = vector.broadcast %squeeze3A_1745 : i32 to vector<16xi32>
      %mul3A_1747 = arith.muli %broadcast_in_dim3A_572, %mul3A_1746 : vector<16xi32>
      %slice3A_1748 = vector.extract_strided_slice %and3A_547 {offsets = [12], sizes = [1], strides = [1]} : vector<16xi32> to vector<1xi32>
      %squeeze3A_1749 = vector.extract %slice3A_1748[0] : i32 from vector<1xi32>
      %mul3A_1750 = vector.broadcast %squeeze3A_1749 : i32 to vector<16xi32>
      %mul3A_1751 = arith.muli %broadcast_in_dim3A_572, %mul3A_1750 : vector<16xi32>
      %gather3A_1752 = tpu.vector_load_idx %arg7[%mul3A_1713, %iota3A, %mul3A_1747] : memref<8x32x128xf32, #tpu.memory_space<vmem>>[vector<16xi32>, vector<16xi32>, vector<16xi32>], vector<16xf32>,
      %add3A_1753 = arith.constant 16 : i32
      %add3A_1754 = vector.broadcast %add3A_1753 : i32 to vector<16xi32>
      %add3A_1755 = arith.addi %iota3A, %add3A_1754 : vector<16xi32>
      %gather3A_1756 = tpu.vector_load_idx %arg7[%mul3A_1713, %add3A_1755, %mul3A_1747] : memref<8x32x128xf32, #tpu.memory_space<vmem>>[vector<16xi32>, vector<16xi32>, vector<16xi32>], vector<16xf32>,
      %gather3A_1757 = tpu.vector_load_idx %arg8[%mul3A_1713, %iota3A, %mul3A_1751] : memref<8x32x128xf32, #tpu.memory_space<vmem>>[vector<16xi32>, vector<16xi32>, vector<16xi32>], vector<16xf32>,
      %add3A_1758 = arith.constant 16 : i32
      %add3A_1759 = vector.broadcast %add3A_1758 : i32 to vector<16xi32>
      %add3A_1760 = arith.addi %iota3A, %add3A_1759 : vector<16xi32>
      %gather3A_1761 = tpu.vector_load_idx %arg8[%mul3A_1713, %add3A_1760, %mul3A_1751] : memref<8x32x128xf32, #tpu.memory_space<vmem>>[vector<16xi32>, vector<16xi32>, vector<16xi32>], vector<16xf32>,
      %mul3A_1762 = arith.mulf %gather3A_1752, %gather3A_1757 : vector<16xf32>
      %mul3A_1763 = arith.mulf %gather3A_1756, %gather3A_1761 : vector<16xf32>
      %add3A_1764 = arith.addf %mul3A_1762, %mul3A_1763 : vector<16xf32>
      %reduce_sum3A_1765 = arith.constant true
      %reduce_sum3A_1766 = vector.broadcast %reduce_sum3A_1765 : i1 to vector<16xi1>
      %reduce_sum3A_1767 = tpu.scan <sum>, %add3A_1764 masked %reduce_sum3A_1766 : vector<16xf32>, vector<16xi1> -> vector<16xf32>
      %reduce_sum3A_1768 = vector.extract %reduce_sum3A_1767[15] : f32 from vector<16xf32>
      %eq3A_1769 = arith.constant 12 : i32
      %eq3A_1770 = vector.broadcast %eq3A_1769 : i32 to vector<16xi32>
      %eq3A_1771 = arith.cmpi eq, %iota3A, %eq3A_1770 : vector<16xi32>
      %broadcast_in_dim3A_1772 = vector.broadcast %reduce_sum3A_1768 : f32 to vector<16xf32>
      %select_n3A_1773 = arith.select %eq3A_1771, %broadcast_in_dim3A_1772, %select_n3A_1678 : vector<16xi1>, vector<16xf32>
      %slice3A_1774 = vector.extract_strided_slice %shift_left3A_565 {offsets = [4], sizes = [1], strides = [1]} : vector<16xi32> to vector<1xi32>
      %squeeze3A_1775 = vector.extract %slice3A_1774[0] : i32 from vector<1xi32>
      %multiple_of3A_1776 = tpu.assume_multiple %squeeze3A_1775, 128 : i32
      %dma_start3A_1777 = arith.constant 4 : i32
      %dma_start3A_1778 = arith.constant 0 : i32
      %dma_start3A_1779 = arith.constant 0 : i32
      %dma_start3A_1780 = tpu.memref_slice %arg7[%dma_start3A_1777, %dma_start3A_1778, %dma_start3A_1779] : memref<8x32x128xf32, #tpu.memory_space<vmem>> -> memref<1x32x128xf32, #tpu.memory_space<vmem>>
      %dma_start3A_1781 = tpu.memref_squeeze %dma_start3A_1780 : memref<1x32x128xf32, #tpu.memory_space<vmem>> -> memref<32x128xf32, #tpu.memory_space<vmem>>
      %dma_start3A_1782 = arith.constant 0 : i32
      %dma_start3A_1783 = tpu.memref_slice %arg3[%dma_start3A_1782, %multiple_of3A_1776] : memref<32x1000000xf32, #tpu.memory_space<hbm>> -> memref<32x128xf32, #tpu.memory_space<hbm>>
      %dma_start3A_1784 = arith.constant 0 : i32
      %dma_start3A_1785 = arith.constant 0 : i32
      %dma_start3A_1786 = tpu.memref_slice %arg7[%dma_start3A_1777, %dma_start3A_1784, %dma_start3A_1785] : memref<8x32x128xf32, #tpu.memory_space<vmem>> -> memref<1x32x128xf32, #tpu.memory_space<vmem>>
      %dma_start3A_1787 = tpu.memref_squeeze %dma_start3A_1786 : memref<1x32x128xf32, #tpu.memory_space<vmem>> -> memref<32x128xf32, #tpu.memory_space<vmem>>
      %dma_start3A_1788 = arith.constant 0 : i32
      %dma_start3A_1789 = tpu.memref_slice %arg3[%dma_start3A_1788, %multiple_of3A_1776] : memref<32x1000000xf32, #tpu.memory_space<hbm>> -> memref<32x128xf32, #tpu.memory_space<hbm>>
      tpu.enqueue_dma source(%dma_start3A_1789 : memref<32x128xf32, #tpu.memory_space<hbm>>) target(%dma_start3A_1787 : memref<32x128xf32, #tpu.memory_space<vmem>>) target_semaphore(%arg14 : memref<!tpu.dma_semaphore, #tpu.memory_space<semaphore_mem>>)
      %slice3A_1790 = vector.extract_strided_slice %shift_left3A_571 {offsets = [4], sizes = [1], strides = [1]} : vector<16xi32> to vector<1xi32>
      %squeeze3A_1791 = vector.extract %slice3A_1790[0] : i32 from vector<1xi32>
      %multiple_of3A_1792 = tpu.assume_multiple %squeeze3A_1791, 128 : i32
      %dma_start3A_1793 = arith.constant 4 : i32
      %dma_start3A_1794 = arith.constant 0 : i32
      %dma_start3A_1795 = arith.constant 0 : i32
      %dma_start3A_1796 = tpu.memref_slice %arg8[%dma_start3A_1793, %dma_start3A_1794, %dma_start3A_1795] : memref<8x32x128xf32, #tpu.memory_space<vmem>> -> memref<1x32x128xf32, #tpu.memory_space<vmem>>
      %dma_start3A_1797 = tpu.memref_squeeze %dma_start3A_1796 : memref<1x32x128xf32, #tpu.memory_space<vmem>> -> memref<32x128xf32, #tpu.memory_space<vmem>>
      %dma_start3A_1798 = arith.constant 0 : i32
      %dma_start3A_1799 = tpu.memref_slice %arg4[%dma_start3A_1798, %multiple_of3A_1792] : memref<32x1000000xf32, #tpu.memory_space<hbm>> -> memref<32x128xf32, #tpu.memory_space<hbm>>
      %dma_start3A_1800 = arith.constant 0 : i32
      %dma_start3A_1801 = arith.constant 0 : i32
      %dma_start3A_1802 = tpu.memref_slice %arg8[%dma_start3A_1793, %dma_start3A_1800, %dma_start3A_1801] : memref<8x32x128xf32, #tpu.memory_space<vmem>> -> memref<1x32x128xf32, #tpu.memory_space<vmem>>
      %dma_start3A_1803 = tpu.memref_squeeze %dma_start3A_1802 : memref<1x32x128xf32, #tpu.memory_space<vmem>> -> memref<32x128xf32, #tpu.memory_space<vmem>>
      %dma_start3A_1804 = arith.constant 0 : i32
      %dma_start3A_1805 = tpu.memref_slice %arg4[%dma_start3A_1804, %multiple_of3A_1792] : memref<32x1000000xf32, #tpu.memory_space<hbm>> -> memref<32x128xf32, #tpu.memory_space<hbm>>
      tpu.enqueue_dma source(%dma_start3A_1805 : memref<32x128xf32, #tpu.memory_space<hbm>>) target(%dma_start3A_1803 : memref<32x128xf32, #tpu.memory_space<vmem>>) target_semaphore(%arg14 : memref<!tpu.dma_semaphore, #tpu.memory_space<semaphore_mem>>)
      %mul3A_1806 = arith.constant 5 : i32
      %mul3A_1807 = vector.broadcast %mul3A_1806 : i32 to vector<16xi32>
      %mul3A_1808 = arith.muli %broadcast_in_dim3A_572, %mul3A_1807 : vector<16xi32>
      %dma_wait3A_1809 = arith.constant 5 : i32
      %dma_wait3A_1810 = arith.constant 0 : i32
      %dma_wait3A_1811 = arith.constant 0 : i32
      %dma_wait3A_1812 = tpu.memref_slice %arg7[%dma_wait3A_1809, %dma_wait3A_1810, %dma_wait3A_1811] : memref<8x32x128xf32, #tpu.memory_space<vmem>> -> memref<1x32x128xf32, #tpu.memory_space<vmem>>
      %dma_wait3A_1813 = tpu.memref_squeeze %dma_wait3A_1812 : memref<1x32x128xf32, #tpu.memory_space<vmem>> -> memref<32x128xf32, #tpu.memory_space<vmem>>
      %dma_wait3A_1814 = arith.constant 0 : i32
      %dma_wait3A_1815 = arith.constant 0 : i32
      %dma_wait3A_1816 = tpu.memref_slice %arg3[%dma_wait3A_1814, %dma_wait3A_1815] : memref<32x1000000xf32, #tpu.memory_space<hbm>> -> memref<32x128xf32, #tpu.memory_space<hbm>>
      %dma_wait3A_1817 = arith.constant 0 : i32
      %dma_wait3A_1818 = arith.constant 0 : i32
      %dma_wait3A_1819 = tpu.memref_slice %arg7[%dma_wait3A_1809, %dma_wait3A_1817, %dma_wait3A_1818] : memref<8x32x128xf32, #tpu.memory_space<vmem>> -> memref<1x32x128xf32, #tpu.memory_space<vmem>>
      %dma_wait3A_1820 = tpu.memref_squeeze %dma_wait3A_1819 : memref<1x32x128xf32, #tpu.memory_space<vmem>> -> memref<32x128xf32, #tpu.memory_space<vmem>>
      %dma_wait3A_1821 = arith.constant 0 : i32
      %dma_wait3A_1822 = arith.constant 0 : i32
      %dma_wait3A_1823 = tpu.memref_slice %arg3[%dma_wait3A_1821, %dma_wait3A_1822] : memref<32x1000000xf32, #tpu.memory_space<hbm>> -> memref<32x128xf32, #tpu.memory_space<hbm>>
      tpu.wait_dma2 semaphore(%arg15 : memref<!tpu.dma_semaphore, #tpu.memory_space<semaphore_mem>>) src(%dma_wait3A_1823 : memref<32x128xf32, #tpu.memory_space<hbm>>) dst(%dma_wait3A_1820 : memref<32x128xf32, #tpu.memory_space<vmem>>)
      %dma_wait3A_1824 = arith.constant 5 : i32
      %dma_wait3A_1825 = arith.constant 0 : i32
      %dma_wait3A_1826 = arith.constant 0 : i32
      %dma_wait3A_1827 = tpu.memref_slice %arg8[%dma_wait3A_1824, %dma_wait3A_1825, %dma_wait3A_1826] : memref<8x32x128xf32, #tpu.memory_space<vmem>> -> memref<1x32x128xf32, #tpu.memory_space<vmem>>
      %dma_wait3A_1828 = tpu.memref_squeeze %dma_wait3A_1827 : memref<1x32x128xf32, #tpu.memory_space<vmem>> -> memref<32x128xf32, #tpu.memory_space<vmem>>
      %dma_wait3A_1829 = arith.constant 0 : i32
      %dma_wait3A_1830 = arith.constant 0 : i32
      %dma_wait3A_1831 = tpu.memref_slice %arg4[%dma_wait3A_1829, %dma_wait3A_1830] : memref<32x1000000xf32, #tpu.memory_space<hbm>> -> memref<32x128xf32, #tpu.memory_space<hbm>>
      %dma_wait3A_1832 = arith.constant 0 : i32
      %dma_wait3A_1833 = arith.constant 0 : i32
      %dma_wait3A_1834 = tpu.memref_slice %arg8[%dma_wait3A_1824, %dma_wait3A_1832, %dma_wait3A_1833] : memref<8x32x128xf32, #tpu.memory_space<vmem>> -> memref<1x32x128xf32, #tpu.memory_space<vmem>>
      %dma_wait3A_1835 = tpu.memref_squeeze %dma_wait3A_1834 : memref<1x32x128xf32, #tpu.memory_space<vmem>> -> memref<32x128xf32, #tpu.memory_space<vmem>>
      %dma_wait3A_1836 = arith.constant 0 : i32
      %dma_wait3A_1837 = arith.constant 0 : i32
      %dma_wait3A_1838 = tpu.memref_slice %arg4[%dma_wait3A_1836, %dma_wait3A_1837] : memref<32x1000000xf32, #tpu.memory_space<hbm>> -> memref<32x128xf32, #tpu.memory_space<hbm>>
      tpu.wait_dma2 semaphore(%arg15 : memref<!tpu.dma_semaphore, #tpu.memory_space<semaphore_mem>>) src(%dma_wait3A_1838 : memref<32x128xf32, #tpu.memory_space<hbm>>) dst(%dma_wait3A_1835 : memref<32x128xf32, #tpu.memory_space<vmem>>)
      %slice3A_1839 = vector.extract_strided_slice %and3A_544 {offsets = [13], sizes = [1], strides = [1]} : vector<16xi32> to vector<1xi32>
      %squeeze3A_1840 = vector.extract %slice3A_1839[0] : i32 from vector<1xi32>
      %mul3A_1841 = vector.broadcast %squeeze3A_1840 : i32 to vector<16xi32>
      %mul3A_1842 = arith.muli %broadcast_in_dim3A_572, %mul3A_1841 : vector<16xi32>
      %slice3A_1843 = vector.extract_strided_slice %and3A_547 {offsets = [13], sizes = [1], strides = [1]} : vector<16xi32> to vector<1xi32>
      %squeeze3A_1844 = vector.extract %slice3A_1843[0] : i32 from vector<1xi32>
      %mul3A_1845 = vector.broadcast %squeeze3A_1844 : i32 to vector<16xi32>
      %mul3A_1846 = arith.muli %broadcast_in_dim3A_572, %mul3A_1845 : vector<16xi32>
      %gather3A_1847 = tpu.vector_load_idx %arg7[%mul3A_1808, %iota3A, %mul3A_1842] : memref<8x32x128xf32, #tpu.memory_space<vmem>>[vector<16xi32>, vector<16xi32>, vector<16xi32>], vector<16xf32>,
      %add3A_1848 = arith.constant 16 : i32
      %add3A_1849 = vector.broadcast %add3A_1848 : i32 to vector<16xi32>
      %add3A_1850 = arith.addi %iota3A, %add3A_1849 : vector<16xi32>
      %gather3A_1851 = tpu.vector_load_idx %arg7[%mul3A_1808, %add3A_1850, %mul3A_1842] : memref<8x32x128xf32, #tpu.memory_space<vmem>>[vector<16xi32>, vector<16xi32>, vector<16xi32>], vector<16xf32>,
      %gather3A_1852 = tpu.vector_load_idx %arg8[%mul3A_1808, %iota3A, %mul3A_1846] : memref<8x32x128xf32, #tpu.memory_space<vmem>>[vector<16xi32>, vector<16xi32>, vector<16xi32>], vector<16xf32>,
      %add3A_1853 = arith.constant 16 : i32
      %add3A_1854 = vector.broadcast %add3A_1853 : i32 to vector<16xi32>
      %add3A_1855 = arith.addi %iota3A, %add3A_1854 : vector<16xi32>
      %gather3A_1856 = tpu.vector_load_idx %arg8[%mul3A_1808, %add3A_1855, %mul3A_1846] : memref<8x32x128xf32, #tpu.memory_space<vmem>>[vector<16xi32>, vector<16xi32>, vector<16xi32>], vector<16xf32>,
      %mul3A_1857 = arith.mulf %gather3A_1847, %gather3A_1852 : vector<16xf32>
      %mul3A_1858 = arith.mulf %gather3A_1851, %gather3A_1856 : vector<16xf32>
      %add3A_1859 = arith.addf %mul3A_1857, %mul3A_1858 : vector<16xf32>
      %reduce_sum3A_1860 = arith.constant true
      %reduce_sum3A_1861 = vector.broadcast %reduce_sum3A_1860 : i1 to vector<16xi1>
      %reduce_sum3A_1862 = tpu.scan <sum>, %add3A_1859 masked %reduce_sum3A_1861 : vector<16xf32>, vector<16xi1> -> vector<16xf32>
      %reduce_sum3A_1863 = vector.extract %reduce_sum3A_1862[15] : f32 from vector<16xf32>
      %eq3A_1864 = arith.constant 13 : i32
      %eq3A_1865 = vector.broadcast %eq3A_1864 : i32 to vector<16xi32>
      %eq3A_1866 = arith.cmpi eq, %iota3A, %eq3A_1865 : vector<16xi32>
      %broadcast_in_dim3A_1867 = vector.broadcast %reduce_sum3A_1863 : f32 to vector<16xf32>
      %select_n3A_1868 = arith.select %eq3A_1866, %broadcast_in_dim3A_1867, %select_n3A_1773 : vector<16xi1>, vector<16xf32>
      %slice3A_1869 = vector.extract_strided_slice %shift_left3A_565 {offsets = [5], sizes = [1], strides = [1]} : vector<16xi32> to vector<1xi32>
      %squeeze3A_1870 = vector.extract %slice3A_1869[0] : i32 from vector<1xi32>
      %multiple_of3A_1871 = tpu.assume_multiple %squeeze3A_1870, 128 : i32
      %dma_start3A_1872 = arith.constant 5 : i32
      %dma_start3A_1873 = arith.constant 0 : i32
      %dma_start3A_1874 = arith.constant 0 : i32
      %dma_start3A_1875 = tpu.memref_slice %arg7[%dma_start3A_1872, %dma_start3A_1873, %dma_start3A_1874] : memref<8x32x128xf32, #tpu.memory_space<vmem>> -> memref<1x32x128xf32, #tpu.memory_space<vmem>>
      %dma_start3A_1876 = tpu.memref_squeeze %dma_start3A_1875 : memref<1x32x128xf32, #tpu.memory_space<vmem>> -> memref<32x128xf32, #tpu.memory_space<vmem>>
      %dma_start3A_1877 = arith.constant 0 : i32
      %dma_start3A_1878 = tpu.memref_slice %arg3[%dma_start3A_1877, %multiple_of3A_1871] : memref<32x1000000xf32, #tpu.memory_space<hbm>> -> memref<32x128xf32, #tpu.memory_space<hbm>>
      %dma_start3A_1879 = arith.constant 0 : i32
      %dma_start3A_1880 = arith.constant 0 : i32
      %dma_start3A_1881 = tpu.memref_slice %arg7[%dma_start3A_1872, %dma_start3A_1879, %dma_start3A_1880] : memref<8x32x128xf32, #tpu.memory_space<vmem>> -> memref<1x32x128xf32, #tpu.memory_space<vmem>>
      %dma_start3A_1882 = tpu.memref_squeeze %dma_start3A_1881 : memref<1x32x128xf32, #tpu.memory_space<vmem>> -> memref<32x128xf32, #tpu.memory_space<vmem>>
      %dma_start3A_1883 = arith.constant 0 : i32
      %dma_start3A_1884 = tpu.memref_slice %arg3[%dma_start3A_1883, %multiple_of3A_1871] : memref<32x1000000xf32, #tpu.memory_space<hbm>> -> memref<32x128xf32, #tpu.memory_space<hbm>>
      tpu.enqueue_dma source(%dma_start3A_1884 : memref<32x128xf32, #tpu.memory_space<hbm>>) target(%dma_start3A_1882 : memref<32x128xf32, #tpu.memory_space<vmem>>) target_semaphore(%arg15 : memref<!tpu.dma_semaphore, #tpu.memory_space<semaphore_mem>>)
      %slice3A_1885 = vector.extract_strided_slice %shift_left3A_571 {offsets = [5], sizes = [1], strides = [1]} : vector<16xi32> to vector<1xi32>
      %squeeze3A_1886 = vector.extract %slice3A_1885[0] : i32 from vector<1xi32>
      %multiple_of3A_1887 = tpu.assume_multiple %squeeze3A_1886, 128 : i32
      %dma_start3A_1888 = arith.constant 5 : i32
      %dma_start3A_1889 = arith.constant 0 : i32
      %dma_start3A_1890 = arith.constant 0 : i32
      %dma_start3A_1891 = tpu.memref_slice %arg8[%dma_start3A_1888, %dma_start3A_1889, %dma_start3A_1890] : memref<8x32x128xf32, #tpu.memory_space<vmem>> -> memref<1x32x128xf32, #tpu.memory_space<vmem>>
      %dma_start3A_1892 = tpu.memref_squeeze %dma_start3A_1891 : memref<1x32x128xf32, #tpu.memory_space<vmem>> -> memref<32x128xf32, #tpu.memory_space<vmem>>
      %dma_start3A_1893 = arith.constant 0 : i32
      %dma_start3A_1894 = tpu.memref_slice %arg4[%dma_start3A_1893, %multiple_of3A_1887] : memref<32x1000000xf32, #tpu.memory_space<hbm>> -> memref<32x128xf32, #tpu.memory_space<hbm>>
      %dma_start3A_1895 = arith.constant 0 : i32
      %dma_start3A_1896 = arith.constant 0 : i32
      %dma_start3A_1897 = tpu.memref_slice %arg8[%dma_start3A_1888, %dma_start3A_1895, %dma_start3A_1896] : memref<8x32x128xf32, #tpu.memory_space<vmem>> -> memref<1x32x128xf32, #tpu.memory_space<vmem>>
      %dma_start3A_1898 = tpu.memref_squeeze %dma_start3A_1897 : memref<1x32x128xf32, #tpu.memory_space<vmem>> -> memref<32x128xf32, #tpu.memory_space<vmem>>
      %dma_start3A_1899 = arith.constant 0 : i32
      %dma_start3A_1900 = tpu.memref_slice %arg4[%dma_start3A_1899, %multiple_of3A_1887] : memref<32x1000000xf32, #tpu.memory_space<hbm>> -> memref<32x128xf32, #tpu.memory_space<hbm>>
      tpu.enqueue_dma source(%dma_start3A_1900 : memref<32x128xf32, #tpu.memory_space<hbm>>) target(%dma_start3A_1898 : memref<32x128xf32, #tpu.memory_space<vmem>>) target_semaphore(%arg15 : memref<!tpu.dma_semaphore, #tpu.memory_space<semaphore_mem>>)
      %mul3A_1901 = arith.constant 6 : i32
      %mul3A_1902 = vector.broadcast %mul3A_1901 : i32 to vector<16xi32>
      %mul3A_1903 = arith.muli %broadcast_in_dim3A_572, %mul3A_1902 : vector<16xi32>
      %dma_wait3A_1904 = arith.constant 6 : i32
      %dma_wait3A_1905 = arith.constant 0 : i32
      %dma_wait3A_1906 = arith.constant 0 : i32
      %dma_wait3A_1907 = tpu.memref_slice %arg7[%dma_wait3A_1904, %dma_wait3A_1905, %dma_wait3A_1906] : memref<8x32x128xf32, #tpu.memory_space<vmem>> -> memref<1x32x128xf32, #tpu.memory_space<vmem>>
      %dma_wait3A_1908 = tpu.memref_squeeze %dma_wait3A_1907 : memref<1x32x128xf32, #tpu.memory_space<vmem>> -> memref<32x128xf32, #tpu.memory_space<vmem>>
      %dma_wait3A_1909 = arith.constant 0 : i32
      %dma_wait3A_1910 = arith.constant 0 : i32
      %dma_wait3A_1911 = tpu.memref_slice %arg3[%dma_wait3A_1909, %dma_wait3A_1910] : memref<32x1000000xf32, #tpu.memory_space<hbm>> -> memref<32x128xf32, #tpu.memory_space<hbm>>
      %dma_wait3A_1912 = arith.constant 0 : i32
      %dma_wait3A_1913 = arith.constant 0 : i32
      %dma_wait3A_1914 = tpu.memref_slice %arg7[%dma_wait3A_1904, %dma_wait3A_1912, %dma_wait3A_1913] : memref<8x32x128xf32, #tpu.memory_space<vmem>> -> memref<1x32x128xf32, #tpu.memory_space<vmem>>
      %dma_wait3A_1915 = tpu.memref_squeeze %dma_wait3A_1914 : memref<1x32x128xf32, #tpu.memory_space<vmem>> -> memref<32x128xf32, #tpu.memory_space<vmem>>
      %dma_wait3A_1916 = arith.constant 0 : i32
      %dma_wait3A_1917 = arith.constant 0 : i32
      %dma_wait3A_1918 = tpu.memref_slice %arg3[%dma_wait3A_1916, %dma_wait3A_1917] : memref<32x1000000xf32, #tpu.memory_space<hbm>> -> memref<32x128xf32, #tpu.memory_space<hbm>>
      tpu.wait_dma2 semaphore(%arg16 : memref<!tpu.dma_semaphore, #tpu.memory_space<semaphore_mem>>) src(%dma_wait3A_1918 : memref<32x128xf32, #tpu.memory_space<hbm>>) dst(%dma_wait3A_1915 : memref<32x128xf32, #tpu.memory_space<vmem>>)
      %dma_wait3A_1919 = arith.constant 6 : i32
      %dma_wait3A_1920 = arith.constant 0 : i32
      %dma_wait3A_1921 = arith.constant 0 : i32
      %dma_wait3A_1922 = tpu.memref_slice %arg8[%dma_wait3A_1919, %dma_wait3A_1920, %dma_wait3A_1921] : memref<8x32x128xf32, #tpu.memory_space<vmem>> -> memref<1x32x128xf32, #tpu.memory_space<vmem>>
      %dma_wait3A_1923 = tpu.memref_squeeze %dma_wait3A_1922 : memref<1x32x128xf32, #tpu.memory_space<vmem>> -> memref<32x128xf32, #tpu.memory_space<vmem>>
      %dma_wait3A_1924 = arith.constant 0 : i32
      %dma_wait3A_1925 = arith.constant 0 : i32
      %dma_wait3A_1926 = tpu.memref_slice %arg4[%dma_wait3A_1924, %dma_wait3A_1925] : memref<32x1000000xf32, #tpu.memory_space<hbm>> -> memref<32x128xf32, #tpu.memory_space<hbm>>
      %dma_wait3A_1927 = arith.constant 0 : i32
      %dma_wait3A_1928 = arith.constant 0 : i32
      %dma_wait3A_1929 = tpu.memref_slice %arg8[%dma_wait3A_1919, %dma_wait3A_1927, %dma_wait3A_1928] : memref<8x32x128xf32, #tpu.memory_space<vmem>> -> memref<1x32x128xf32, #tpu.memory_space<vmem>>
      %dma_wait3A_1930 = tpu.memref_squeeze %dma_wait3A_1929 : memref<1x32x128xf32, #tpu.memory_space<vmem>> -> memref<32x128xf32, #tpu.memory_space<vmem>>
      %dma_wait3A_1931 = arith.constant 0 : i32
      %dma_wait3A_1932 = arith.constant 0 : i32
      %dma_wait3A_1933 = tpu.memref_slice %arg4[%dma_wait3A_1931, %dma_wait3A_1932] : memref<32x1000000xf32, #tpu.memory_space<hbm>> -> memref<32x128xf32, #tpu.memory_space<hbm>>
      tpu.wait_dma2 semaphore(%arg16 : memref<!tpu.dma_semaphore, #tpu.memory_space<semaphore_mem>>) src(%dma_wait3A_1933 : memref<32x128xf32, #tpu.memory_space<hbm>>) dst(%dma_wait3A_1930 : memref<32x128xf32, #tpu.memory_space<vmem>>)
      %slice3A_1934 = vector.extract_strided_slice %and3A_544 {offsets = [14], sizes = [1], strides = [1]} : vector<16xi32> to vector<1xi32>
      %squeeze3A_1935 = vector.extract %slice3A_1934[0] : i32 from vector<1xi32>
      %mul3A_1936 = vector.broadcast %squeeze3A_1935 : i32 to vector<16xi32>
      %mul3A_1937 = arith.muli %broadcast_in_dim3A_572, %mul3A_1936 : vector<16xi32>
      %slice3A_1938 = vector.extract_strided_slice %and3A_547 {offsets = [14], sizes = [1], strides = [1]} : vector<16xi32> to vector<1xi32>
      %squeeze3A_1939 = vector.extract %slice3A_1938[0] : i32 from vector<1xi32>
      %mul3A_1940 = vector.broadcast %squeeze3A_1939 : i32 to vector<16xi32>
      %mul3A_1941 = arith.muli %broadcast_in_dim3A_572, %mul3A_1940 : vector<16xi32>
      %gather3A_1942 = tpu.vector_load_idx %arg7[%mul3A_1903, %iota3A, %mul3A_1937] : memref<8x32x128xf32, #tpu.memory_space<vmem>>[vector<16xi32>, vector<16xi32>, vector<16xi32>], vector<16xf32>,
      %add3A_1943 = arith.constant 16 : i32
      %add3A_1944 = vector.broadcast %add3A_1943 : i32 to vector<16xi32>
      %add3A_1945 = arith.addi %iota3A, %add3A_1944 : vector<16xi32>
      %gather3A_1946 = tpu.vector_load_idx %arg7[%mul3A_1903, %add3A_1945, %mul3A_1937] : memref<8x32x128xf32, #tpu.memory_space<vmem>>[vector<16xi32>, vector<16xi32>, vector<16xi32>], vector<16xf32>,
      %gather3A_1947 = tpu.vector_load_idx %arg8[%mul3A_1903, %iota3A, %mul3A_1941] : memref<8x32x128xf32, #tpu.memory_space<vmem>>[vector<16xi32>, vector<16xi32>, vector<16xi32>], vector<16xf32>,
      %add3A_1948 = arith.constant 16 : i32
      %add3A_1949 = vector.broadcast %add3A_1948 : i32 to vector<16xi32>
      %add3A_1950 = arith.addi %iota3A, %add3A_1949 : vector<16xi32>
      %gather3A_1951 = tpu.vector_load_idx %arg8[%mul3A_1903, %add3A_1950, %mul3A_1941] : memref<8x32x128xf32, #tpu.memory_space<vmem>>[vector<16xi32>, vector<16xi32>, vector<16xi32>], vector<16xf32>,
      %mul3A_1952 = arith.mulf %gather3A_1942, %gather3A_1947 : vector<16xf32>
      %mul3A_1953 = arith.mulf %gather3A_1946, %gather3A_1951 : vector<16xf32>
      %add3A_1954 = arith.addf %mul3A_1952, %mul3A_1953 : vector<16xf32>
      %reduce_sum3A_1955 = arith.constant true
      %reduce_sum3A_1956 = vector.broadcast %reduce_sum3A_1955 : i1 to vector<16xi1>
      %reduce_sum3A_1957 = tpu.scan <sum>, %add3A_1954 masked %reduce_sum3A_1956 : vector<16xf32>, vector<16xi1> -> vector<16xf32>
      %reduce_sum3A_1958 = vector.extract %reduce_sum3A_1957[15] : f32 from vector<16xf32>
      %eq3A_1959 = arith.constant 14 : i32
      %eq3A_1960 = vector.broadcast %eq3A_1959 : i32 to vector<16xi32>
      %eq3A_1961 = arith.cmpi eq, %iota3A, %eq3A_1960 : vector<16xi32>
      %broadcast_in_dim3A_1962 = vector.broadcast %reduce_sum3A_1958 : f32 to vector<16xf32>
      %select_n3A_1963 = arith.select %eq3A_1961, %broadcast_in_dim3A_1962, %select_n3A_1868 : vector<16xi1>, vector<16xf32>
      %slice3A_1964 = vector.extract_strided_slice %shift_left3A_565 {offsets = [6], sizes = [1], strides = [1]} : vector<16xi32> to vector<1xi32>
      %squeeze3A_1965 = vector.extract %slice3A_1964[0] : i32 from vector<1xi32>
      %multiple_of3A_1966 = tpu.assume_multiple %squeeze3A_1965, 128 : i32
      %dma_start3A_1967 = arith.constant 6 : i32
      %dma_start3A_1968 = arith.constant 0 : i32
      %dma_start3A_1969 = arith.constant 0 : i32
      %dma_start3A_1970 = tpu.memref_slice %arg7[%dma_start3A_1967, %dma_start3A_1968, %dma_start3A_1969] : memref<8x32x128xf32, #tpu.memory_space<vmem>> -> memref<1x32x128xf32, #tpu.memory_space<vmem>>
      %dma_start3A_1971 = tpu.memref_squeeze %dma_start3A_1970 : memref<1x32x128xf32, #tpu.memory_space<vmem>> -> memref<32x128xf32, #tpu.memory_space<vmem>>
      %dma_start3A_1972 = arith.constant 0 : i32
      %dma_start3A_1973 = tpu.memref_slice %arg3[%dma_start3A_1972, %multiple_of3A_1966] : memref<32x1000000xf32, #tpu.memory_space<hbm>> -> memref<32x128xf32, #tpu.memory_space<hbm>>
      %dma_start3A_1974 = arith.constant 0 : i32
      %dma_start3A_1975 = arith.constant 0 : i32
      %dma_start3A_1976 = tpu.memref_slice %arg7[%dma_start3A_1967, %dma_start3A_1974, %dma_start3A_1975] : memref<8x32x128xf32, #tpu.memory_space<vmem>> -> memref<1x32x128xf32, #tpu.memory_space<vmem>>
      %dma_start3A_1977 = tpu.memref_squeeze %dma_start3A_1976 : memref<1x32x128xf32, #tpu.memory_space<vmem>> -> memref<32x128xf32, #tpu.memory_space<vmem>>
      %dma_start3A_1978 = arith.constant 0 : i32
      %dma_start3A_1979 = tpu.memref_slice %arg3[%dma_start3A_1978, %multiple_of3A_1966] : memref<32x1000000xf32, #tpu.memory_space<hbm>> -> memref<32x128xf32, #tpu.memory_space<hbm>>
      tpu.enqueue_dma source(%dma_start3A_1979 : memref<32x128xf32, #tpu.memory_space<hbm>>) target(%dma_start3A_1977 : memref<32x128xf32, #tpu.memory_space<vmem>>) target_semaphore(%arg16 : memref<!tpu.dma_semaphore, #tpu.memory_space<semaphore_mem>>)
      %slice3A_1980 = vector.extract_strided_slice %shift_left3A_571 {offsets = [6], sizes = [1], strides = [1]} : vector<16xi32> to vector<1xi32>
      %squeeze3A_1981 = vector.extract %slice3A_1980[0] : i32 from vector<1xi32>
      %multiple_of3A_1982 = tpu.assume_multiple %squeeze3A_1981, 128 : i32
      %dma_start3A_1983 = arith.constant 6 : i32
      %dma_start3A_1984 = arith.constant 0 : i32
      %dma_start3A_1985 = arith.constant 0 : i32
      %dma_start3A_1986 = tpu.memref_slice %arg8[%dma_start3A_1983, %dma_start3A_1984, %dma_start3A_1985] : memref<8x32x128xf32, #tpu.memory_space<vmem>> -> memref<1x32x128xf32, #tpu.memory_space<vmem>>
      %dma_start3A_1987 = tpu.memref_squeeze %dma_start3A_1986 : memref<1x32x128xf32, #tpu.memory_space<vmem>> -> memref<32x128xf32, #tpu.memory_space<vmem>>
      %dma_start3A_1988 = arith.constant 0 : i32
      %dma_start3A_1989 = tpu.memref_slice %arg4[%dma_start3A_1988, %multiple_of3A_1982] : memref<32x1000000xf32, #tpu.memory_space<hbm>> -> memref<32x128xf32, #tpu.memory_space<hbm>>
      %dma_start3A_1990 = arith.constant 0 : i32
      %dma_start3A_1991 = arith.constant 0 : i32
      %dma_start3A_1992 = tpu.memref_slice %arg8[%dma_start3A_1983, %dma_start3A_1990, %dma_start3A_1991] : memref<8x32x128xf32, #tpu.memory_space<vmem>> -> memref<1x32x128xf32, #tpu.memory_space<vmem>>
      %dma_start3A_1993 = tpu.memref_squeeze %dma_start3A_1992 : memref<1x32x128xf32, #tpu.memory_space<vmem>> -> memref<32x128xf32, #tpu.memory_space<vmem>>
      %dma_start3A_1994 = arith.constant 0 : i32
      %dma_start3A_1995 = tpu.memref_slice %arg4[%dma_start3A_1994, %multiple_of3A_1982] : memref<32x1000000xf32, #tpu.memory_space<hbm>> -> memref<32x128xf32, #tpu.memory_space<hbm>>
      tpu.enqueue_dma source(%dma_start3A_1995 : memref<32x128xf32, #tpu.memory_space<hbm>>) target(%dma_start3A_1993 : memref<32x128xf32, #tpu.memory_space<vmem>>) target_semaphore(%arg16 : memref<!tpu.dma_semaphore, #tpu.memory_space<semaphore_mem>>)
      %mul3A_1996 = arith.constant 7 : i32
      %mul3A_1997 = vector.broadcast %mul3A_1996 : i32 to vector<16xi32>
      %mul3A_1998 = arith.muli %broadcast_in_dim3A_572, %mul3A_1997 : vector<16xi32>
      %dma_wait3A_1999 = arith.constant 7 : i32
      %dma_wait3A_2000 = arith.constant 0 : i32
      %dma_wait3A_2001 = arith.constant 0 : i32
      %dma_wait3A_2002 = tpu.memref_slice %arg7[%dma_wait3A_1999, %dma_wait3A_2000, %dma_wait3A_2001] : memref<8x32x128xf32, #tpu.memory_space<vmem>> -> memref<1x32x128xf32, #tpu.memory_space<vmem>>
      %dma_wait3A_2003 = tpu.memref_squeeze %dma_wait3A_2002 : memref<1x32x128xf32, #tpu.memory_space<vmem>> -> memref<32x128xf32, #tpu.memory_space<vmem>>
      %dma_wait3A_2004 = arith.constant 0 : i32
      %dma_wait3A_2005 = arith.constant 0 : i32
      %dma_wait3A_2006 = tpu.memref_slice %arg3[%dma_wait3A_2004, %dma_wait3A_2005] : memref<32x1000000xf32, #tpu.memory_space<hbm>> -> memref<32x128xf32, #tpu.memory_space<hbm>>
      %dma_wait3A_2007 = arith.constant 0 : i32
      %dma_wait3A_2008 = arith.constant 0 : i32
      %dma_wait3A_2009 = tpu.memref_slice %arg7[%dma_wait3A_1999, %dma_wait3A_2007, %dma_wait3A_2008] : memref<8x32x128xf32, #tpu.memory_space<vmem>> -> memref<1x32x128xf32, #tpu.memory_space<vmem>>
      %dma_wait3A_2010 = tpu.memref_squeeze %dma_wait3A_2009 : memref<1x32x128xf32, #tpu.memory_space<vmem>> -> memref<32x128xf32, #tpu.memory_space<vmem>>
      %dma_wait3A_2011 = arith.constant 0 : i32
      %dma_wait3A_2012 = arith.constant 0 : i32
      %dma_wait3A_2013 = tpu.memref_slice %arg3[%dma_wait3A_2011, %dma_wait3A_2012] : memref<32x1000000xf32, #tpu.memory_space<hbm>> -> memref<32x128xf32, #tpu.memory_space<hbm>>
      tpu.wait_dma2 semaphore(%arg17 : memref<!tpu.dma_semaphore, #tpu.memory_space<semaphore_mem>>) src(%dma_wait3A_2013 : memref<32x128xf32, #tpu.memory_space<hbm>>) dst(%dma_wait3A_2010 : memref<32x128xf32, #tpu.memory_space<vmem>>)
      %dma_wait3A_2014 = arith.constant 7 : i32
      %dma_wait3A_2015 = arith.constant 0 : i32
      %dma_wait3A_2016 = arith.constant 0 : i32
      %dma_wait3A_2017 = tpu.memref_slice %arg8[%dma_wait3A_2014, %dma_wait3A_2015, %dma_wait3A_2016] : memref<8x32x128xf32, #tpu.memory_space<vmem>> -> memref<1x32x128xf32, #tpu.memory_space<vmem>>
      %dma_wait3A_2018 = tpu.memref_squeeze %dma_wait3A_2017 : memref<1x32x128xf32, #tpu.memory_space<vmem>> -> memref<32x128xf32, #tpu.memory_space<vmem>>
      %dma_wait3A_2019 = arith.constant 0 : i32
      %dma_wait3A_2020 = arith.constant 0 : i32
      %dma_wait3A_2021 = tpu.memref_slice %arg4[%dma_wait3A_2019, %dma_wait3A_2020] : memref<32x1000000xf32, #tpu.memory_space<hbm>> -> memref<32x128xf32, #tpu.memory_space<hbm>>
      %dma_wait3A_2022 = arith.constant 0 : i32
      %dma_wait3A_2023 = arith.constant 0 : i32
      %dma_wait3A_2024 = tpu.memref_slice %arg8[%dma_wait3A_2014, %dma_wait3A_2022, %dma_wait3A_2023] : memref<8x32x128xf32, #tpu.memory_space<vmem>> -> memref<1x32x128xf32, #tpu.memory_space<vmem>>
      %dma_wait3A_2025 = tpu.memref_squeeze %dma_wait3A_2024 : memref<1x32x128xf32, #tpu.memory_space<vmem>> -> memref<32x128xf32, #tpu.memory_space<vmem>>
      %dma_wait3A_2026 = arith.constant 0 : i32
      %dma_wait3A_2027 = arith.constant 0 : i32
      %dma_wait3A_2028 = tpu.memref_slice %arg4[%dma_wait3A_2026, %dma_wait3A_2027] : memref<32x1000000xf32, #tpu.memory_space<hbm>> -> memref<32x128xf32, #tpu.memory_space<hbm>>
      tpu.wait_dma2 semaphore(%arg17 : memref<!tpu.dma_semaphore, #tpu.memory_space<semaphore_mem>>) src(%dma_wait3A_2028 : memref<32x128xf32, #tpu.memory_space<hbm>>) dst(%dma_wait3A_2025 : memref<32x128xf32, #tpu.memory_space<vmem>>)
      %slice3A_2029 = vector.extract_strided_slice %and3A_544 {offsets = [15], sizes = [1], strides = [1]} : vector<16xi32> to vector<1xi32>
      %squeeze3A_2030 = vector.extract %slice3A_2029[0] : i32 from vector<1xi32>
      %mul3A_2031 = vector.broadcast %squeeze3A_2030 : i32 to vector<16xi32>
      %mul3A_2032 = arith.muli %broadcast_in_dim3A_572, %mul3A_2031 : vector<16xi32>
      %slice3A_2033 = vector.extract_strided_slice %and3A_547 {offsets = [15], sizes = [1], strides = [1]} : vector<16xi32> to vector<1xi32>
      %squeeze3A_2034 = vector.extract %slice3A_2033[0] : i32 from vector<1xi32>
      %mul3A_2035 = vector.broadcast %squeeze3A_2034 : i32 to vector<16xi32>
      %mul3A_2036 = arith.muli %broadcast_in_dim3A_572, %mul3A_2035 : vector<16xi32>
      %gather3A_2037 = tpu.vector_load_idx %arg7[%mul3A_1998, %iota3A, %mul3A_2032] : memref<8x32x128xf32, #tpu.memory_space<vmem>>[vector<16xi32>, vector<16xi32>, vector<16xi32>], vector<16xf32>,
      %add3A_2038 = arith.constant 16 : i32
      %add3A_2039 = vector.broadcast %add3A_2038 : i32 to vector<16xi32>
      %add3A_2040 = arith.addi %iota3A, %add3A_2039 : vector<16xi32>
      %gather3A_2041 = tpu.vector_load_idx %arg7[%mul3A_1998, %add3A_2040, %mul3A_2032] : memref<8x32x128xf32, #tpu.memory_space<vmem>>[vector<16xi32>, vector<16xi32>, vector<16xi32>], vector<16xf32>,
      %gather3A_2042 = tpu.vector_load_idx %arg8[%mul3A_1998, %iota3A, %mul3A_2036] : memref<8x32x128xf32, #tpu.memory_space<vmem>>[vector<16xi32>, vector<16xi32>, vector<16xi32>], vector<16xf32>,
      %add3A_2043 = arith.constant 16 : i32
      %add3A_2044 = vector.broadcast %add3A_2043 : i32 to vector<16xi32>
      %add3A_2045 = arith.addi %iota3A, %add3A_2044 : vector<16xi32>
      %gather3A_2046 = tpu.vector_load_idx %arg8[%mul3A_1998, %add3A_2045, %mul3A_2036] : memref<8x32x128xf32, #tpu.memory_space<vmem>>[vector<16xi32>, vector<16xi32>, vector<16xi32>], vector<16xf32>,
      %mul3A_2047 = arith.mulf %gather3A_2037, %gather3A_2042 : vector<16xf32>
      %mul3A_2048 = arith.mulf %gather3A_2041, %gather3A_2046 : vector<16xf32>
      %add3A_2049 = arith.addf %mul3A_2047, %mul3A_2048 : vector<16xf32>
      %reduce_sum3A_2050 = arith.constant true
      %reduce_sum3A_2051 = vector.broadcast %reduce_sum3A_2050 : i1 to vector<16xi1>
      %reduce_sum3A_2052 = tpu.scan <sum>, %add3A_2049 masked %reduce_sum3A_2051 : vector<16xf32>, vector<16xi1> -> vector<16xf32>
      %reduce_sum3A_2053 = vector.extract %reduce_sum3A_2052[15] : f32 from vector<16xf32>
      %eq3A_2054 = arith.constant 15 : i32
      %eq3A_2055 = vector.broadcast %eq3A_2054 : i32 to vector<16xi32>
      %eq3A_2056 = arith.cmpi eq, %iota3A, %eq3A_2055 : vector<16xi32>
      %broadcast_in_dim3A_2057 = vector.broadcast %reduce_sum3A_2053 : f32 to vector<16xf32>
      %select_n3A_2058 = arith.select %eq3A_2056, %broadcast_in_dim3A_2057, %select_n3A_1963 : vector<16xi1>, vector<16xf32>
      %slice3A_2059 = vector.extract_strided_slice %shift_left3A_565 {offsets = [7], sizes = [1], strides = [1]} : vector<16xi32> to vector<1xi32>
      %squeeze3A_2060 = vector.extract %slice3A_2059[0] : i32 from vector<1xi32>
      %multiple_of3A_2061 = tpu.assume_multiple %squeeze3A_2060, 128 : i32
      %dma_start3A_2062 = arith.constant 7 : i32
      %dma_start3A_2063 = arith.constant 0 : i32
      %dma_start3A_2064 = arith.constant 0 : i32
      %dma_start3A_2065 = tpu.memref_slice %arg7[%dma_start3A_2062, %dma_start3A_2063, %dma_start3A_2064] : memref<8x32x128xf32, #tpu.memory_space<vmem>> -> memref<1x32x128xf32, #tpu.memory_space<vmem>>
      %dma_start3A_2066 = tpu.memref_squeeze %dma_start3A_2065 : memref<1x32x128xf32, #tpu.memory_space<vmem>> -> memref<32x128xf32, #tpu.memory_space<vmem>>
      %dma_start3A_2067 = arith.constant 0 : i32
      %dma_start3A_2068 = tpu.memref_slice %arg3[%dma_start3A_2067, %multiple_of3A_2061] : memref<32x1000000xf32, #tpu.memory_space<hbm>> -> memref<32x128xf32, #tpu.memory_space<hbm>>
      %dma_start3A_2069 = arith.constant 0 : i32
      %dma_start3A_2070 = arith.constant 0 : i32
      %dma_start3A_2071 = tpu.memref_slice %arg7[%dma_start3A_2062, %dma_start3A_2069, %dma_start3A_2070] : memref<8x32x128xf32, #tpu.memory_space<vmem>> -> memref<1x32x128xf32, #tpu.memory_space<vmem>>
      %dma_start3A_2072 = tpu.memref_squeeze %dma_start3A_2071 : memref<1x32x128xf32, #tpu.memory_space<vmem>> -> memref<32x128xf32, #tpu.memory_space<vmem>>
      %dma_start3A_2073 = arith.constant 0 : i32
      %dma_start3A_2074 = tpu.memref_slice %arg3[%dma_start3A_2073, %multiple_of3A_2061] : memref<32x1000000xf32, #tpu.memory_space<hbm>> -> memref<32x128xf32, #tpu.memory_space<hbm>>
      tpu.enqueue_dma source(%dma_start3A_2074 : memref<32x128xf32, #tpu.memory_space<hbm>>) target(%dma_start3A_2072 : memref<32x128xf32, #tpu.memory_space<vmem>>) target_semaphore(%arg17 : memref<!tpu.dma_semaphore, #tpu.memory_space<semaphore_mem>>)
      %slice3A_2075 = vector.extract_strided_slice %shift_left3A_571 {offsets = [7], sizes = [1], strides = [1]} : vector<16xi32> to vector<1xi32>
      %squeeze3A_2076 = vector.extract %slice3A_2075[0] : i32 from vector<1xi32>
      %multiple_of3A_2077 = tpu.assume_multiple %squeeze3A_2076, 128 : i32
      %dma_start3A_2078 = arith.constant 7 : i32
      %dma_start3A_2079 = arith.constant 0 : i32
      %dma_start3A_2080 = arith.constant 0 : i32
      %dma_start3A_2081 = tpu.memref_slice %arg8[%dma_start3A_2078, %dma_start3A_2079, %dma_start3A_2080] : memref<8x32x128xf32, #tpu.memory_space<vmem>> -> memref<1x32x128xf32, #tpu.memory_space<vmem>>
      %dma_start3A_2082 = tpu.memref_squeeze %dma_start3A_2081 : memref<1x32x128xf32, #tpu.memory_space<vmem>> -> memref<32x128xf32, #tpu.memory_space<vmem>>
      %dma_start3A_2083 = arith.constant 0 : i32
      %dma_start3A_2084 = tpu.memref_slice %arg4[%dma_start3A_2083, %multiple_of3A_2077] : memref<32x1000000xf32, #tpu.memory_space<hbm>> -> memref<32x128xf32, #tpu.memory_space<hbm>>
      %dma_start3A_2085 = arith.constant 0 : i32
      %dma_start3A_2086 = arith.constant 0 : i32
      %dma_start3A_2087 = tpu.memref_slice %arg8[%dma_start3A_2078, %dma_start3A_2085, %dma_start3A_2086] : memref<8x32x128xf32, #tpu.memory_space<vmem>> -> memref<1x32x128xf32, #tpu.memory_space<vmem>>
      %dma_start3A_2088 = tpu.memref_squeeze %dma_start3A_2087 : memref<1x32x128xf32, #tpu.memory_space<vmem>> -> memref<32x128xf32, #tpu.memory_space<vmem>>
      %dma_start3A_2089 = arith.constant 0 : i32
      %dma_start3A_2090 = tpu.memref_slice %arg4[%dma_start3A_2089, %multiple_of3A_2077] : memref<32x1000000xf32, #tpu.memory_space<hbm>> -> memref<32x128xf32, #tpu.memory_space<hbm>>
      tpu.enqueue_dma source(%dma_start3A_2090 : memref<32x128xf32, #tpu.memory_space<hbm>>) target(%dma_start3A_2088 : memref<32x128xf32, #tpu.memory_space<vmem>>) target_semaphore(%arg17 : memref<!tpu.dma_semaphore, #tpu.memory_space<semaphore_mem>>)
      %swap3A = arith.index_cast %mul3A_518 : i32 to index
      %swap3A_2091 = tpu.vector_load %arg9[%swap3A] {strides = array<i32>} : memref<512xf32, #tpu.memory_space<vmem>>, vector<16xf32>,
      tpu.vector_store %arg9[%swap3A], %select_n3A_2058 {strides = array<i32>} : memref<512xf32, #tpu.memory_space<vmem>>, vector<16xf32>,
    }
    %scan3A_276 = arith.constant 32 : i32
    %dma_wait3A = arith.constant 0 : i32
    %dma_wait3A_277 = arith.constant 0 : i32
    %dma_wait3A_278 = arith.constant 0 : i32
    %dma_wait3A_279 = tpu.memref_slice %arg7[%dma_wait3A, %dma_wait3A_277, %dma_wait3A_278] : memref<8x32x128xf32, #tpu.memory_space<vmem>> -> memref<1x32x128xf32, #tpu.memory_space<vmem>>
    %dma_wait3A_280 = tpu.memref_squeeze %dma_wait3A_279 : memref<1x32x128xf32, #tpu.memory_space<vmem>> -> memref<32x128xf32, #tpu.memory_space<vmem>>
    %dma_wait3A_281 = arith.constant 0 : i32
    %dma_wait3A_282 = arith.constant 0 : i32
    %dma_wait3A_283 = tpu.memref_slice %arg3[%dma_wait3A_281, %dma_wait3A_282] : memref<32x1000000xf32, #tpu.memory_space<hbm>> -> memref<32x128xf32, #tpu.memory_space<hbm>>
    %dma_wait3A_284 = arith.constant 0 : i32
    %dma_wait3A_285 = arith.constant 0 : i32
    %dma_wait3A_286 = tpu.memref_slice %arg7[%dma_wait3A, %dma_wait3A_284, %dma_wait3A_285] : memref<8x32x128xf32, #tpu.memory_space<vmem>> -> memref<1x32x128xf32, #tpu.memory_space<vmem>>
    %dma_wait3A_287 = tpu.memref_squeeze %dma_wait3A_286 : memref<1x32x128xf32, #tpu.memory_space<vmem>> -> memref<32x128xf32, #tpu.memory_space<vmem>>
    %dma_wait3A_288 = arith.constant 0 : i32
    %dma_wait3A_289 = arith.constant 0 : i32
    %dma_wait3A_290 = tpu.memref_slice %arg3[%dma_wait3A_288, %dma_wait3A_289] : memref<32x1000000xf32, #tpu.memory_space<hbm>> -> memref<32x128xf32, #tpu.memory_space<hbm>>
    tpu.wait_dma2 semaphore(%arg10 : memref<!tpu.dma_semaphore, #tpu.memory_space<semaphore_mem>>) src(%dma_wait3A_290 : memref<32x128xf32, #tpu.memory_space<hbm>>) dst(%dma_wait3A_287 : memref<32x128xf32, #tpu.memory_space<vmem>>)
    %dma_wait3A_291 = arith.constant 0 : i32
    %dma_wait3A_292 = arith.constant 0 : i32
    %dma_wait3A_293 = arith.constant 0 : i32
    %dma_wait3A_294 = tpu.memref_slice %arg8[%dma_wait3A_291, %dma_wait3A_292, %dma_wait3A_293] : memref<8x32x128xf32, #tpu.memory_space<vmem>> -> memref<1x32x128xf32, #tpu.memory_space<vmem>>
    %dma_wait3A_295 = tpu.memref_squeeze %dma_wait3A_294 : memref<1x32x128xf32, #tpu.memory_space<vmem>> -> memref<32x128xf32, #tpu.memory_space<vmem>>
    %dma_wait3A_296 = arith.constant 0 : i32
    %dma_wait3A_297 = arith.constant 0 : i32
    %dma_wait3A_298 = tpu.memref_slice %arg4[%dma_wait3A_296, %dma_wait3A_297] : memref<32x1000000xf32, #tpu.memory_space<hbm>> -> memref<32x128xf32, #tpu.memory_space<hbm>>
    %dma_wait3A_299 = arith.constant 0 : i32
    %dma_wait3A_300 = arith.constant 0 : i32
    %dma_wait3A_301 = tpu.memref_slice %arg8[%dma_wait3A_291, %dma_wait3A_299, %dma_wait3A_300] : memref<8x32x128xf32, #tpu.memory_space<vmem>> -> memref<1x32x128xf32, #tpu.memory_space<vmem>>
    %dma_wait3A_302 = tpu.memref_squeeze %dma_wait3A_301 : memref<1x32x128xf32, #tpu.memory_space<vmem>> -> memref<32x128xf32, #tpu.memory_space<vmem>>
    %dma_wait3A_303 = arith.constant 0 : i32
    %dma_wait3A_304 = arith.constant 0 : i32
    %dma_wait3A_305 = tpu.memref_slice %arg4[%dma_wait3A_303, %dma_wait3A_304] : memref<32x1000000xf32, #tpu.memory_space<hbm>> -> memref<32x128xf32, #tpu.memory_space<hbm>>
    tpu.wait_dma2 semaphore(%arg10 : memref<!tpu.dma_semaphore, #tpu.memory_space<semaphore_mem>>) src(%dma_wait3A_305 : memref<32x128xf32, #tpu.memory_space<hbm>>) dst(%dma_wait3A_302 : memref<32x128xf32, #tpu.memory_space<vmem>>)
    %dma_wait3A_306 = arith.constant 1 : i32
    %dma_wait3A_307 = arith.constant 0 : i32
    %dma_wait3A_308 = arith.constant 0 : i32
    %dma_wait3A_309 = tpu.memref_slice %arg7[%dma_wait3A_306, %dma_wait3A_307, %dma_wait3A_308] : memref<8x32x128xf32, #tpu.memory_space<vmem>> -> memref<1x32x128xf32, #tpu.memory_space<vmem>>
    %dma_wait3A_310 = tpu.memref_squeeze %dma_wait3A_309 : memref<1x32x128xf32, #tpu.memory_space<vmem>> -> memref<32x128xf32, #tpu.memory_space<vmem>>
    %dma_wait3A_311 = arith.constant 0 : i32
    %dma_wait3A_312 = arith.constant 0 : i32
    %dma_wait3A_313 = tpu.memref_slice %arg3[%dma_wait3A_311, %dma_wait3A_312] : memref<32x1000000xf32, #tpu.memory_space<hbm>> -> memref<32x128xf32, #tpu.memory_space<hbm>>
    %dma_wait3A_314 = arith.constant 0 : i32
    %dma_wait3A_315 = arith.constant 0 : i32
    %dma_wait3A_316 = tpu.memref_slice %arg7[%dma_wait3A_306, %dma_wait3A_314, %dma_wait3A_315] : memref<8x32x128xf32, #tpu.memory_space<vmem>> -> memref<1x32x128xf32, #tpu.memory_space<vmem>>
    %dma_wait3A_317 = tpu.memref_squeeze %dma_wait3A_316 : memref<1x32x128xf32, #tpu.memory_space<vmem>> -> memref<32x128xf32, #tpu.memory_space<vmem>>
    %dma_wait3A_318 = arith.constant 0 : i32
    %dma_wait3A_319 = arith.constant 0 : i32
    %dma_wait3A_320 = tpu.memref_slice %arg3[%dma_wait3A_318, %dma_wait3A_319] : memref<32x1000000xf32, #tpu.memory_space<hbm>> -> memref<32x128xf32, #tpu.memory_space<hbm>>
    tpu.wait_dma2 semaphore(%arg11 : memref<!tpu.dma_semaphore, #tpu.memory_space<semaphore_mem>>) src(%dma_wait3A_320 : memref<32x128xf32, #tpu.memory_space<hbm>>) dst(%dma_wait3A_317 : memref<32x128xf32, #tpu.memory_space<vmem>>)
    %dma_wait3A_321 = arith.constant 1 : i32
    %dma_wait3A_322 = arith.constant 0 : i32
    %dma_wait3A_323 = arith.constant 0 : i32
    %dma_wait3A_324 = tpu.memref_slice %arg8[%dma_wait3A_321, %dma_wait3A_322, %dma_wait3A_323] : memref<8x32x128xf32, #tpu.memory_space<vmem>> -> memref<1x32x128xf32, #tpu.memory_space<vmem>>
    %dma_wait3A_325 = tpu.memref_squeeze %dma_wait3A_324 : memref<1x32x128xf32, #tpu.memory_space<vmem>> -> memref<32x128xf32, #tpu.memory_space<vmem>>
    %dma_wait3A_326 = arith.constant 0 : i32
    %dma_wait3A_327 = arith.constant 0 : i32
    %dma_wait3A_328 = tpu.memref_slice %arg4[%dma_wait3A_326, %dma_wait3A_327] : memref<32x1000000xf32, #tpu.memory_space<hbm>> -> memref<32x128xf32, #tpu.memory_space<hbm>>
    %dma_wait3A_329 = arith.constant 0 : i32
    %dma_wait3A_330 = arith.constant 0 : i32
    %dma_wait3A_331 = tpu.memref_slice %arg8[%dma_wait3A_321, %dma_wait3A_329, %dma_wait3A_330] : memref<8x32x128xf32, #tpu.memory_space<vmem>> -> memref<1x32x128xf32, #tpu.memory_space<vmem>>
    %dma_wait3A_332 = tpu.memref_squeeze %dma_wait3A_331 : memref<1x32x128xf32, #tpu.memory_space<vmem>> -> memref<32x128xf32, #tpu.memory_space<vmem>>
    %dma_wait3A_333 = arith.constant 0 : i32
    %dma_wait3A_334 = arith.constant 0 : i32
    %dma_wait3A_335 = tpu.memref_slice %arg4[%dma_wait3A_333, %dma_wait3A_334] : memref<32x1000000xf32, #tpu.memory_space<hbm>> -> memref<32x128xf32, #tpu.memory_space<hbm>>
    tpu.wait_dma2 semaphore(%arg11 : memref<!tpu.dma_semaphore, #tpu.memory_space<semaphore_mem>>) src(%dma_wait3A_335 : memref<32x128xf32, #tpu.memory_space<hbm>>) dst(%dma_wait3A_332 : memref<32x128xf32, #tpu.memory_space<vmem>>)
    %dma_wait3A_336 = arith.constant 2 : i32
    %dma_wait3A_337 = arith.constant 0 : i32
    %dma_wait3A_338 = arith.constant 0 : i32
    %dma_wait3A_339 = tpu.memref_slice %arg7[%dma_wait3A_336, %dma_wait3A_337, %dma_wait3A_338] : memref<8x32x128xf32, #tpu.memory_space<vmem>> -> memref<1x32x128xf32, #tpu.memory_space<vmem>>
    %dma_wait3A_340 = tpu.memref_squeeze %dma_wait3A_339 : memref<1x32x128xf32, #tpu.memory_space<vmem>> -> memref<32x128xf32, #tpu.memory_space<vmem>>
    %dma_wait3A_341 = arith.constant 0 : i32
    %dma_wait3A_342 = arith.constant 0 : i32
    %dma_wait3A_343 = tpu.memref_slice %arg3[%dma_wait3A_341, %dma_wait3A_342] : memref<32x1000000xf32, #tpu.memory_space<hbm>> -> memref<32x128xf32, #tpu.memory_space<hbm>>
    %dma_wait3A_344 = arith.constant 0 : i32
    %dma_wait3A_345 = arith.constant 0 : i32
    %dma_wait3A_346 = tpu.memref_slice %arg7[%dma_wait3A_336, %dma_wait3A_344, %dma_wait3A_345] : memref<8x32x128xf32, #tpu.memory_space<vmem>> -> memref<1x32x128xf32, #tpu.memory_space<vmem>>
    %dma_wait3A_347 = tpu.memref_squeeze %dma_wait3A_346 : memref<1x32x128xf32, #tpu.memory_space<vmem>> -> memref<32x128xf32, #tpu.memory_space<vmem>>
    %dma_wait3A_348 = arith.constant 0 : i32
    %dma_wait3A_349 = arith.constant 0 : i32
    %dma_wait3A_350 = tpu.memref_slice %arg3[%dma_wait3A_348, %dma_wait3A_349] : memref<32x1000000xf32, #tpu.memory_space<hbm>> -> memref<32x128xf32, #tpu.memory_space<hbm>>
    tpu.wait_dma2 semaphore(%arg12 : memref<!tpu.dma_semaphore, #tpu.memory_space<semaphore_mem>>) src(%dma_wait3A_350 : memref<32x128xf32, #tpu.memory_space<hbm>>) dst(%dma_wait3A_347 : memref<32x128xf32, #tpu.memory_space<vmem>>)
    %dma_wait3A_351 = arith.constant 2 : i32
    %dma_wait3A_352 = arith.constant 0 : i32
    %dma_wait3A_353 = arith.constant 0 : i32
    %dma_wait3A_354 = tpu.memref_slice %arg8[%dma_wait3A_351, %dma_wait3A_352, %dma_wait3A_353] : memref<8x32x128xf32, #tpu.memory_space<vmem>> -> memref<1x32x128xf32, #tpu.memory_space<vmem>>
    %dma_wait3A_355 = tpu.memref_squeeze %dma_wait3A_354 : memref<1x32x128xf32, #tpu.memory_space<vmem>> -> memref<32x128xf32, #tpu.memory_space<vmem>>
    %dma_wait3A_356 = arith.constant 0 : i32
    %dma_wait3A_357 = arith.constant 0 : i32
    %dma_wait3A_358 = tpu.memref_slice %arg4[%dma_wait3A_356, %dma_wait3A_357] : memref<32x1000000xf32, #tpu.memory_space<hbm>> -> memref<32x128xf32, #tpu.memory_space<hbm>>
    %dma_wait3A_359 = arith.constant 0 : i32
    %dma_wait3A_360 = arith.constant 0 : i32
    %dma_wait3A_361 = tpu.memref_slice %arg8[%dma_wait3A_351, %dma_wait3A_359, %dma_wait3A_360] : memref<8x32x128xf32, #tpu.memory_space<vmem>> -> memref<1x32x128xf32, #tpu.memory_space<vmem>>
    %dma_wait3A_362 = tpu.memref_squeeze %dma_wait3A_361 : memref<1x32x128xf32, #tpu.memory_space<vmem>> -> memref<32x128xf32, #tpu.memory_space<vmem>>
    %dma_wait3A_363 = arith.constant 0 : i32
    %dma_wait3A_364 = arith.constant 0 : i32
    %dma_wait3A_365 = tpu.memref_slice %arg4[%dma_wait3A_363, %dma_wait3A_364] : memref<32x1000000xf32, #tpu.memory_space<hbm>> -> memref<32x128xf32, #tpu.memory_space<hbm>>
    tpu.wait_dma2 semaphore(%arg12 : memref<!tpu.dma_semaphore, #tpu.memory_space<semaphore_mem>>) src(%dma_wait3A_365 : memref<32x128xf32, #tpu.memory_space<hbm>>) dst(%dma_wait3A_362 : memref<32x128xf32, #tpu.memory_space<vmem>>)
    %dma_wait3A_366 = arith.constant 3 : i32
    %dma_wait3A_367 = arith.constant 0 : i32
    %dma_wait3A_368 = arith.constant 0 : i32
    %dma_wait3A_369 = tpu.memref_slice %arg7[%dma_wait3A_366, %dma_wait3A_367, %dma_wait3A_368] : memref<8x32x128xf32, #tpu.memory_space<vmem>> -> memref<1x32x128xf32, #tpu.memory_space<vmem>>
    %dma_wait3A_370 = tpu.memref_squeeze %dma_wait3A_369 : memref<1x32x128xf32, #tpu.memory_space<vmem>> -> memref<32x128xf32, #tpu.memory_space<vmem>>
    %dma_wait3A_371 = arith.constant 0 : i32
    %dma_wait3A_372 = arith.constant 0 : i32
    %dma_wait3A_373 = tpu.memref_slice %arg3[%dma_wait3A_371, %dma_wait3A_372] : memref<32x1000000xf32, #tpu.memory_space<hbm>> -> memref<32x128xf32, #tpu.memory_space<hbm>>
    %dma_wait3A_374 = arith.constant 0 : i32
    %dma_wait3A_375 = arith.constant 0 : i32
    %dma_wait3A_376 = tpu.memref_slice %arg7[%dma_wait3A_366, %dma_wait3A_374, %dma_wait3A_375] : memref<8x32x128xf32, #tpu.memory_space<vmem>> -> memref<1x32x128xf32, #tpu.memory_space<vmem>>
    %dma_wait3A_377 = tpu.memref_squeeze %dma_wait3A_376 : memref<1x32x128xf32, #tpu.memory_space<vmem>> -> memref<32x128xf32, #tpu.memory_space<vmem>>
    %dma_wait3A_378 = arith.constant 0 : i32
    %dma_wait3A_379 = arith.constant 0 : i32
    %dma_wait3A_380 = tpu.memref_slice %arg3[%dma_wait3A_378, %dma_wait3A_379] : memref<32x1000000xf32, #tpu.memory_space<hbm>> -> memref<32x128xf32, #tpu.memory_space<hbm>>
    tpu.wait_dma2 semaphore(%arg13 : memref<!tpu.dma_semaphore, #tpu.memory_space<semaphore_mem>>) src(%dma_wait3A_380 : memref<32x128xf32, #tpu.memory_space<hbm>>) dst(%dma_wait3A_377 : memref<32x128xf32, #tpu.memory_space<vmem>>)
    %dma_wait3A_381 = arith.constant 3 : i32
    %dma_wait3A_382 = arith.constant 0 : i32
    %dma_wait3A_383 = arith.constant 0 : i32
    %dma_wait3A_384 = tpu.memref_slice %arg8[%dma_wait3A_381, %dma_wait3A_382, %dma_wait3A_383] : memref<8x32x128xf32, #tpu.memory_space<vmem>> -> memref<1x32x128xf32, #tpu.memory_space<vmem>>
    %dma_wait3A_385 = tpu.memref_squeeze %dma_wait3A_384 : memref<1x32x128xf32, #tpu.memory_space<vmem>> -> memref<32x128xf32, #tpu.memory_space<vmem>>
    %dma_wait3A_386 = arith.constant 0 : i32
    %dma_wait3A_387 = arith.constant 0 : i32
    %dma_wait3A_388 = tpu.memref_slice %arg4[%dma_wait3A_386, %dma_wait3A_387] : memref<32x1000000xf32, #tpu.memory_space<hbm>> -> memref<32x128xf32, #tpu.memory_space<hbm>>
    %dma_wait3A_389 = arith.constant 0 : i32
    %dma_wait3A_390 = arith.constant 0 : i32
    %dma_wait3A_391 = tpu.memref_slice %arg8[%dma_wait3A_381, %dma_wait3A_389, %dma_wait3A_390] : memref<8x32x128xf32, #tpu.memory_space<vmem>> -> memref<1x32x128xf32, #tpu.memory_space<vmem>>
    %dma_wait3A_392 = tpu.memref_squeeze %dma_wait3A_391 : memref<1x32x128xf32, #tpu.memory_space<vmem>> -> memref<32x128xf32, #tpu.memory_space<vmem>>
    %dma_wait3A_393 = arith.constant 0 : i32
    %dma_wait3A_394 = arith.constant 0 : i32
    %dma_wait3A_395 = tpu.memref_slice %arg4[%dma_wait3A_393, %dma_wait3A_394] : memref<32x1000000xf32, #tpu.memory_space<hbm>> -> memref<32x128xf32, #tpu.memory_space<hbm>>
    tpu.wait_dma2 semaphore(%arg13 : memref<!tpu.dma_semaphore, #tpu.memory_space<semaphore_mem>>) src(%dma_wait3A_395 : memref<32x128xf32, #tpu.memory_space<hbm>>) dst(%dma_wait3A_392 : memref<32x128xf32, #tpu.memory_space<vmem>>)
    %dma_wait3A_396 = arith.constant 4 : i32
    %dma_wait3A_397 = arith.constant 0 : i32
    %dma_wait3A_398 = arith.constant 0 : i32
    %dma_wait3A_399 = tpu.memref_slice %arg7[%dma_wait3A_396, %dma_wait3A_397, %dma_wait3A_398] : memref<8x32x128xf32, #tpu.memory_space<vmem>> -> memref<1x32x128xf32, #tpu.memory_space<vmem>>
    %dma_wait3A_400 = tpu.memref_squeeze %dma_wait3A_399 : memref<1x32x128xf32, #tpu.memory_space<vmem>> -> memref<32x128xf32, #tpu.memory_space<vmem>>
    %dma_wait3A_401 = arith.constant 0 : i32
    %dma_wait3A_402 = arith.constant 0 : i32
    %dma_wait3A_403 = tpu.memref_slice %arg3[%dma_wait3A_401, %dma_wait3A_402] : memref<32x1000000xf32, #tpu.memory_space<hbm>> -> memref<32x128xf32, #tpu.memory_space<hbm>>
    %dma_wait3A_404 = arith.constant 0 : i32
    %dma_wait3A_405 = arith.constant 0 : i32
    %dma_wait3A_406 = tpu.memref_slice %arg7[%dma_wait3A_396, %dma_wait3A_404, %dma_wait3A_405] : memref<8x32x128xf32, #tpu.memory_space<vmem>> -> memref<1x32x128xf32, #tpu.memory_space<vmem>>
    %dma_wait3A_407 = tpu.memref_squeeze %dma_wait3A_406 : memref<1x32x128xf32, #tpu.memory_space<vmem>> -> memref<32x128xf32, #tpu.memory_space<vmem>>
    %dma_wait3A_408 = arith.constant 0 : i32
    %dma_wait3A_409 = arith.constant 0 : i32
    %dma_wait3A_410 = tpu.memref_slice %arg3[%dma_wait3A_408, %dma_wait3A_409] : memref<32x1000000xf32, #tpu.memory_space<hbm>> -> memref<32x128xf32, #tpu.memory_space<hbm>>
    tpu.wait_dma2 semaphore(%arg14 : memref<!tpu.dma_semaphore, #tpu.memory_space<semaphore_mem>>) src(%dma_wait3A_410 : memref<32x128xf32, #tpu.memory_space<hbm>>) dst(%dma_wait3A_407 : memref<32x128xf32, #tpu.memory_space<vmem>>)
    %dma_wait3A_411 = arith.constant 4 : i32
    %dma_wait3A_412 = arith.constant 0 : i32
    %dma_wait3A_413 = arith.constant 0 : i32
    %dma_wait3A_414 = tpu.memref_slice %arg8[%dma_wait3A_411, %dma_wait3A_412, %dma_wait3A_413] : memref<8x32x128xf32, #tpu.memory_space<vmem>> -> memref<1x32x128xf32, #tpu.memory_space<vmem>>
    %dma_wait3A_415 = tpu.memref_squeeze %dma_wait3A_414 : memref<1x32x128xf32, #tpu.memory_space<vmem>> -> memref<32x128xf32, #tpu.memory_space<vmem>>
    %dma_wait3A_416 = arith.constant 0 : i32
    %dma_wait3A_417 = arith.constant 0 : i32
    %dma_wait3A_418 = tpu.memref_slice %arg4[%dma_wait3A_416, %dma_wait3A_417] : memref<32x1000000xf32, #tpu.memory_space<hbm>> -> memref<32x128xf32, #tpu.memory_space<hbm>>
    %dma_wait3A_419 = arith.constant 0 : i32
    %dma_wait3A_420 = arith.constant 0 : i32
    %dma_wait3A_421 = tpu.memref_slice %arg8[%dma_wait3A_411, %dma_wait3A_419, %dma_wait3A_420] : memref<8x32x128xf32, #tpu.memory_space<vmem>> -> memref<1x32x128xf32, #tpu.memory_space<vmem>>
    %dma_wait3A_422 = tpu.memref_squeeze %dma_wait3A_421 : memref<1x32x128xf32, #tpu.memory_space<vmem>> -> memref<32x128xf32, #tpu.memory_space<vmem>>
    %dma_wait3A_423 = arith.constant 0 : i32
    %dma_wait3A_424 = arith.constant 0 : i32
    %dma_wait3A_425 = tpu.memref_slice %arg4[%dma_wait3A_423, %dma_wait3A_424] : memref<32x1000000xf32, #tpu.memory_space<hbm>> -> memref<32x128xf32, #tpu.memory_space<hbm>>
    tpu.wait_dma2 semaphore(%arg14 : memref<!tpu.dma_semaphore, #tpu.memory_space<semaphore_mem>>) src(%dma_wait3A_425 : memref<32x128xf32, #tpu.memory_space<hbm>>) dst(%dma_wait3A_422 : memref<32x128xf32, #tpu.memory_space<vmem>>)
    %dma_wait3A_426 = arith.constant 5 : i32
    %dma_wait3A_427 = arith.constant 0 : i32
    %dma_wait3A_428 = arith.constant 0 : i32
    %dma_wait3A_429 = tpu.memref_slice %arg7[%dma_wait3A_426, %dma_wait3A_427, %dma_wait3A_428] : memref<8x32x128xf32, #tpu.memory_space<vmem>> -> memref<1x32x128xf32, #tpu.memory_space<vmem>>
    %dma_wait3A_430 = tpu.memref_squeeze %dma_wait3A_429 : memref<1x32x128xf32, #tpu.memory_space<vmem>> -> memref<32x128xf32, #tpu.memory_space<vmem>>
    %dma_wait3A_431 = arith.constant 0 : i32
    %dma_wait3A_432 = arith.constant 0 : i32
    %dma_wait3A_433 = tpu.memref_slice %arg3[%dma_wait3A_431, %dma_wait3A_432] : memref<32x1000000xf32, #tpu.memory_space<hbm>> -> memref<32x128xf32, #tpu.memory_space<hbm>>
    %dma_wait3A_434 = arith.constant 0 : i32
    %dma_wait3A_435 = arith.constant 0 : i32
    %dma_wait3A_436 = tpu.memref_slice %arg7[%dma_wait3A_426, %dma_wait3A_434, %dma_wait3A_435] : memref<8x32x128xf32, #tpu.memory_space<vmem>> -> memref<1x32x128xf32, #tpu.memory_space<vmem>>
    %dma_wait3A_437 = tpu.memref_squeeze %dma_wait3A_436 : memref<1x32x128xf32, #tpu.memory_space<vmem>> -> memref<32x128xf32, #tpu.memory_space<vmem>>
    %dma_wait3A_438 = arith.constant 0 : i32
    %dma_wait3A_439 = arith.constant 0 : i32
    %dma_wait3A_440 = tpu.memref_slice %arg3[%dma_wait3A_438, %dma_wait3A_439] : memref<32x1000000xf32, #tpu.memory_space<hbm>> -> memref<32x128xf32, #tpu.memory_space<hbm>>
    tpu.wait_dma2 semaphore(%arg15 : memref<!tpu.dma_semaphore, #tpu.memory_space<semaphore_mem>>) src(%dma_wait3A_440 : memref<32x128xf32, #tpu.memory_space<hbm>>) dst(%dma_wait3A_437 : memref<32x128xf32, #tpu.memory_space<vmem>>)
    %dma_wait3A_441 = arith.constant 5 : i32
    %dma_wait3A_442 = arith.constant 0 : i32
    %dma_wait3A_443 = arith.constant 0 : i32
    %dma_wait3A_444 = tpu.memref_slice %arg8[%dma_wait3A_441, %dma_wait3A_442, %dma_wait3A_443] : memref<8x32x128xf32, #tpu.memory_space<vmem>> -> memref<1x32x128xf32, #tpu.memory_space<vmem>>
    %dma_wait3A_445 = tpu.memref_squeeze %dma_wait3A_444 : memref<1x32x128xf32, #tpu.memory_space<vmem>> -> memref<32x128xf32, #tpu.memory_space<vmem>>
    %dma_wait3A_446 = arith.constant 0 : i32
    %dma_wait3A_447 = arith.constant 0 : i32
    %dma_wait3A_448 = tpu.memref_slice %arg4[%dma_wait3A_446, %dma_wait3A_447] : memref<32x1000000xf32, #tpu.memory_space<hbm>> -> memref<32x128xf32, #tpu.memory_space<hbm>>
    %dma_wait3A_449 = arith.constant 0 : i32
    %dma_wait3A_450 = arith.constant 0 : i32
    %dma_wait3A_451 = tpu.memref_slice %arg8[%dma_wait3A_441, %dma_wait3A_449, %dma_wait3A_450] : memref<8x32x128xf32, #tpu.memory_space<vmem>> -> memref<1x32x128xf32, #tpu.memory_space<vmem>>
    %dma_wait3A_452 = tpu.memref_squeeze %dma_wait3A_451 : memref<1x32x128xf32, #tpu.memory_space<vmem>> -> memref<32x128xf32, #tpu.memory_space<vmem>>
    %dma_wait3A_453 = arith.constant 0 : i32
    %dma_wait3A_454 = arith.constant 0 : i32
    %dma_wait3A_455 = tpu.memref_slice %arg4[%dma_wait3A_453, %dma_wait3A_454] : memref<32x1000000xf32, #tpu.memory_space<hbm>> -> memref<32x128xf32, #tpu.memory_space<hbm>>
    tpu.wait_dma2 semaphore(%arg15 : memref<!tpu.dma_semaphore, #tpu.memory_space<semaphore_mem>>) src(%dma_wait3A_455 : memref<32x128xf32, #tpu.memory_space<hbm>>) dst(%dma_wait3A_452 : memref<32x128xf32, #tpu.memory_space<vmem>>)
    %dma_wait3A_456 = arith.constant 6 : i32
    %dma_wait3A_457 = arith.constant 0 : i32
    %dma_wait3A_458 = arith.constant 0 : i32
    %dma_wait3A_459 = tpu.memref_slice %arg7[%dma_wait3A_456, %dma_wait3A_457, %dma_wait3A_458] : memref<8x32x128xf32, #tpu.memory_space<vmem>> -> memref<1x32x128xf32, #tpu.memory_space<vmem>>
    %dma_wait3A_460 = tpu.memref_squeeze %dma_wait3A_459 : memref<1x32x128xf32, #tpu.memory_space<vmem>> -> memref<32x128xf32, #tpu.memory_space<vmem>>
    %dma_wait3A_461 = arith.constant 0 : i32
    %dma_wait3A_462 = arith.constant 0 : i32
    %dma_wait3A_463 = tpu.memref_slice %arg3[%dma_wait3A_461, %dma_wait3A_462] : memref<32x1000000xf32, #tpu.memory_space<hbm>> -> memref<32x128xf32, #tpu.memory_space<hbm>>
    %dma_wait3A_464 = arith.constant 0 : i32
    %dma_wait3A_465 = arith.constant 0 : i32
    %dma_wait3A_466 = tpu.memref_slice %arg7[%dma_wait3A_456, %dma_wait3A_464, %dma_wait3A_465] : memref<8x32x128xf32, #tpu.memory_space<vmem>> -> memref<1x32x128xf32, #tpu.memory_space<vmem>>
    %dma_wait3A_467 = tpu.memref_squeeze %dma_wait3A_466 : memref<1x32x128xf32, #tpu.memory_space<vmem>> -> memref<32x128xf32, #tpu.memory_space<vmem>>
    %dma_wait3A_468 = arith.constant 0 : i32
    %dma_wait3A_469 = arith.constant 0 : i32
    %dma_wait3A_470 = tpu.memref_slice %arg3[%dma_wait3A_468, %dma_wait3A_469] : memref<32x1000000xf32, #tpu.memory_space<hbm>> -> memref<32x128xf32, #tpu.memory_space<hbm>>
    tpu.wait_dma2 semaphore(%arg16 : memref<!tpu.dma_semaphore, #tpu.memory_space<semaphore_mem>>) src(%dma_wait3A_470 : memref<32x128xf32, #tpu.memory_space<hbm>>) dst(%dma_wait3A_467 : memref<32x128xf32, #tpu.memory_space<vmem>>)
    %dma_wait3A_471 = arith.constant 6 : i32
    %dma_wait3A_472 = arith.constant 0 : i32
    %dma_wait3A_473 = arith.constant 0 : i32
    %dma_wait3A_474 = tpu.memref_slice %arg8[%dma_wait3A_471, %dma_wait3A_472, %dma_wait3A_473] : memref<8x32x128xf32, #tpu.memory_space<vmem>> -> memref<1x32x128xf32, #tpu.memory_space<vmem>>
    %dma_wait3A_475 = tpu.memref_squeeze %dma_wait3A_474 : memref<1x32x128xf32, #tpu.memory_space<vmem>> -> memref<32x128xf32, #tpu.memory_space<vmem>>
    %dma_wait3A_476 = arith.constant 0 : i32
    %dma_wait3A_477 = arith.constant 0 : i32
    %dma_wait3A_478 = tpu.memref_slice %arg4[%dma_wait3A_476, %dma_wait3A_477] : memref<32x1000000xf32, #tpu.memory_space<hbm>> -> memref<32x128xf32, #tpu.memory_space<hbm>>
    %dma_wait3A_479 = arith.constant 0 : i32
    %dma_wait3A_480 = arith.constant 0 : i32
    %dma_wait3A_481 = tpu.memref_slice %arg8[%dma_wait3A_471, %dma_wait3A_479, %dma_wait3A_480] : memref<8x32x128xf32, #tpu.memory_space<vmem>> -> memref<1x32x128xf32, #tpu.memory_space<vmem>>
    %dma_wait3A_482 = tpu.memref_squeeze %dma_wait3A_481 : memref<1x32x128xf32, #tpu.memory_space<vmem>> -> memref<32x128xf32, #tpu.memory_space<vmem>>
    %dma_wait3A_483 = arith.constant 0 : i32
    %dma_wait3A_484 = arith.constant 0 : i32
    %dma_wait3A_485 = tpu.memref_slice %arg4[%dma_wait3A_483, %dma_wait3A_484] : memref<32x1000000xf32, #tpu.memory_space<hbm>> -> memref<32x128xf32, #tpu.memory_space<hbm>>
    tpu.wait_dma2 semaphore(%arg16 : memref<!tpu.dma_semaphore, #tpu.memory_space<semaphore_mem>>) src(%dma_wait3A_485 : memref<32x128xf32, #tpu.memory_space<hbm>>) dst(%dma_wait3A_482 : memref<32x128xf32, #tpu.memory_space<vmem>>)
    %dma_wait3A_486 = arith.constant 7 : i32
    %dma_wait3A_487 = arith.constant 0 : i32
    %dma_wait3A_488 = arith.constant 0 : i32
    %dma_wait3A_489 = tpu.memref_slice %arg7[%dma_wait3A_486, %dma_wait3A_487, %dma_wait3A_488] : memref<8x32x128xf32, #tpu.memory_space<vmem>> -> memref<1x32x128xf32, #tpu.memory_space<vmem>>
    %dma_wait3A_490 = tpu.memref_squeeze %dma_wait3A_489 : memref<1x32x128xf32, #tpu.memory_space<vmem>> -> memref<32x128xf32, #tpu.memory_space<vmem>>
    %dma_wait3A_491 = arith.constant 0 : i32
    %dma_wait3A_492 = arith.constant 0 : i32
    %dma_wait3A_493 = tpu.memref_slice %arg3[%dma_wait3A_491, %dma_wait3A_492] : memref<32x1000000xf32, #tpu.memory_space<hbm>> -> memref<32x128xf32, #tpu.memory_space<hbm>>
    %dma_wait3A_494 = arith.constant 0 : i32
    %dma_wait3A_495 = arith.constant 0 : i32
    %dma_wait3A_496 = tpu.memref_slice %arg7[%dma_wait3A_486, %dma_wait3A_494, %dma_wait3A_495] : memref<8x32x128xf32, #tpu.memory_space<vmem>> -> memref<1x32x128xf32, #tpu.memory_space<vmem>>
    %dma_wait3A_497 = tpu.memref_squeeze %dma_wait3A_496 : memref<1x32x128xf32, #tpu.memory_space<vmem>> -> memref<32x128xf32, #tpu.memory_space<vmem>>
    %dma_wait3A_498 = arith.constant 0 : i32
    %dma_wait3A_499 = arith.constant 0 : i32
    %dma_wait3A_500 = tpu.memref_slice %arg3[%dma_wait3A_498, %dma_wait3A_499] : memref<32x1000000xf32, #tpu.memory_space<hbm>> -> memref<32x128xf32, #tpu.memory_space<hbm>>
    tpu.wait_dma2 semaphore(%arg17 : memref<!tpu.dma_semaphore, #tpu.memory_space<semaphore_mem>>) src(%dma_wait3A_500 : memref<32x128xf32, #tpu.memory_space<hbm>>) dst(%dma_wait3A_497 : memref<32x128xf32, #tpu.memory_space<vmem>>)
    %dma_wait3A_501 = arith.constant 7 : i32
    %dma_wait3A_502 = arith.constant 0 : i32
    %dma_wait3A_503 = arith.constant 0 : i32
    %dma_wait3A_504 = tpu.memref_slice %arg8[%dma_wait3A_501, %dma_wait3A_502, %dma_wait3A_503] : memref<8x32x128xf32, #tpu.memory_space<vmem>> -> memref<1x32x128xf32, #tpu.memory_space<vmem>>
    %dma_wait3A_505 = tpu.memref_squeeze %dma_wait3A_504 : memref<1x32x128xf32, #tpu.memory_space<vmem>> -> memref<32x128xf32, #tpu.memory_space<vmem>>
    %dma_wait3A_506 = arith.constant 0 : i32
    %dma_wait3A_507 = arith.constant 0 : i32
    %dma_wait3A_508 = tpu.memref_slice %arg4[%dma_wait3A_506, %dma_wait3A_507] : memref<32x1000000xf32, #tpu.memory_space<hbm>> -> memref<32x128xf32, #tpu.memory_space<hbm>>
    %dma_wait3A_509 = arith.constant 0 : i32
    %dma_wait3A_510 = arith.constant 0 : i32
    %dma_wait3A_511 = tpu.memref_slice %arg8[%dma_wait3A_501, %dma_wait3A_509, %dma_wait3A_510] : memref<8x32x128xf32, #tpu.memory_space<vmem>> -> memref<1x32x128xf32, #tpu.memory_space<vmem>>
    %dma_wait3A_512 = tpu.memref_squeeze %dma_wait3A_511 : memref<1x32x128xf32, #tpu.memory_space<vmem>> -> memref<32x128xf32, #tpu.memory_space<vmem>>
    %dma_wait3A_513 = arith.constant 0 : i32
    %dma_wait3A_514 = arith.constant 0 : i32
    %dma_wait3A_515 = tpu.memref_slice %arg4[%dma_wait3A_513, %dma_wait3A_514] : memref<32x1000000xf32, #tpu.memory_space<hbm>> -> memref<32x128xf32, #tpu.memory_space<hbm>>
    tpu.wait_dma2 semaphore(%arg17 : memref<!tpu.dma_semaphore, #tpu.memory_space<semaphore_mem>>) src(%dma_wait3A_515 : memref<32x128xf32, #tpu.memory_space<hbm>>) dst(%dma_wait3A_512 : memref<32x128xf32, #tpu.memory_space<vmem>>)
    "tpu.region"() ({
      %run_scoped3A = tpu.sem_alloc : memref<!tpu.dma_semaphore, #tpu.memory_space<semaphore_mem>>
      %dma_start3A_516 = tpu.memref_slice %arg5[%mul3A_2] : memref<16384xf32, #tpu.memory_space<hbm>> -> memref<512xf32, #tpu.memory_space<hbm>>
      %dma_start3A_517 = tpu.memref_slice %arg5[%mul3A_2] : memref<16384xf32, #tpu.memory_space<hbm>> -> memref<512xf32, #tpu.memory_space<hbm>>
      tpu.enqueue_dma source(%arg9 : memref<512xf32, #tpu.memory_space<vmem>>) target(%dma_start3A_517 : memref<512xf32, #tpu.memory_space<hbm>>) target_semaphore(%run_scoped3A : memref<!tpu.dma_semaphore, #tpu.memory_space<semaphore_mem>>)
      %dma_wait3A_518 = tpu.memref_slice %arg5[%mul3A_2] : memref<16384xf32, #tpu.memory_space<hbm>> -> memref<512xf32, #tpu.memory_space<hbm>>
      %dma_wait3A_519 = tpu.memref_slice %arg5[%mul3A_2] : memref<16384xf32, #tpu.memory_space<hbm>> -> memref<512xf32, #tpu.memory_space<hbm>>
      tpu.wait_dma2 semaphore(%run_scoped3A : memref<!tpu.dma_semaphore, #tpu.memory_space<semaphore_mem>>) src(%arg9 : memref<512xf32, #tpu.memory_space<vmem>>) dst(%dma_wait3A_519 : memref<512xf32, #tpu.memory_space<hbm>>)
      tpu.yield
    }) : () -> ()
    return
  }
}

</mosaic_0001>

<sc_bundles>
// kernel: kernel.3.cloned.1.call-start
scs
__scs_entry_jumppad:
0x0: {  	(pc) =	sbr.rel $0x88, $3  }
0x1: {  	(tag) =	ssettag $0x0;
	lr =	simm.s32 $0x1  }
0x2: {  	[smem:$0x3F9E] =	sst lr;
	_ =	strace $0xD0000000  }
0x3: {  	_ = 	snop  }
0x4: {  	_ = 	snop  }
0x5: {  	_ = 	snop  }
0x6: {  	_ = 	snop  }
0x7: {  	_ = 	snop  }
__scs_overlays_trampoline_lowered:
0x8: {  	[smem:$0x3FAD] =	sst s0  }
0x9: {  	[smem:$0x3FAE] =	sst s1  }
0xa: {  	[smem:$0x3FAF] =	sst s2  }
0xb: {  	[smem:$0x3FB0] =	sst s3  }
0xc: {  	[smem:$0x3FB1] =	sst s4  }
0xd: {  	[smem:$0x3FB2] =	sst s5  }
0xe: {  	[smem:$0x3FB3] =	sst s6  }
0xf: {  	[smem:$0x3FB4] =	sst s7  }
0x10: {  	[smem:$0x3FB5] =	sst s8  }
0x11: {  	[smem:$0x3FB6] =	sst s9;
	s0 =	simm.s32 @!p0 $0x0  }
0x12: {  	s1 =	sld [smem:$0x3F9C];
	s0 =	simm.s32 @p0 $0x1  }
0x13: {  	[smem:$0x3FB7] =	sst s0;
	s0 =	simm.s32 @!p1 $0x0  }
0x14: {  	s2 =	sld [smem:$0x3F9B];
	s0 =	simm.s32 @p1 $0x1  }
0x15: {  	[smem:$0x3FB8] =	sst s0;
	s0 =	simm.s32 @!p2 $0x0  }
0x16: {  	s3 =	sld [smem:$0x3FDB];
	s0 =	simm.s32 @p2 $0x1  }
0x17: {  	s4 =	simm.s32 $0x1BF5;
	[smem:$0x3FBA] =	sst s0  }
0x18: {  	s0 =	sld [smem:$0x3F9D];
	_ =	swait.ge [sflag:s4], $0x0  }
0x19: {  	s7 =	sld [smem:$0x3F9E]  }
0x1a: {  	s8 =	sadd.s32 $0xFFFFE003, lr  }
0x1b: {  	s9 =	sadd.s32 $0xFFFFFEF7, lr;
	s5 =	simm.s32 $0xFFFFFFFF;
	p2 =	slt.u32 s8, $0xFFFFF086  }
0x1c: {  	p1 =	slt.u32 s9, $0xF7A;
	s5 =	simm.s32 @!p2 $0x0  }
0x1d: {  	s5 =	simm.s32 @p1 $0x1;
	p0 =	seq.s32 s7, s2  }
0x1e: {  	s7 =	smul.u32 @!p0 $0xF7A, s2;
	p2 =	seq.s32 @!p0 s5, $0x0  }
0x1f: {  	s9 =	smul.u32 $0xF7A, s1;
	s8 =	simm.s32 @!p0 $0x1BF5;
	p2 =	por !p2, p0  }
0x20: {  	[sflag:s8] =	ssyncset.s32 @!p0 $0xFFFFF086;
	s6 =	sadd.s32 @!p0 s3, s7;
	s7 =	simm.s32 @!p0 $0x108  }
0x21: {  	s3 =	sadd.s32 s3, s9;
	s6 =	sadd.s32 @!p0 $0x88, s6;
	s7 =	simm.s32 @p2 $0x1082  }
0x22: {  	[simem:s7], [sflag:s8] =	dma.local @!p0 [hbm:s6], $0xF7A  }
0x23: {  	s9 =	sor.u32 $0xD0000000, s2;
	s6 =	simm.s32 $0x108;
	_ =	swait.ge @!p0 [sflag:s8], $0x0  }
0x24: {  	s3 =	sadd.s32 $0x88, s3;
	s6 =	simm.s32 @!p1 $0x1082;
	[sflag:s4] =	ssyncset.s32 $0xFFFFF086  }
0x25: {  	[simem:s6], [sflag:s4] =	dma.local [hbm:s3], $0xF7A  }
0x26: {  	[smem:$0x3F9E] =	sst s1;
	(tag) =	ssettag s2;
	_ =	strace s9  }
0x27: {  	s1 =	sld [smem:$0x3FAE]  }
0x28: {  	s2 =	sld [smem:$0x3FAF]  }
0x29: {  	s4 =	sld [smem:$0x3FB1]  }
0x2a: {  	p0 =	seq.s32 s5, $0x0;
	s5 =	sld [smem:$0x3FB2]  }
0x2b: {  	s6 =	sld [smem:$0x3FB3]  }
0x2c: {  	s7 =	sld [smem:$0x3FB4]  }
0x2d: {  	s3 =	simm.s32 $0x108;
	s8 =	sld [smem:$0x3FB5]  }
0x2e: {  	s3 =	simm.s32 @!p0 $0x1082;
	s9 =	sld [smem:$0x3FB6]  }
0x2f: {  	lr =	sadd.s32 s0, s3;
	s0 =	sld [smem:$0x3FAD]  }
0x30: {  	s3 =	sld [smem:$0x3FB0]  }
0x31: {  	[smem:$0x3FB9] =	sst s10  }
0x32: {  	s10 =	sld [smem:$0x3FB7];
	_ =	sdelay $0x3  }
0x33: {  	p0 =	seq.s32 s10, $0x1;
	s10 =	sld [smem:$0x3FB9];
	_ =	sdelay $0x3  }
0x34: {  	[smem:$0x3FB9] =	sst s10  }
0x35: {  	s10 =	sld [smem:$0x3FB8];
	_ =	sdelay $0x3  }
0x36: {  	p1 =	seq.s32 s10, $0x1;
	s10 =	sld [smem:$0x3FB9];
	_ =	sdelay $0x3  }
0x37: {  	[smem:$0x3FB9] =	sst s10  }
0x38: {  	s10 =	sld [smem:$0x3FBA]  }
0x39: {  	_ = 	snop;
	(pc) =	sbr.ind lr, $3  }
0x3a: {  	_ = 	snop  }
0x3b: {  	_ = 	snop  }
0x3c: {  	p2 =	seq.s32 s10, $0x1;
	s10 =	sld [smem:$0x3FB9]  }
0x3d: {  	_ =	shalt  }
0x3e: {  	_ =	shalt  }
0x3f: {  	_ =	shalt  }
0x40: {  	_ =	shalt  }
0x41: {  	_ =	shalt  }
0x42: {  	_ =	shalt  }
0x43: {  	_ =	shalt  }
0x44: {  	_ =	shalt  }
0x45: {  	_ =	shalt  }
0x46: {  	_ =	shalt  }
0x47: {  	_ =	shalt  }
0x48: {  	_ =	shalt  }
0x49: {  	_ =	shalt  }
0x4a: {  	_ =	shalt  }
0x4b: {  	_ =	shalt  }
0x4c: {  	_ =	shalt  }
0x4d: {  	_ =	shalt  }
0x4e: {  	_ =	shalt  }
0x4f: {  	_ =	shalt  }
0x50: {  	_ =	shalt  }
0x51: {  	_ =	shalt  }
0x52: {  	_ =	shalt  }
0x53: {  	_ =	shalt  }
0x54: {  	_ =	shalt  }
0x55: {  	_ =	shalt  }
0x56: {  	_ =	shalt  }
0x57: {  	_ =	shalt  }
0x58: {  	_ =	shalt  }
0x59: {  	_ =	shalt  }
0x5a: {  	_ =	shalt  }
0x5b: {  	_ =	shalt  }
0x5c: {  	_ =	shalt  }
0x5d: {  	_ =	shalt  }
0x5e: {  	_ =	shalt  }
0x5f: {  	_ =	shalt  }
0x60: {  	_ =	shalt  }
0x61: {  	_ =	shalt  }
0x62: {  	_ =	shalt  }
0x63: {  	_ =	shalt  }
0x64: {  	_ =	shalt  }
0x65: {  	_ =	shalt  }
0x66: {  	_ =	shalt  }
0x67: {  	_ =	shalt  }
0x68: {  	_ =	shalt  }
0x69: {  	_ =	shalt  }
0x6a: {  	_ =	shalt  }
0x6b: {  	_ =	shalt  }
0x6c: {  	_ =	shalt  }
0x6d: {  	_ =	shalt  }
0x6e: {  	_ =	shalt  }
0x6f: {  	_ =	shalt  }
0x70: {  	_ =	shalt  }
0x71: {  	_ =	shalt  }
0x72: {  	_ =	shalt  }
0x73: {  	_ =	shalt  }
0x74: {  	_ =	shalt  }
0x75: {  	_ =	shalt  }
0x76: {  	_ =	shalt  }
0x77: {  	_ =	shalt  }
0x78: {  	_ =	shalt  }
0x79: {  	_ =	shalt  }
0x7a: {  	_ =	shalt  }
0x7b: {  	_ =	shalt  }
0x7c: {  	_ =	shalt  }
0x7d: {  	_ =	shalt  }
0x7e: {  	_ =	shalt  }
0x7f: {  	_ =	shalt  }
0x80: {  	_ =	shalt  }
0x81: {  	_ =	shalt  }
0x82: {  	_ =	shalt  }
0x83: {  	_ =	shalt  }
0x84: {  	_ =	shalt  }
0x85: {  	_ =	shalt  }
0x86: {  	_ =	shalt  }
0x87: {  	_ =	shalt  }
.Lfunc_end0:
.L_simem_size_0:
called_computation_lowered:
.L_overlay_start_0:
0x88: {  	s2 =	sld [smem:$0x3FD9]  }
0x89: {  	s3 =	sld [smem:$0x3FFE];
	_ =	sdelay $0x1  }
0x8a: {  	s1 =	srdreg.scid  }
0x8b: {  	s0 =	sand.u32 $0x1, s1  }
0x8c: {  	s18 =	sshll.u32 s0, $0xA;
	s2 =	sadd.s32 s3, s2  }
0x8d: {  	s2 =	sadd.s32 s2, s18  }
0x8e: {  	[smem:$0x3FC5] =	sst s2  }
0x8f: {  	_ = 	snop  }
0x90: {  	s2 =	sld [smem:$0x3FC9]  }
0x91: {  	s19 =	sld [smem:$0x3FC8]  }
0x92: {  	s4 =	sld [smem:$0x3FC7]  }
0x93: {  	s5 =	sld [smem:$0x3FD0];
	(tm) =	ssettm $0x1  }
0x94: {  	s6 =	sld [smem:$0x3FFB];
	_ =	sdelay $0x3  }
0x95: {  	_ =	strace s6  }
0x96: {  	s6 =	sld [smem:$0x3FFC];
	_ =	sdelay $0x3  }
0x97: {  	_ =	strace s6  }
0x98: {  	s6 =	sld [smem:$0x3FFD];
	_ =	sdelay $0x3  }
0x99: {  	_ =	strace s6  }
0x9a: {  	_ =	strace $0x8FFFFFFF  }
0x9b: {  	s20 =	sld [smem:$0x3FDB];
	_ =	sdelay $0x1  }
0x9c: {  	s7 =	simm.s32 $_scs_section_size  }
0x9d: {  	s8 =	simm.s32 $_size__tile_overlayer_lowered;
	s9 =	simm.s32 $_tile_overlayer_lowered  }
0x9e: {  	s23 =	simm.s32 $0x1BFF;
	s22 =	sshll.u32 s9, $0x1;
	s6 =	sadd.s32 s7, s20  }
0x9f: {  	s10 =	simm.s32 $0x0;
	s21 =	sshll.u32 s8, $0x1;
	s8 =	sadd.s32 s22, s6  }
0xa0: {  	[timem:s10], [sflag:s23] =	dma.local [hbm:s8], s21  }
0xa1: {  	_ =	swait.ge [sflag:s23], s21  }
0xa2: {  	s7 =	ssub.s32 $0x0, s21;
	[sflag:s23] =	ssyncset.done $0x0  }
0xa3: {  	[sflag:s23] =	ssyncadd.s32 s7;
	_ =	sdelay $0x1  }
0xa4: {  	s24 =	simm.s32 $0x1B8B  }
0xa5: {  	_ =	swait.ge [sflag:s24], $0x1  }
0xa6: {  	[sflag:s24] =	ssyncset.done $0x0  }
0xa7: {  	s25 =	simm.s32 $0x1B8E;
	[sflag:s24] =	ssyncadd.s32 $0xFFFFFFFF  }
0xa8: {  	s26 =	simm.s32 $execute0_lowered;
	[smem:$0x3FD2] =	sst s25  }
0xa9: {  	s7 =	sshll.u32 s26, $0x1;
	_ =	strace $0x80000046;
	[dreg:$0x1] =	wrdreg $0xFFFFFFFF  }
0xaa: {  	s28 =	simm.s32 $_size_execute0_lowered;
	s6 =	sadd.s32 s6, s7;
	[dreg:$0x0] =	wrdreg $0x0  }
0xab: {  	s7 =	sshll.u32 s28, $0x1;
	[dreg:$0x2] =	wrdreg s6  }
0xac: {  	[dreg:$0x3] =	wrdreg s7  }
0xad: {  	[dreg:$0x4] =	wrdreg $0xC0  }
0xae: {  	_ =	task [dreg:s10], $0x5FFFF  }
0xaf: {  	[dreg:$0x1] =	wrdreg $0xFFFFFFFF  }
0xb0: {  	[dreg:$0x0] =	wrdreg $0x60  }
0xb1: {  	[dreg:$0x2] =	wrdreg s2  }
0xb2: {  	[dreg:$0x3] =	wrdreg s19  }
0xb3: {  	[dreg:$0x4] =	wrdreg s4  }
0xb4: {  	[dreg:$0x5] =	wrdreg s5  }
0xb5: {  	[dreg:$0x6] =	wrdreg $0x9  }
0xb6: {  	_ =	task.clear_ibuf [dreg:s10], $0x7FFFF;
	_ =	strace $0x90000046  }
0xb7: {  	s29 =	simm.s32 $0x9;
	_ =	strace $0x80000048  }
0xb8: {  	_ =	swait.ge [sflag:s29], $0x1  }
0xb9: {  	[sflag:s29] =	ssyncadd.s32 $0xFFFFFFFF  }
0xba: {  	_ =	strace $0x90000048  }
0xbb: {  	_ =	sfence  }
0xbc: {  	s30 =	sld [smem:$0x0];
	_ =	sdelay $0x2  }
0xbd: {  	s31 =	sshll.u32 s1, $0xD;
	s1 =	sshrl.u32 s1, $0x2  }
0xbe: {  	s3 =	sand.u32 $0x4000, s31;
	s1 =	sadd.s32 s1, s30  }
0xbf: {  	s0 =	sor.u32 s3, s0;
	s1 =	sshll.u32 s1, $0x11  }
0xc0: {  	s0 =	sor.u32 s1, s0  }
0xc1: {  	s0 =	sadd.s32 $0x8F2B, s0  }
0xc2: {  	[sflag:s0] =	ssyncadd.remote.s32 $0x1  }
0xc3: {  	_ =	sfence.sel $0xFFFF  }
0xc4: {  	[dreg:$0x0] =	wrdreg $0xFFFFFFFF;
	(pc) =	sbr.abs _section_cstart, $3  }
0xc5: {  	[dreg:$0x1] =	wrdreg $0xFFFFFFFF  }
0xc6: {  	_ =	task.clear_ibuf [dreg:s10], $0x2FFFF;
	_ =	strace $0x9FFFFFFF  }
0xc7: {  	(tm) =	ssettm $0x7FFFFFFF  }
tec
execute0_lowered:
.L_overlay_start_1:
0x0: {  	(tag) =	ssettag $0x1  }
0x1: {  	s0 =	rddreg [dreg:$0x0]  }
0x2: {  	s3 =	rddreg [dreg:$0x1]  }
0x3: {  	s12 =	rddreg [dreg:$0x2]  }
0x4: {  	s2 =	rddreg [dreg:$0x3]  }
0x5: {  	s4 =	srdreg.scid;
	s1 =	stileid.u32  }
0x6: {  	s8 =	simm.s32 $0x0;
	s9 =	simm.s32 $0x7A1400;
	s10 =	simm.s32 $0x400  }
0x7: {  	s11 =	simm.s32 $0x8400;
	s13 =	simm.s32 $0x1400;
	s14 =	simm.s32 $0xA400  }
0x8: {  	s15 =	simm.s32 $0x3400;
	s16 =	simm.s32 $0xB400;
	s17 =	simm.s32 $0x4400  }
0x9: {  	s18 =	simm.s32 $0xC400;
	s19 =	simm.s32 $0x5400;
	s20 =	simm.s32 $0xD400  }
0xa: {  	v0 =	vlaneseq.u32;
	vm0 =	vmmov $0x1;
	s21 =	simm.s32 $0x6400;
	s22 =	simm.s32 $0xE400;
	s23 =	simm.s32 $0x7400  }
0xb: {  	vm1 =	vmmov $0x3;
	vm2 =	vmmov $0x7;
	vm3 =	vmmov $0xf;
	s28 =	simm.s32 $0x2;
	s29 =	simm.s32 $0x3;
	s30 =	simm.s32 $0x4  }
0xc: {  	vm4 =	vmmov $0x1f;
	vm5 =	vmmov $0x3f;
	vm6 =	vmmov $0x7f;
	s31 =	simm.s32 $0x5;
	s4 =	sand.u32 $0x1, s4;
	s5 =	sshll.u32 s1, $0xA  }
0xd: {  	vm7 =	vmmov $0xff;
	vm8 =	vmmov $0x1ff;
	vm9 =	vmmov $0x3ff;
	[smem:$0x7FF] =	sst s8;
	s6 =	sshll.u32 s4, $0x9;
	s4 =	ssub.s32 $0x2, s4  }
0xe: {  	vm10 =	vmmov $0x7ff;
	vm11 =	vmmov $0xfff;
	v0 =	vmul.u32 $0x80, v0;
	_ =	strace $0x80000047;
	s5 =	sor.u32 s6, s5;
	s24 =	sshrl.u32 s4, $0x1  }
0xf: {  	vm12 =	vmmov $0x1fff;
	vm13 =	vmmov $0x3fff;
	vm14 =	vmmov $0x7fff;
	s6 =	simm.s32 $0x9400;
	s7 =	sshrl.u32 s5, $0x2;
	s4 =	ssub.s32 s4, s24  }
0x10: {  	v1 =	vor.u32 $0x800, v0;
	v2 =	vor.u32 $0x1000, v0;
	v3 =	vor.u32 $0x1800, v0;
	s25 =	sshrl.u32 s5, $0x3;
	s5 =	simm.s32 $0x9;
	s24 =	simm.s32 $0xF400  }
0x11: {  	v4 =	vor.u32 $0x2000, v0;
	v5 =	vor.u32 $0x2800, v0;
	v6 =	vor.u32 $0x3000, v0;
	s0 =	sadd.s32 s0, s7;
	s26 =	smax.u32 s4, $0x1;
	s7 =	simm.s32 $0x2400  }
0x12: {  	v7 =	vor.u32 $0x3800, v0;
	v8 =	vor.u32 $0x4000, v0;
	v9 =	vor.u32 $0x4800, v0;
	s4 =	simm.s32 $0x8;
	[dreg:$0x5] =	wrdreg s0;
	s0 =	sadd.s32 s2, s25  }
0x13: {  	v10 =	vor.u32 $0x5000, v0;
	v11 =	vor.u32 $0x5800, v0;
	v12 =	vor.u32 $0x6000, v0;
	[dreg:$0x7] =	wrdreg s26;
	s26 =	simm.s32 $0x1;
	s2 =	simm.s32 $0x7  }
0x14: {  	v13 =	vor.u32 $0x6800, v0;
	v14 =	vor.u32 $0x7000, v0;
	v15 =	vor.u32 $0x7800, v0;
	s25 =	simm.s32 $0x0;
	[dreg:$0x6] =	wrdreg s0;
	s0 =	simm.s32 $0x6  }
.LBB2_1:
0x15: {  	[dreg:$0x8] =	wrdreg s25  }
0x16: {  	s1 =	rddreg [dreg:$0x5]  }
0x17: {  	[tilespmem:s8], [sflag:$0x9] =	stream.linear.gather [hbm4b:s1+s8], $0x400, $0x38;
	[tilespmem:$0x10600] =	vst v63  }
0x18: {  	_ =	swait.ge [sflag:s5], $0x400  }
0x19: {  	[sflag:s5] =	ssyncset.done $0x0  }
0x1a: {  	[sflag:s5] =	ssyncadd.s32 $0xFFFFFC00  }
0x1b: {  	v16 =	vld [tilespmem:$0x0];
	_ =	sdelay $0x1  }
0x1c: {  	v17 =	vld [tilespmem:$0x80];
	_ =	sdelay $0x2  }
0x1d: {  	v16 =	vand.u32 $0xFFFFFF80, v16  }
0x1e: {  	v16 =	vadd.s32 s3, v16  }
0x1f: {  	v17 =	vand.u32 $0xFFFFFF80, v17;
	(v2sf) =	vpush v16, $0x0  }
0x20: {  	v17 =	vadd.s32 s12, v17  }
0x21: {  	(v2sf) =	vpush v17, $0x0;
	_ =	sdelay $0x1  }
0x22: {  	(v2sf) =	vpush v16, $0x1;
	_ =	sdelay $0x1  }
0x23: {  	(v2sf) =	vpush v17, $0x1;
	_ =	sdelay $0x1  }
0x24: {  	(v2sf) =	vpush v16, $0x2;
	_ =	sdelay $0x1  }
0x25: {  	(v2sf) =	vpush v17, $0x2;
	_ =	sdelay $0x1  }
0x26: {  	(v2sf) =	vpush v16, $0x3;
	_ =	sdelay $0x1  }
0x27: {  	(v2sf) =	vpush v17, $0x3  }
0x28: {  	s1 =	spop (v2sf)  }
0x29: {  	(v2sf) =	vpush v16, $0x4;
	[tilespmem:s10], [sflag:$0x1] =	stream.strided.gather [hbm4b:s1+s10], $0x1000, s9, s10, $0x38;
	[tilespmem:$0x10600] =	vst v63  }
0x2a: {  	s8 =	spop (v2sf)  }
0x2b: {  	(v2sf) =	vpush v17, $0x4;
	[tilespmem:s11], [sflag:$0x1] =	stream.strided.gather [hbm4b:s8+s10], $0x1000, s9, s10, $0x38;
	[tilespmem:$0x10600] =	vst v63  }
0x2c: {  	s25 =	spop (v2sf)  }
0x2d: {  	(v2sf) =	vpush v16, $0x5;
	[tilespmem:s13], [sflag:$0x2] =	stream.strided.gather [hbm4b:s25+s10], $0x1000, s9, s10, $0x38;
	[tilespmem:$0x10600] =	vst v63  }
0x2e: {  	s1 =	spop (v2sf)  }
0x2f: {  	(v2sf) =	vpush v17, $0x5;
	[tilespmem:s6], [sflag:$0x2] =	stream.strided.gather [hbm4b:s1+s10], $0x1000, s9, s10, $0x38;
	[tilespmem:$0x10600] =	vst v63  }
0x30: {  	s8 =	spop (v2sf)  }
0x31: {  	(v2sf) =	vpush v16, $0x6;
	[tilespmem:s7], [sflag:$0x3] =	stream.strided.gather [hbm4b:s8+s10], $0x1000, s9, s10, $0x38;
	[tilespmem:$0x10600] =	vst v63  }
0x32: {  	s13 =	spop (v2sf)  }
0x33: {  	(v2sf) =	vpush v17, $0x6;
	[tilespmem:s14], [sflag:$0x3] =	stream.strided.gather [hbm4b:s13+s10], $0x1000, s9, s10, $0x38;
	[tilespmem:$0x10600] =	vst v63  }
0x34: {  	s14 =	spop (v2sf)  }
0x35: {  	(v2sf) =	vpush v16, $0x7;
	[tilespmem:s15], [sflag:$0x4] =	stream.strided.gather [hbm4b:s14+s10], $0x1000, s9, s10, $0x38;
	[tilespmem:$0x10600] =	vst v63  }
0x36: {  	s15 =	spop (v2sf)  }
0x37: {  	(v2sf) =	vpush v17, $0x7;
	[tilespmem:s16], [sflag:$0x4] =	stream.strided.gather [hbm4b:s15+s10], $0x1000, s9, s10, $0x38;
	[tilespmem:$0x10600] =	vst v63  }
0x38: {  	s16 =	spop (v2sf)  }
0x39: {  	[tilespmem:s17], [sflag:$0x5] =	stream.strided.gather [hbm4b:s16+s10], $0x1000, s9, s10, $0x38;
	[tilespmem:$0x10600] =	vst v63  }
0x3a: {  	s17 =	spop (v2sf)  }
0x3b: {  	[tilespmem:s18], [sflag:$0x5] =	stream.strided.gather [hbm4b:s17+s10], $0x1000, s9, s10, $0x38;
	[tilespmem:$0x10600] =	vst v63  }
0x3c: {  	s18 =	spop (v2sf)  }
0x3d: {  	[tilespmem:s19], [sflag:$0x6] =	stream.strided.gather [hbm4b:s18+s10], $0x1000, s9, s10, $0x38;
	[tilespmem:$0x10600] =	vst v63  }
0x3e: {  	s19 =	spop (v2sf)  }
0x3f: {  	[tilespmem:s20], [sflag:$0x6] =	stream.strided.gather [hbm4b:s19+s10], $0x1000, s9, s10, $0x38;
	[tilespmem:$0x10600] =	vst v63  }
0x40: {  	s20 =	spop (v2sf)  }
0x41: {  	[tilespmem:s21], [sflag:$0x7] =	stream.strided.gather [hbm4b:s20+s10], $0x1000, s9, s10, $0x38;
	[tilespmem:$0x10600] =	vst v63  }
0x42: {  	s21 =	spop (v2sf)  }
0x43: {  	[tilespmem:s22], [sflag:$0x7] =	stream.strided.gather [hbm4b:s21+s10], $0x1000, s9, s10, $0x38;
	[tilespmem:$0x10600] =	vst v63  }
0x44: {  	s6 =	simm.s32 $0x10400;
	s22 =	spop (v2sf)  }
0x45: {  	[tilespmem:s23], [sflag:$0x8] =	stream.strided.gather [hbm4b:s22+s10], $0x1000, s9, s10, $0x38;
	[tilespmem:$0x10600] =	vst v63  }
0x46: {  	s7 =	simm.s32 $0x0;
	s8 =	simm.s32 $0x0;
	s25 =	spop (v2sf)  }
0x47: {  	[tilespmem:s24], [sflag:$0x8] =	stream.strided.gather [hbm4b:s25+s10], $0x1000, s9, s10, $0x38;
	[tilespmem:$0x10600] =	vst v63  }
.LBB2_2:
0x48: {  	s5 =	sand.u32 $0x70, s8;
	s1 =	sand.u32 $0x300, s7  }
0x49: {  	s1 =	sor.u32 s5, s1  }
0x4a: {  	v18 =	vld [tilespmem:s1+$0x0];
	_ =	sdelay $0x1  }
0x4b: {  	v19 =	vld [tilespmem:s1+$0x80]  }
0x4c: {  	s7 =	sadd.s32 $0x20, s7;
	s5 =	sadd.s32 $0x10, s8  }
0x4d: {  	s17 =	sand.u32 $0x300, s7;
	s15 =	sand.u32 $0x70, s5  }
0x4e: {  	s1 =	sor.u32 s15, s17;
	v16 =	vand.u32 $0x7F, v18  }
0x4f: {  	v26 =	vld [tilespmem:s1+$0x0];
	v20 =	vbroadcast v16, $0x0  }
0x50: {  	v25 =	vld [tilespmem:s1+$0x80];
	_ =	swait.ge [sflag:s26], $0x1000;
	v17 =	vand.u32 $0x7F, v19  }
0x51: {  	[sflag:s26] =	ssyncset.done $0x0;
	v21 =	vbroadcast v17, $0x0;
	v22 =	vor.u32 v0, v20  }
0x52: {  	[sflag:s26] =	ssyncadd.s32 $0xFFFFF000;
	v20 =	vor.u32 v1, v20  }
0x53: {  	_ =	swait.ge [sflag:s26], $0x1000;
	v23 =	vor.u32 v0, v21  }
0x54: {  	[sflag:s26] =	ssyncset.done $0x0;
	v21 =	vor.u32 v1, v21  }
0x55: {  	[sflag:s26] =	ssyncadd.s32 $0xFFFFF000  }
0x56: {  	v22 =	vld.idx.msk [tilespmem:v22+s10+$0x0], $0xffff  }
0x57: {  	s16 =	smov.u32 s3;
	v20 =	vld.idx.msk [tilespmem:v20+s10+$0x0], $0xffff  }
0x58: {  	s3 =	smov.u32 s16;
	v18 =	vand.u32 $0xFFFFFF80, v18;
	v23 =	vld.idx.msk [tilespmem:v23+s11+$0x0], $0xffff  }
0x59: {  	s13 =	smov.u32 s12;
	v27 =	vadd.s32 s3, v18;
	v21 =	vld.idx.msk [tilespmem:v21+s11+$0x0], $0xffff  }
0x5a: {  	s12 =	smov.u32 s13;
	v30 =	vand.u32 $0xFFFFFF80, v19;
	(v2sf) =	vpush v27, $0x8  }
0x5b: {  	v28 =	vadd.s32 s12, v30  }
0x5c: {  	(v2sf) =	vpush v28, $0x8;
	_ =	sdelay $0x1  }
0x5d: {  	v31 =	vmul.f32 v23, v22;
	v32 =	vmul.f32 v21, v20;
	_ =	sdelay $0x1  }
0x5e: {  	v18 =	vadd.f32 v32, v31;
	_ =	sdelay $0x1  }
0x5f: {  	(xrf2) =	vadd.scan.msk.f32 $0xffff, v18;
	_ =	sdelay $0x6  }
0x60: {  	s18 =	spop (v2sf)  }
0x61: {  	[tilespmem:s10], [sflag:$0x1] =	stream.strided.gather [hbm4b:s18+s10], $0x1000, s9, s10, $0x38;
	[tilespmem:$0x10600] =	vst v63  }
0x62: {  	s19 =	spop (v2sf)  }
0x63: {  	v33 =	vbroadcast v16, $0x1;
	[tilespmem:s11], [sflag:$0x1] =	stream.strided.gather [hbm4b:s19+s10], $0x1000, s9, s10, $0x38;
	v18, _, _ =	vpop (xrf2);
	[tilespmem:$0x10600] =	vst v63  }
0x64: {  	_ =	swait.ge [sflag:s28], $0x1000  }
0x65: {  	v34 =	vbroadcast v17, $0x1;
	v35 =	vor.u32 v2, v33;
	[sflag:s28] =	ssyncset.done $0x0  }
0x66: {  	v19 =	vor.u32 v3, v33;
	[sflag:s28] =	ssyncadd.s32 $0xFFFFF000  }
0x67: {  	v36 =	vor.u32 v2, v34;
	_ =	swait.ge [sflag:s28], $0x1000  }
0x68: {  	v20 =	vor.u32 v3, v34;
	[sflag:s28] =	ssyncset.done $0x0  }
0x69: {  	[sflag:s28] =	ssyncadd.s32 $0xFFFFF000  }
0x6a: {  	v21 =	vld.idx.msk [tilespmem:v35+s10+$0x0], $0xffff  }
0x6b: {  	v19 =	vld.idx.msk [tilespmem:v19+s10+$0x0], $0xffff  }
0x6c: {  	v22 =	vld.idx.msk [tilespmem:v36+s11+$0x0], $0xffff  }
0x6d: {  	v20 =	vld.idx.msk [tilespmem:v20+s11+$0x0], $0xffff  }
0x6e: {  	(v2sf) =	vpush v27, $0x9;
	_ =	sdelay $0x1  }
0x6f: {  	(v2sf) =	vpush v28, $0x9;
	_ =	sdelay $0x1  }
0x70: {  	v21 =	vmul.f32 v22, v21;
	v19 =	vmul.f32 v20, v19;
	_ =	sdelay $0x1  }
0x71: {  	v19 =	vadd.f32 v19, v21;
	_ =	sdelay $0x1  }
0x72: {  	(xrf2) =	vadd.scan.msk.f32 $0xffff, v19;
	_ =	sdelay $0x6  }
0x73: {  	s13 =	simm.s32 $0x1400;
	s20 =	spop (v2sf)  }
0x74: {  	[tilespmem:s13], [sflag:$0x2] =	stream.strided.gather [hbm4b:s20+s10], $0x1000, s9, s10, $0x38;
	[tilespmem:$0x10600] =	vst v63  }
0x75: {  	s16 =	simm.s32 $0x9400;
	s21 =	spop (v2sf)  }
0x76: {  	v37 =	vbroadcast v16, $0x2;
	[tilespmem:s16], [sflag:$0x2] =	stream.strided.gather [hbm4b:s21+s10], $0x1000, s9, s10, $0x38;
	v19, _, _ =	vpop (xrf2);
	[tilespmem:$0x10600] =	vst v63  }
0x77: {  	_ =	swait.ge [sflag:s29], $0x1000  }
0x78: {  	v38 =	vbroadcast v17, $0x2;
	v39 =	vor.u32 v4, v37;
	[sflag:s29] =	ssyncset.done $0x0  }
0x79: {  	v20 =	vor.u32 v5, v37;
	[sflag:s29] =	ssyncadd.s32 $0xFFFFF000  }
0x7a: {  	v40 =	vor.u32 v4, v38;
	_ =	swait.ge [sflag:s29], $0x1000  }
0x7b: {  	v21 =	vor.u32 v5, v38;
	[sflag:s29] =	ssyncset.done $0x0  }
0x7c: {  	[sflag:s29] =	ssyncadd.s32 $0xFFFFF000  }
0x7d: {  	v22 =	vld.idx.msk [tilespmem:v39+s10+$0x0], $0xffff  }
0x7e: {  	v20 =	vld.idx.msk [tilespmem:v20+s10+$0x0], $0xffff  }
0x7f: {  	v23 =	vld.idx.msk [tilespmem:v40+s11+$0x0], $0xffff  }
0x80: {  	v21 =	vld.idx.msk [tilespmem:v21+s11+$0x0], $0xffff  }
0x81: {  	(v2sf) =	vpush v27, $0xA;
	_ =	sdelay $0x1  }
0x82: {  	(v2sf) =	vpush v28, $0xA;
	_ =	sdelay $0x1  }
0x83: {  	v22 =	vmul.f32 v23, v22;
	v20 =	vmul.f32 v21, v20;
	_ =	sdelay $0x1  }
0x84: {  	v20 =	vadd.f32 v20, v22;
	_ =	sdelay $0x1  }
0x85: {  	(xrf2) =	vadd.scan.msk.f32 $0xffff, v20;
	_ =	sdelay $0x6  }
0x86: {  	s19 =	simm.s32 $0x2400;
	s22 =	spop (v2sf)  }
0x87: {  	[tilespmem:s19], [sflag:$0x3] =	stream.strided.gather [hbm4b:s22+s10], $0x1000, s9, s10, $0x38;
	[tilespmem:$0x10600] =	vst v63  }
0x88: {  	s20 =	simm.s32 $0xA400;
	s23 =	spop (v2sf)  }
0x89: {  	v41 =	vbroadcast v16, $0x3;
	[tilespmem:s20], [sflag:$0x3] =	stream.strided.gather [hbm4b:s23+s10], $0x1000, s9, s10, $0x38;
	v20, _, _ =	vpop (xrf2);
	[tilespmem:$0x10600] =	vst v63  }
0x8a: {  	_ =	swait.ge [sflag:s30], $0x1000  }
0x8b: {  	v42 =	vbroadcast v17, $0x3;
	v43 =	vor.u32 v6, v41;
	[sflag:s30] =	ssyncset.done $0x0  }
0x8c: {  	v21 =	vor.u32 v7, v41;
	[sflag:s30] =	ssyncadd.s32 $0xFFFFF000  }
0x8d: {  	v24 =	vor.u32 v6, v42;
	_ =	swait.ge [sflag:s30], $0x1000  }
0x8e: {  	v22 =	vor.u32 v7, v42;
	[sflag:s30] =	ssyncset.done $0x0  }
0x8f: {  	[sflag:s30] =	ssyncadd.s32 $0xFFFFF000  }
0x90: {  	v23 =	vld.idx.msk [tilespmem:v43+s10+$0x0], $0xffff  }
0x91: {  	v21 =	vld.idx.msk [tilespmem:v21+s10+$0x0], $0xffff  }
0x92: {  	v24 =	vld.idx.msk [tilespmem:v24+s11+$0x0], $0xffff  }
0x93: {  	v22 =	vld.idx.msk [tilespmem:v22+s11+$0x0], $0xffff  }
0x94: {  	(v2sf) =	vpush v27, $0xB;
	_ =	sdelay $0x1  }
0x95: {  	(v2sf) =	vpush v28, $0xB;
	_ =	sdelay $0x1  }
0x96: {  	v23 =	vmul.f32 v24, v23;
	v21 =	vmul.f32 v22, v21;
	_ =	sdelay $0x1  }
0x97: {  	v21 =	vadd.f32 v21, v23;
	_ =	sdelay $0x1  }
0x98: {  	(xrf2) =	vadd.scan.msk.f32 $0xffff, v21;
	_ =	sdelay $0x6  }
0x99: {  	s15 =	simm.s32 $0x3400;
	s24 =	spop (v2sf)  }
0x9a: {  	[tilespmem:s15], [sflag:$0x4] =	stream.strided.gather [hbm4b:s24+s10], $0x1000, s9, s10, $0x38;
	[tilespmem:$0x10600] =	vst v63  }
0x9b: {  	s22 =	simm.s32 $0xB400;
	s25 =	spop (v2sf)  }
0x9c: {  	v44 =	vbroadcast v16, $0x4;
	[tilespmem:s22], [sflag:$0x4] =	stream.strided.gather [hbm4b:s25+s10], $0x1000, s9, s10, $0x38;
	v21, _, _ =	vpop (xrf2);
	[tilespmem:$0x10600] =	vst v63  }
0x9d: {  	_ =	swait.ge [sflag:s31], $0x1000  }
0x9e: {  	v45 =	vbroadcast v17, $0x4;
	v46 =	vor.u32 v8, v44;
	[sflag:s31] =	ssyncset.done $0x0  }
0x9f: {  	v22 =	vor.u32 v9, v44;
	[sflag:s31] =	ssyncadd.s32 $0xFFFFF000  }
0xa0: {  	v29 =	vor.u32 v8, v45;
	_ =	swait.ge [sflag:s31], $0x1000  }
0xa1: {  	v23 =	vor.u32 v9, v45;
	[sflag:s31] =	ssyncset.done $0x0  }
0xa2: {  	[sflag:s31] =	ssyncadd.s32 $0xFFFFF000  }
0xa3: {  	v24 =	vld.idx.msk [tilespmem:v46+s10+$0x0], $0xffff  }
0xa4: {  	v22 =	vld.idx.msk [tilespmem:v22+s10+$0x0], $0xffff  }
0xa5: {  	v29 =	vld.idx.msk [tilespmem:v29+s11+$0x0], $0xffff  }
0xa6: {  	v23 =	vld.idx.msk [tilespmem:v23+s11+$0x0], $0xffff  }
0xa7: {  	(v2sf) =	vpush v27, $0xC;
	_ =	sdelay $0x1  }
0xa8: {  	(v2sf) =	vpush v28, $0xC;
	_ =	sdelay $0x1  }
0xa9: {  	v24 =	vmul.f32 v29, v24;
	v22 =	vmul.f32 v23, v22;
	_ =	sdelay $0x1  }
0xaa: {  	v22 =	vadd.f32 v22, v24;
	_ =	sdelay $0x1  }
0xab: {  	(xrf2) =	vadd.scan.msk.f32 $0xffff, v22;
	_ =	sdelay $0x6  }
0xac: {  	s21 =	simm.s32 $0x4400;
	s14 =	spop (v2sf)  }
0xad: {  	[tilespmem:s21], [sflag:$0x5] =	stream.strided.gather [hbm4b:s14+s10], $0x1000, s9, s10, $0x38;
	[tilespmem:$0x10600] =	vst v63  }
0xae: {  	s24 =	simm.s32 $0xC400;
	s17 =	spop (v2sf)  }
0xaf: {  	v47 =	vbroadcast v16, $0x5;
	[tilespmem:s24], [sflag:$0x5] =	stream.strided.gather [hbm4b:s17+s10], $0x1000, s9, s10, $0x38;
	v22, _, _ =	vpop (xrf2);
	[tilespmem:$0x10600] =	vst v63  }
0xb0: {  	_ =	swait.ge [sflag:s0], $0x1000  }
0xb1: {  	v48 =	vbroadcast v17, $0x5;
	v49 =	vor.u32 v10, v47;
	[sflag:s0] =	ssyncset.done $0x0  }
0xb2: {  	v23 =	vor.u32 v11, v47;
	[sflag:s0] =	ssyncadd.s32 $0xFFFFF000  }
0xb3: {  	v30 =	vor.u32 v10, v48;
	_ =	swait.ge [sflag:s0], $0x1000  }
0xb4: {  	v24 =	vor.u32 v11, v48;
	[sflag:s0] =	ssyncset.done $0x0  }
0xb5: {  	[sflag:s0] =	ssyncadd.s32 $0xFFFFF000  }
0xb6: {  	v29 =	vld.idx.msk [tilespmem:v49+s10+$0x0], $0xffff  }
0xb7: {  	v23 =	vld.idx.msk [tilespmem:v23+s10+$0x0], $0xffff  }
0xb8: {  	v30 =	vld.idx.msk [tilespmem:v30+s11+$0x0], $0xffff  }
0xb9: {  	v24 =	vld.idx.msk [tilespmem:v24+s11+$0x0], $0xffff  }
0xba: {  	(v2sf) =	vpush v27, $0xD;
	_ =	sdelay $0x1  }
0xbb: {  	(v2sf) =	vpush v28, $0xD;
	_ =	sdelay $0x1  }
0xbc: {  	v29 =	vmul.f32 v30, v29;
	v23 =	vmul.f32 v24, v23;
	_ =	sdelay $0x1  }
0xbd: {  	v23 =	vadd.f32 v23, v29;
	_ =	sdelay $0x1  }
0xbe: {  	(xrf2) =	vadd.scan.msk.f32 $0xffff, v23;
	_ =	sdelay $0x6  }
0xbf: {  	s23 =	simm.s32 $0x5400;
	s18 =	spop (v2sf)  }
0xc0: {  	[tilespmem:s23], [sflag:$0x6] =	stream.strided.gather [hbm4b:s18+s10], $0x1000, s9, s10, $0x38;
	[tilespmem:$0x10600] =	vst v63  }
0xc1: {  	s17 =	simm.s32 $0xD400;
	s25 =	spop (v2sf)  }
0xc2: {  	v50 =	vbroadcast v16, $0x6;
	[tilespmem:s17], [sflag:$0x6] =	stream.strided.gather [hbm4b:s25+s10], $0x1000, s9, s10, $0x38;
	v23, _, _ =	vpop (xrf2);
	[tilespmem:$0x10600] =	vst v63  }
0xc3: {  	_ =	swait.ge [sflag:s2], $0x1000  }
0xc4: {  	v51 =	vbroadcast v17, $0x6;
	v52 =	vor.u32 v12, v50;
	[sflag:s2] =	ssyncset.done $0x0  }
0xc5: {  	v24 =	vor.u32 v13, v50;
	[sflag:s2] =	ssyncadd.s32 $0xFFFFF000  }
0xc6: {  	v31 =	vor.u32 v12, v51;
	_ =	swait.ge [sflag:s2], $0x1000  }
0xc7: {  	v29 =	vor.u32 v13, v51;
	[sflag:s2] =	ssyncset.done $0x0  }
0xc8: {  	[sflag:s2] =	ssyncadd.s32 $0xFFFFF000  }
0xc9: {  	v30 =	vld.idx.msk [tilespmem:v52+s10+$0x0], $0xffff  }
0xca: {  	v24 =	vld.idx.msk [tilespmem:v24+s10+$0x0], $0xffff  }
0xcb: {  	v31 =	vld.idx.msk [tilespmem:v31+s11+$0x0], $0xffff  }
0xcc: {  	v29 =	vld.idx.msk [tilespmem:v29+s11+$0x0], $0xffff  }
0xcd: {  	(v2sf) =	vpush v27, $0xE;
	_ =	sdelay $0x1  }
0xce: {  	(v2sf) =	vpush v28, $0xE;
	_ =	sdelay $0x1  }
0xcf: {  	v30 =	vmul.f32 v31, v30;
	v24 =	vmul.f32 v29, v24;
	_ =	sdelay $0x1  }
0xd0: {  	v24 =	vadd.f32 v24, v30;
	_ =	sdelay $0x1  }
0xd1: {  	(xrf2) =	vadd.scan.msk.f32 $0xffff, v24;
	_ =	sdelay $0x6  }
0xd2: {  	s25 =	simm.s32 $0x6400;
	s14 =	spop (v2sf)  }
0xd3: {  	[tilespmem:s25], [sflag:$0x7] =	stream.strided.gather [hbm4b:s14+s10], $0x1000, s9, s10, $0x38;
	[tilespmem:$0x10600] =	vst v63  }
0xd4: {  	s18 =	spop (v2sf);
	s14 =	simm.s32 $0xE400  }
0xd5: {  	v53 =	vbroadcast v16, $0x7;
	[tilespmem:s14], [sflag:$0x7] =	stream.strided.gather [hbm4b:s18+s10], $0x1000, s9, s10, $0x38;
	v24, _, _ =	vpop (xrf2);
	[tilespmem:$0x10600] =	vst v63  }
0xd6: {  	_ =	swait.ge [sflag:s4], $0x1000  }
0xd7: {  	v54 =	vbroadcast v17, $0x7;
	v55 =	vor.u32 v14, v53;
	[sflag:s4] =	ssyncset.done $0x0  }
0xd8: {  	v29 =	vor.u32 v15, v53;
	[sflag:s4] =	ssyncadd.s32 $0xFFFFF000  }
0xd9: {  	v32 =	vor.u32 v14, v54;
	_ =	swait.ge [sflag:s4], $0x1000  }
0xda: {  	v30 =	vor.u32 v15, v54;
	[sflag:s4] =	ssyncset.done $0x0  }
0xdb: {  	[sflag:s4] =	ssyncadd.s32 $0xFFFFF000  }
0xdc: {  	v31 =	vld.idx.msk [tilespmem:v55+s10+$0x0], $0xffff  }
0xdd: {  	v29 =	vld.idx.msk [tilespmem:v29+s10+$0x0], $0xffff  }
0xde: {  	v32 =	vld.idx.msk [tilespmem:v32+s11+$0x0], $0xffff  }
0xdf: {  	v30 =	vld.idx.msk [tilespmem:v30+s11+$0x0], $0xffff  }
0xe0: {  	(v2sf) =	vpush v27, $0xF;
	_ =	sdelay $0x1  }
0xe1: {  	(v2sf) =	vpush v28, $0xF;
	_ =	sdelay $0x1  }
0xe2: {  	v56 =	vmul.f32 v32, v31;
	v57 =	vmul.f32 v30, v29;
	_ =	sdelay $0x1  }
0xe3: {  	v27 =	vadd.f32 v57, v56;
	_ =	sdelay $0x1  }
0xe4: {  	(xrf2) =	vadd.scan.msk.f32 $0xffff, v27;
	_ =	sdelay $0x6  }
0xe5: {  	s18 =	simm.s32 $0x7400;
	s1 =	spop (v2sf)  }
0xe6: {  	[tilespmem:s18], [sflag:$0x8] =	stream.strided.gather [hbm4b:s1+s10], $0x1000, s9, s10, $0x38;
	[tilespmem:$0x10600] =	vst v63  }
0xe7: {  	s1 =	spop (v2sf);
	s18 =	simm.s32 $0xF400  }
0xe8: {  	v58 =	vbroadcast v16, $0x8;
	[tilespmem:s18], [sflag:$0x8] =	stream.strided.gather [hbm4b:s1+s10], $0x1000, s9, s10, $0x38;
	v27, _, _ =	vpop (xrf2);
	[tilespmem:$0x10600] =	vst v63  }
0xe9: {  	_ =	swait.ge [sflag:s26], $0x1000  }
0xea: {  	v59 =	vbroadcast v17, $0x8;
	v60 =	vor.u32 v0, v58;
	[sflag:s26] =	ssyncset.done $0x0  }
0xeb: {  	v28 =	vor.u32 v1, v58;
	[sflag:s26] =	ssyncadd.s32 $0xFFFFF000  }
0xec: {  	v61 =	vor.u32 v0, v59;
	_ =	swait.ge [sflag:s26], $0x1000  }
0xed: {  	v29 =	vor.u32 v1, v59;
	[sflag:s26] =	ssyncset.done $0x0  }
0xee: {  	[sflag:s26] =	ssyncadd.s32 $0xFFFFF000  }
0xef: {  	v30 =	vld.idx.msk [tilespmem:v60+s10+$0x0], $0xffff  }
0xf0: {  	v62 =	vld.idx.msk [tilespmem:v28+s10+$0x0], $0xffff  }
0xf1: {  	v26 =	vand.u32 $0xFFFFFF80, v26;
	v31 =	vld.idx.msk [tilespmem:v61+s11+$0x0], $0xffff  }
0xf2: {  	v26 =	vadd.s32 s3, v26;
	v29 =	vld.idx.msk [tilespmem:v29+s11+$0x0], $0xffff  }
0xf3: {  	v25 =	vand.u32 $0xFFFFFF80, v25;
	(v2sf) =	vpush v26, $0x0  }
0xf4: {  	v63 =	vadd.s32 s12, v25  }
0xf5: {  	(v2sf) =	vpush v63, $0x0;
	_ =	sdelay $0x1  }
0xf6: {  	v34 =	vmul.f32 v31, v30;
	v29 =	vmul.f32 v29, v62;
	_ =	sdelay $0x1  }
0xf7: {  	v25 =	vadd.f32 v29, v34;
	_ =	sdelay $0x1  }
0xf8: {  	(xrf2) =	vadd.scan.msk.f32 $0xffff, v25;
	_ =	sdelay $0x6  }
0xf9: {  	s1 =	spop (v2sf)  }
0xfa: {  	[tilespmem:s10], [sflag:$0x1] =	stream.strided.gather [hbm4b:s1+s10], $0x1000, s9, s10, $0x38;
	[tilespmem:$0x10600] =	vst v63  }
0xfb: {  	s1 =	spop (v2sf)  }
0xfc: {  	v35 =	vbroadcast v16, $0x9;
	[tilespmem:s11], [sflag:$0x1] =	stream.strided.gather [hbm4b:s1+s10], $0x1000, s9, s10, $0x38;
	v25, _, _ =	vpop (xrf2);
	[tilespmem:$0x10600] =	vst v63  }
0xfd: {  	_ =	swait.ge [sflag:s28], $0x1000  }
0xfe: {  	v36 =	vbroadcast v17, $0x9;
	v37 =	vor.u32 v2, v35;
	[sflag:s28] =	ssyncset.done $0x0  }
0xff: {  	v29 =	vor.u32 v3, v35;
	[sflag:s28] =	ssyncadd.s32 $0xFFFFF000  }
0x100: {  	v38 =	vor.u32 v2, v36;
	_ =	swait.ge [sflag:s28], $0x1000  }
0x101: {  	v30 =	vor.u32 v3, v36;
	[sflag:s28] =	ssyncset.done $0x0  }
0x102: {  	[sflag:s28] =	ssyncadd.s32 $0xFFFFF000  }
0x103: {  	v31 =	vld.idx.msk [tilespmem:v37+s10+$0x0], $0xffff  }
0x104: {  	v29 =	vld.idx.msk [tilespmem:v29+s10+$0x0], $0xffff  }
0x105: {  	v32 =	vld.idx.msk [tilespmem:v38+s11+$0x0], $0xffff  }
0x106: {  	v30 =	vld.idx.msk [tilespmem:v30+s11+$0x0], $0xffff  }
0x107: {  	(v2sf) =	vpush v26, $0x1;
	_ =	sdelay $0x1  }
0x108: {  	(v2sf) =	vpush v63, $0x1;
	_ =	sdelay $0x1  }
0x109: {  	v31 =	vmul.f32 v32, v31;
	v29 =	vmul.f32 v30, v29;
	_ =	sdelay $0x1  }
0x10a: {  	v29 =	vadd.f32 v29, v31;
	_ =	sdelay $0x1  }
0x10b: {  	(xrf2) =	vadd.scan.msk.f32 $0xffff, v29;
	_ =	sdelay $0x6  }
0x10c: {  	s1 =	spop (v2sf)  }
0x10d: {  	[tilespmem:s13], [sflag:$0x2] =	stream.strided.gather [hbm4b:s1+s10], $0x1000, s9, s10, $0x38;
	[tilespmem:$0x10600] =	vst v63  }
0x10e: {  	s1 =	spop (v2sf)  }
0x10f: {  	v39 =	vbroadcast v16, $0xA;
	[tilespmem:s16], [sflag:$0x2] =	stream.strided.gather [hbm4b:s1+s10], $0x1000, s9, s10, $0x38;
	v29, _, _ =	vpop (xrf2);
	[tilespmem:$0x10600] =	vst v63  }
0x110: {  	_ =	swait.ge [sflag:s29], $0x1000  }
0x111: {  	v40 =	vbroadcast v17, $0xA;
	v41 =	vor.u32 v4, v39;
	[sflag:s29] =	ssyncset.done $0x0  }
0x112: {  	v30 =	vor.u32 v5, v39;
	[sflag:s29] =	ssyncadd.s32 $0xFFFFF000  }
0x113: {  	v33 =	vor.u32 v4, v40;
	_ =	swait.ge [sflag:s29], $0x1000  }
0x114: {  	v31 =	vor.u32 v5, v40;
	[sflag:s29] =	ssyncset.done $0x0  }
0x115: {  	[sflag:s29] =	ssyncadd.s32 $0xFFFFF000  }
0x116: {  	v32 =	vld.idx.msk [tilespmem:v41+s10+$0x0], $0xffff  }
0x117: {  	v30 =	vld.idx.msk [tilespmem:v30+s10+$0x0], $0xffff  }
0x118: {  	v33 =	vld.idx.msk [tilespmem:v33+s11+$0x0], $0xffff  }
0x119: {  	v31 =	vld.idx.msk [tilespmem:v31+s11+$0x0], $0xffff  }
0x11a: {  	(v2sf) =	vpush v26, $0x2;
	_ =	sdelay $0x1  }
0x11b: {  	(v2sf) =	vpush v63, $0x2;
	_ =	sdelay $0x1  }
0x11c: {  	v32 =	vmul.f32 v33, v32;
	v30 =	vmul.f32 v31, v30;
	_ =	sdelay $0x1  }
0x11d: {  	v30 =	vadd.f32 v30, v32;
	_ =	sdelay $0x1  }
0x11e: {  	(xrf2) =	vadd.scan.msk.f32 $0xffff, v30;
	_ =	sdelay $0x6  }
0x11f: {  	s16 =	spop (v2sf)  }
0x120: {  	[tilespmem:s19], [sflag:$0x3] =	stream.strided.gather [hbm4b:s16+s10], $0x1000, s9, s10, $0x38;
	[tilespmem:$0x10600] =	vst v63  }
0x121: {  	s16 =	spop (v2sf)  }
0x122: {  	v42 =	vbroadcast v16, $0xB;
	[tilespmem:s20], [sflag:$0x3] =	stream.strided.gather [hbm4b:s16+s10], $0x1000, s9, s10, $0x38;
	v30, _, _ =	vpop (xrf2);
	[tilespmem:$0x10600] =	vst v63  }
0x123: {  	_ =	swait.ge [sflag:s30], $0x1000  }
0x124: {  	v43 =	vbroadcast v17, $0xB;
	v44 =	vor.u32 v6, v42;
	[sflag:s30] =	ssyncset.done $0x0  }
0x125: {  	v31 =	vor.u32 v7, v42;
	[sflag:s30] =	ssyncadd.s32 $0xFFFFF000  }
0x126: {  	v34 =	vor.u32 v6, v43;
	_ =	swait.ge [sflag:s30], $0x1000  }
0x127: {  	v32 =	vor.u32 v7, v43;
	[sflag:s30] =	ssyncset.done $0x0  }
0x128: {  	[sflag:s30] =	ssyncadd.s32 $0xFFFFF000  }
0x129: {  	v33 =	vld.idx.msk [tilespmem:v44+s10+$0x0], $0xffff  }
0x12a: {  	v31 =	vld.idx.msk [tilespmem:v31+s10+$0x0], $0xffff  }
0x12b: {  	v34 =	vld.idx.msk [tilespmem:v34+s11+$0x0], $0xffff  }
0x12c: {  	v32 =	vld.idx.msk [tilespmem:v32+s11+$0x0], $0xffff  }
0x12d: {  	(v2sf) =	vpush v26, $0x3;
	_ =	sdelay $0x1  }
0x12e: {  	(v2sf) =	vpush v63, $0x3;
	_ =	sdelay $0x1  }
0x12f: {  	v33 =	vmul.f32 v34, v33;
	v31 =	vmul.f32 v32, v31;
	_ =	sdelay $0x1  }
0x130: {  	v31 =	vadd.f32 v31, v33;
	_ =	sdelay $0x1  }
0x131: {  	(xrf2) =	vadd.scan.msk.f32 $0xffff, v31;
	_ =	sdelay $0x6  }
0x132: {  	s19 =	spop (v2sf)  }
0x133: {  	[tilespmem:s15], [sflag:$0x4] =	stream.strided.gather [hbm4b:s19+s10], $0x1000, s9, s10, $0x38;
	[tilespmem:$0x10600] =	vst v63  }
0x134: {  	s20 =	spop (v2sf)  }
0x135: {  	v45 =	vbroadcast v16, $0xC;
	[tilespmem:s22], [sflag:$0x4] =	stream.strided.gather [hbm4b:s20+s10], $0x1000, s9, s10, $0x38;
	v31, _, _ =	vpop (xrf2);
	[tilespmem:$0x10600] =	vst v63  }
0x136: {  	_ =	swait.ge [sflag:s31], $0x1000  }
0x137: {  	v46 =	vbroadcast v17, $0xC;
	v47 =	vor.u32 v8, v45;
	[sflag:s31] =	ssyncset.done $0x0  }
0x138: {  	v32 =	vor.u32 v9, v45;
	[sflag:s31] =	ssyncadd.s32 $0xFFFFF000  }
0x139: {  	v35 =	vor.u32 v8, v46;
	_ =	swait.ge [sflag:s31], $0x1000  }
0x13a: {  	v33 =	vor.u32 v9, v46;
	[sflag:s31] =	ssyncset.done $0x0  }
0x13b: {  	[sflag:s31] =	ssyncadd.s32 $0xFFFFF000  }
0x13c: {  	v34 =	vld.idx.msk [tilespmem:v47+s10+$0x0], $0xffff  }
0x13d: {  	v32 =	vld.idx.msk [tilespmem:v32+s10+$0x0], $0xffff  }
0x13e: {  	v35 =	vld.idx.msk [tilespmem:v35+s11+$0x0], $0xffff  }
0x13f: {  	v33 =	vld.idx.msk [tilespmem:v33+s11+$0x0], $0xffff  }
0x140: {  	(v2sf) =	vpush v26, $0x4;
	_ =	sdelay $0x1  }
0x141: {  	(v2sf) =	vpush v63, $0x4;
	_ =	sdelay $0x1  }
0x142: {  	v34 =	vmul.f32 v35, v34;
	v32 =	vmul.f32 v33, v32;
	_ =	sdelay $0x1  }
0x143: {  	v32 =	vadd.f32 v32, v34;
	_ =	sdelay $0x1  }
0x144: {  	(xrf2) =	vadd.scan.msk.f32 $0xffff, v32;
	_ =	sdelay $0x6  }
0x145: {  	s15 =	spop (v2sf)  }
0x146: {  	[tilespmem:s21], [sflag:$0x5] =	stream.strided.gather [hbm4b:s15+s10], $0x1000, s9, s10, $0x38;
	[tilespmem:$0x10600] =	vst v63  }
0x147: {  	s16 =	spop (v2sf)  }
0x148: {  	v48 =	vbroadcast v16, $0xD;
	[tilespmem:s24], [sflag:$0x5] =	stream.strided.gather [hbm4b:s16+s10], $0x1000, s9, s10, $0x38;
	v32, _, _ =	vpop (xrf2);
	[tilespmem:$0x10600] =	vst v63  }
0x149: {  	_ =	swait.ge [sflag:s0], $0x1000  }
0x14a: {  	v49 =	vbroadcast v17, $0xD;
	v50 =	vor.u32 v10, v48;
	[sflag:s0] =	ssyncset.done $0x0  }
0x14b: {  	v33 =	vor.u32 v11, v48;
	[sflag:s0] =	ssyncadd.s32 $0xFFFFF000  }
0x14c: {  	v36 =	vor.u32 v10, v49;
	_ =	swait.ge [sflag:s0], $0x1000  }
0x14d: {  	v34 =	vor.u32 v11, v49;
	[sflag:s0] =	ssyncset.done $0x0  }
0x14e: {  	[sflag:s0] =	ssyncadd.s32 $0xFFFFF000  }
0x14f: {  	v35 =	vld.idx.msk [tilespmem:v50+s10+$0x0], $0xffff  }
0x150: {  	v33 =	vld.idx.msk [tilespmem:v33+s10+$0x0], $0xffff  }
0x151: {  	v36 =	vld.idx.msk [tilespmem:v36+s11+$0x0], $0xffff  }
0x152: {  	v34 =	vld.idx.msk [tilespmem:v34+s11+$0x0], $0xffff  }
0x153: {  	(v2sf) =	vpush v26, $0x5;
	_ =	sdelay $0x1  }
0x154: {  	(v2sf) =	vpush v63, $0x5;
	_ =	sdelay $0x1  }
0x155: {  	v35 =	vmul.f32 v36, v35;
	v33 =	vmul.f32 v34, v33;
	_ =	sdelay $0x1  }
0x156: {  	v33 =	vadd.f32 v33, v35;
	_ =	sdelay $0x1  }
0x157: {  	(xrf2) =	vadd.scan.msk.f32 $0xffff, v33;
	_ =	sdelay $0x6  }
0x158: {  	s19 =	spop (v2sf)  }
0x159: {  	[tilespmem:s23], [sflag:$0x6] =	stream.strided.gather [hbm4b:s19+s10], $0x1000, s9, s10, $0x38;
	[tilespmem:$0x10600] =	vst v63  }
0x15a: {  	s20 =	spop (v2sf)  }
0x15b: {  	v51 =	vbroadcast v16, $0xE;
	[tilespmem:s17], [sflag:$0x6] =	stream.strided.gather [hbm4b:s20+s10], $0x1000, s9, s10, $0x38;
	v33, _, _ =	vpop (xrf2);
	[tilespmem:$0x10600] =	vst v63  }
0x15c: {  	_ =	swait.ge [sflag:s2], $0x1000  }
0x15d: {  	v52 =	vbroadcast v17, $0xE;
	v53 =	vor.u32 v12, v51;
	[sflag:s2] =	ssyncset.done $0x0  }
0x15e: {  	v34 =	vor.u32 v13, v51;
	[sflag:s2] =	ssyncadd.s32 $0xFFFFF000  }
0x15f: {  	v37 =	vor.u32 v12, v52;
	_ =	swait.ge [sflag:s2], $0x1000  }
0x160: {  	v35 =	vor.u32 v13, v52;
	[sflag:s2] =	ssyncset.done $0x0  }
0x161: {  	[sflag:s2] =	ssyncadd.s32 $0xFFFFF000  }
0x162: {  	v36 =	vld.idx.msk [tilespmem:v53+s10+$0x0], $0xffff  }
0x163: {  	v34 =	vld.idx.msk [tilespmem:v34+s10+$0x0], $0xffff  }
0x164: {  	v37 =	vld.idx.msk [tilespmem:v37+s11+$0x0], $0xffff  }
0x165: {  	v35 =	vld.idx.msk [tilespmem:v35+s11+$0x0], $0xffff  }
0x166: {  	(v2sf) =	vpush v26, $0x6;
	_ =	sdelay $0x1  }
0x167: {  	(v2sf) =	vpush v63, $0x6;
	_ =	sdelay $0x1  }
0x168: {  	v36 =	vmul.f32 v37, v36;
	v34 =	vmul.f32 v35, v34;
	_ =	sdelay $0x1  }
0x169: {  	v34 =	vadd.f32 v34, v36;
	_ =	sdelay $0x1  }
0x16a: {  	(xrf2) =	vadd.scan.msk.f32 $0xffff, v34;
	_ =	sdelay $0x6  }
0x16b: {  	s21 =	spop (v2sf)  }
0x16c: {  	[tilespmem:s25], [sflag:$0x7] =	stream.strided.gather [hbm4b:s21+s10], $0x1000, s9, s10, $0x38;
	[tilespmem:$0x10600] =	vst v63  }
0x16d: {  	s22 =	spop (v2sf)  }
0x16e: {  	v16 =	vbroadcast v16, $0xF;
	[tilespmem:s14], [sflag:$0x7] =	stream.strided.gather [hbm4b:s22+s10], $0x1000, s9, s10, $0x38;
	v34, _, _ =	vpop (xrf2);
	[tilespmem:$0x10600] =	vst v63  }
0x16f: {  	v17 =	vbroadcast v17, $0xF;
	_ =	swait.ge [sflag:s4], $0x1000  }
0x170: {  	v54 =	vor.u32 v14, v16;
	[sflag:s4] =	ssyncset.done $0x0  }
0x171: {  	v55 =	vor.u32 v14, v17;
	[sflag:s4] =	ssyncadd.s32 $0xFFFFF000  }
0x172: {  	v16 =	vor.u32 v15, v16;
	_ =	swait.ge [sflag:s4], $0x1000  }
0x173: {  	v17 =	vor.u32 v15, v17;
	[sflag:s4] =	ssyncset.done $0x0  }
0x174: {  	[sflag:s4] =	ssyncadd.s32 $0xFFFFF000  }
0x175: {  	v35 =	vld.idx.msk [tilespmem:v54+s10+$0x0], $0xffff  }
0x176: {  	v36 =	vld.idx.msk [tilespmem:v55+s11+$0x0], $0xffff  }
0x177: {  	v16 =	vld.idx.msk [tilespmem:v16+s10+$0x0], $0xffff  }
0x178: {  	v17 =	vld.idx.msk [tilespmem:v17+s11+$0x0], $0xffff;
	_ =	sdelay $0x2  }
0x179: {  	v18 =	vbroadcast v18, $0xF  }
0x17a: {  	v19 =	vbroadcast v19, $0xF;
	(v2sf) =	vpush v26, $0x7;
	v56 =	vmul.f32 v36, v35  }
0x17b: {  	v16 =	vmul.f32 v17, v16;
	v17 =	vbroadcast v20, $0xF  }
0x17c: {  	v18 =	vsel vm0, v18, v19;
	v57 =	vbroadcast v21, $0xF;
	(v2sf) =	vpush v63, $0x7  }
0x17d: {  	v58 =	vbroadcast v22, $0xF;
	v17 =	vsel vm1, v18, v17;
	v16 =	vadd.f32 v16, v56  }
0x17e: {  	v59 =	vbroadcast v23, $0xF;
	v17 =	vsel vm2, v17, v57  }
0x17f: {  	v17 =	vsel vm3, v17, v58;
	(xrf2) =	vadd.scan.msk.f32 $0xffff, v16;
	v16 =	vbroadcast v24, $0xF  }
0x180: {  	v60 =	vbroadcast v27, $0xF;
	v17 =	vsel vm4, v17, v59  }
0x181: {  	v16 =	vsel vm5, v17, v16;
	v17 =	vbroadcast v25, $0xF  }
0x182: {  	v61 =	vbroadcast v29, $0xF;
	v16 =	vsel vm6, v16, v60  }
0x183: {  	v16 =	vsel vm7, v16, v17;
	v17 =	vbroadcast v30, $0xF  }
0x184: {  	v62 =	vbroadcast v31, $0xF;
	v16 =	vsel vm8, v16, v61  }
0x185: {  	v16 =	vsel vm9, v16, v17;
	v17 =	vbroadcast v32, $0xF  }
0x186: {  	v16 =	vsel vm10, v16, v62  }
0x187: {  	v16 =	vsel vm11, v16, v17;
	v17 =	vbroadcast v34, $0xF  }
0x188: {  	p0 =	sne.s32 s8, $0x1F0;
	v63 =	vbroadcast v33, $0xF  }
.Ltmp0:
0x189: {  	s24 =	simm.s32 $0x7400;
	s23 =	spop (v2sf);
	(pc) =	sbr.rel @p0 .LBB2_2-.Ltmp0, $4  }
0x18a: {  	[tilespmem:s24], [sflag:$0x8] =	stream.strided.gather [hbm4b:s23+s10], $0x1000, s9, s10, $0x38;
	v16 =	vsel vm12, v16, v63;
	[tilespmem:$0x10600] =	vst v63  }
0x18b: {  	s18 =	simm.s32 $0xF400;
	s25 =	spop (v2sf);
	v16 =	vsel vm13, v16, v17;
	v17, _, _ =	vpop (xrf2)  }
0x18c: {  	[tilespmem:s18], [sflag:$0x8] =	stream.strided.gather [hbm4b:s25+s10], $0x1000, s9, s10, $0x38;
	v16 =	vsel vm14, v16, v17;
	[tilespmem:$0x10600] =	vst v63  }
0x18d: {  	s8 =	smov.u32 s5;
	[tilespmem:s6+$0x0] =	vst v16;
	s6 =	sadd.s32 $0x10, s6  }
0x18e: {  	_ =	swait.ge [sflag:s26], $0x1000  }
0x18f: {  	[sflag:s26] =	ssyncset.done $0x0  }
0x190: {  	[sflag:s26] =	ssyncadd.s32 $0xFFFFF000  }
0x191: {  	_ =	swait.ge [sflag:s26], $0x1000  }
0x192: {  	[sflag:s26] =	ssyncset.done $0x0  }
0x193: {  	[sflag:s26] =	ssyncadd.s32 $0xFFFFF000  }
0x194: {  	_ =	swait.ge [sflag:s28], $0x1000  }
0x195: {  	[sflag:s28] =	ssyncset.done $0x0  }
0x196: {  	[sflag:s28] =	ssyncadd.s32 $0xFFFFF000  }
0x197: {  	_ =	swait.ge [sflag:s28], $0x1000  }
0x198: {  	[sflag:s28] =	ssyncset.done $0x0  }
0x199: {  	[sflag:s28] =	ssyncadd.s32 $0xFFFFF000  }
0x19a: {  	_ =	swait.ge [sflag:s29], $0x1000  }
0x19b: {  	[sflag:s29] =	ssyncset.done $0x0  }
0x19c: {  	[sflag:s29] =	ssyncadd.s32 $0xFFFFF000  }
0x19d: {  	_ =	swait.ge [sflag:s29], $0x1000  }
0x19e: {  	[sflag:s29] =	ssyncset.done $0x0  }
0x19f: {  	[sflag:s29] =	ssyncadd.s32 $0xFFFFF000  }
0x1a0: {  	_ =	swait.ge [sflag:s30], $0x1000  }
0x1a1: {  	[sflag:s30] =	ssyncset.done $0x0  }
0x1a2: {  	[sflag:s30] =	ssyncadd.s32 $0xFFFFF000  }
0x1a3: {  	_ =	swait.ge [sflag:s30], $0x1000  }
0x1a4: {  	[sflag:s30] =	ssyncset.done $0x0  }
0x1a5: {  	[sflag:s30] =	ssyncadd.s32 $0xFFFFF000  }
0x1a6: {  	_ =	swait.ge [sflag:s31], $0x1000  }
0x1a7: {  	[sflag:s31] =	ssyncset.done $0x0  }
0x1a8: {  	[sflag:s31] =	ssyncadd.s32 $0xFFFFF000  }
0x1a9: {  	_ =	swait.ge [sflag:s31], $0x1000  }
0x1aa: {  	[sflag:s31] =	ssyncset.done $0x0  }
0x1ab: {  	[sflag:s31] =	ssyncadd.s32 $0xFFFFF000  }
0x1ac: {  	_ =	swait.ge [sflag:s0], $0x1000  }
0x1ad: {  	[sflag:s0] =	ssyncset.done $0x0  }
0x1ae: {  	[sflag:s0] =	ssyncadd.s32 $0xFFFFF000  }
0x1af: {  	_ =	swait.ge [sflag:s0], $0x1000  }
0x1b0: {  	[sflag:s0] =	ssyncset.done $0x0  }
0x1b1: {  	[sflag:s0] =	ssyncadd.s32 $0xFFFFF000  }
0x1b2: {  	_ =	swait.ge [sflag:s2], $0x1000  }
0x1b3: {  	[sflag:s2] =	ssyncset.done $0x0  }
0x1b4: {  	[sflag:s2] =	ssyncadd.s32 $0xFFFFF000  }
0x1b5: {  	_ =	swait.ge [sflag:s2], $0x1000  }
0x1b6: {  	[sflag:s2] =	ssyncset.done $0x0  }
0x1b7: {  	[sflag:s2] =	ssyncadd.s32 $0xFFFFF000  }
0x1b8: {  	_ =	swait.ge [sflag:s4], $0x1000  }
0x1b9: {  	[sflag:s4] =	ssyncset.done $0x0  }
0x1ba: {  	[sflag:s4] =	ssyncadd.s32 $0xFFFFF000  }
0x1bb: {  	_ =	swait.ge [sflag:s4], $0x1000  }
0x1bc: {  	s8 =	simm.s32 $0x0;
	[sflag:s4] =	ssyncset.done $0x0  }
0x1bd: {  	s5 =	simm.s32 $0x10400;
	s1 =	rddreg [dreg:$0x6];
	[sflag:s4] =	ssyncadd.s32 $0xFFFFF000  }
0x1be: {  	[hbm4b:s1+s8] =	stream.linear.scatter [tilespmem:s5], [sflag:$0x9], $0x200, $0x38;
	[tilespmem:$0x10600] =	vst v63  }
0x1bf: {  	s5 =	simm.s32 $0x9  }
0x1c0: {  	_ =	swait.ge [sflag:s5], $0x200  }
0x1c1: {  	s25 =	rddreg [dreg:$0x8]  }
0x1c2: {  	s24 =	rddreg [dreg:$0x7];
	s25 =	sadd.s32 $0x1, s25  }
0x1c3: {  	s6 =	simm.s32 $0x9400;
	p0 =	sne.s32 s25, s24  }
.Ltmp1:
0x1c4: {  	s7 =	simm.s32 $0x2400;
	s14 =	simm.s32 $0xA400;
	(pc) =	sbr.rel @p0 .LBB2_1-.Ltmp1, $4  }
0x1c5: {  	s15 =	simm.s32 $0x3400;
	s16 =	simm.s32 $0xB400;
	s17 =	simm.s32 $0x4400  }
0x1c6: {  	s18 =	simm.s32 $0xC400;
	s19 =	simm.s32 $0x5400;
	s20 =	simm.s32 $0xD400  }
0x1c7: {  	s21 =	simm.s32 $0x6400;
	s22 =	simm.s32 $0xE400;
	[sflag:s5] =	ssyncset.done $0x0  }
0x1c8: {  	s23 =	simm.s32 $0x7400;
	[sflag:s5] =	ssyncadd.s32 $0xFFFFFE00;
	s24 =	simm.s32 $0xF400  }
0x1c9: {  	_ =	sfence.sel $0x180000  }
0x1ca: {  	[bflag:$0x0] =	sbarrier.arrive $0xFFFF  }
0x1cb: {  	_ =	strace $0x90000047  }
0x1cc: {  	s0 =	stileid.u32;
	[bflag:$0x2] =	sbarrier.arrive $0xFFFF  }
0x1cd: {  	p0 =	sne.s32 s0, $0x0;
	s0 =	rddreg [dreg:$0x4]  }
0x1ce: {  	s0 =	sadd.s32 @!p0 $0x100000, s0  }
0x1cf: {  	[sflag:s0] =	ssyncadd.tile.s32 @!p0 $0x1;
	_ =	shalt  }
.Lfunc_end2:
_tile_overlayer_lowered:
.L_overlay_start_2:
0x1d0: {  	(tag) =	ssettag $0x2  }
0x1d1: {  	s0 =	rddreg [dreg:$0x0];
	s2 =	stileid.u32  }
0x1d2: {  	s1 =	rddreg [dreg:$0x1];
	p0 =	sne.s32 s2, $0x0  }
0x1d3: {  	s3 =	rddreg [dreg:$0x2];
	[bflag:$0x3] =	sbarrier.arrive $0xFFFF;
	s2 =	simm.s32 @!p0 $0x1C09  }
0x1d4: {  	[timem:s3], [sflag:s2] =	dma.local @!p0 [hbm:s0], s1  }
0x1d5: {  	s0 =	simm.s32 @!p0 $0x9  }
0x1d6: {  	_ =	swait.ge @!p0 [sflag:s0], s1  }
0x1d7: {  	s1 =	ssub.s32 @!p0 $0x0, s1;
	[sflag:s0] =	ssyncset.done @!p0 $0x0  }
0x1d8: {  	[sflag:s0] =	ssyncadd.s32 @!p0 s1  }
0x1d9: {  	[bflag:$0x3] =	sbarrier.arrive $0xFFFF  }
0x1da: {  	_ =	shalt  }

</sc_bundles>
